<compile_context>
chip_gen: v7x
topology: tpu7x:2x2x1
jax: 0.10.2.dev20260603
libtpu: 0.0.44.dev20260713+nightly
codegen_flags: <defaults>
</compile_context>

<pallas_src>
import functools

import jax
import jax.numpy as jnp
from jax import lax
from jax.experimental import pallas as pl
from jax.experimental.pallas import tpu as pltpu
from jax.experimental.pallas import tpu_sc as plsc

NC = 2
NS = 16
L = 16

CHUNK = 80
GROUPS = CHUNK // L


def _mesh():
  return plsc.VectorSubcoreMesh(
      core_axis_name="c", subcore_axis_name="s", num_cores=NC,
      num_subcores=NS)


def _make_deg_kernel(n_pad, e):
  ept = e // NS
  nch = ept // CHUNK
  spt = n_pad // NS

  @functools.partial(
      pl.kernel,
      out_type=jax.ShapeDtypeStruct((n_pad,), jnp.float32),
      mesh=_mesh(),
      scratch_types=[
          pltpu.VMEM((ept,), jnp.int32),
          pltpu.VMEM((ept,), jnp.float32),
          pltpu.VMEM((CHUNK,), jnp.int32),
          pltpu.VMEM((spt,), jnp.float32),
          pltpu.VMEM_SHARED((n_pad,), jnp.float32),
      ],
  )
  def deg_kernel(dst_hbm, ew_hbm, deg_hbm, dstb, ewb, dstv, degv, deg_sp):
    cid = lax.axis_index("c")
    sid = lax.axis_index("s")

    @pl.when(cid == 0)
    def _():
      def zb(i, carry):
        degv[pl.ds(i * L, L)] = jnp.zeros((L,), jnp.float32)
        return carry
      lax.fori_loop(0, spt // L, zb, None)
      pltpu.sync_copy(degv, deg_sp.at[pl.ds(sid * spt, spt)])
      plsc.subcore_barrier()

      pltpu.sync_copy(dst_hbm.at[pl.ds(sid * ept, ept)], dstb)
      pltpu.sync_copy(ew_hbm.at[pl.ds(sid * ept, ept)], ewb)

      def cb(ch, carry):
        off = ch * CHUNK
        for g in range(GROUPS):
          dstv[pl.ds(g * L, L)] = dstb[pl.ds(off + g * L, L)]
        pltpu.sync_copy(ewb.at[pl.ds(off, CHUNK)], deg_sp.at[dstv], add=True)
        return carry
      lax.fori_loop(0, nch, cb, None)
      plsc.subcore_barrier()

      pltpu.sync_copy(deg_sp.at[pl.ds(sid * spt, spt)], degv)
      pltpu.sync_copy(degv, deg_hbm.at[pl.ds(sid * spt, spt)])

  return deg_kernel


def _make_agg_kernel(n, n_pad, d, e):
  nw = NC * NS
  epw = e // nw
  sup = 2000
  nsup = epw // sup
  nch = sup // CHUNK
  rpt = n_pad // NS

  out_sds = jax.ShapeDtypeStruct((n_pad, d), jnp.float32)

  @functools.partial(
      pl.kernel,
      out_type=(out_sds, out_sds),
      mesh=_mesh(),
      scratch_types=[
          pltpu.VMEM((sup,), jnp.int32),
          pltpu.VMEM((sup,), jnp.int32),
          pltpu.VMEM((sup,), jnp.float32),
          pltpu.VMEM((n,), jnp.float32),
          pltpu.VMEM((CHUNK,), jnp.int32),
          pltpu.VMEM((CHUNK,), jnp.int32),
          pltpu.VMEM((CHUNK, d), jnp.float32),
          pltpu.VMEM_SHARED((n_pad, d), jnp.float32),
          pltpu.SemaphoreType.DMA,
      ],
      compiler_params=pltpu.CompilerParams(needs_layout_passes=False),
  )
  def agg_kernel(src_hbm, dst_hbm, ew_hbm, dis_hbm, h_hbm, out0, out1,
                 srcb, dstb, ewb, disv, srcv, dstv, rows, acc, sem):
    cid = lax.axis_index("c")
    sid = lax.axis_index("s")
    wid = cid * NS + sid

    pltpu.sync_copy(dis_hbm.at[pl.ds(0, n)], disv)

    def zb(i, carry):
      for j in range(d // L):
        rows[i, pl.ds(j * L, L)] = jnp.zeros((L,), jnp.float32)
      return carry
    lax.fori_loop(0, CHUNK, zb, None)
    assert rpt % CHUNK == 0
    for i in range(rpt // CHUNK):
      pltpu.sync_copy(rows, acc.at[pl.ds(sid * rpt + i * CHUNK, CHUNK)])
    plsc.subcore_barrier()

    def super_body(sp, carry):
      base = wid * epw + sp * sup
      pltpu.sync_copy(src_hbm.at[pl.ds(base, sup)], srcb)
      pltpu.sync_copy(dst_hbm.at[pl.ds(base, sup)], dstb)
      pltpu.sync_copy(ew_hbm.at[pl.ds(base, sup)], ewb)

      def chunk_body(ch, carry1):
        off = ch * CHUNK
        for g in range(GROUPS):
          srcv[pl.ds(g * L, L)] = srcb[pl.ds(off + g * L, L)]
          dstv[pl.ds(g * L, L)] = dstb[pl.ds(off + g * L, L)]
        pltpu.async_copy(h_hbm.at[srcv], rows, sem).wait()
        def gbody(g, carry2):
          b = g * L
          s16 = srcv[pl.ds(b, L)]
          d16 = dstv[pl.ds(b, L)]
          ew16 = ewb[pl.ds(off + b, L)]
          c16 = plsc.load_gather(disv, [s16]) * ew16 * plsc.load_gather(
              disv, [d16])
          ridx = b + lax.iota(jnp.int32, L)
          for f in range(d):
            cidx = jnp.full((L,), f, dtype=jnp.int32)
            v = plsc.load_gather(rows, [ridx, cidx])
            plsc.store_scatter(rows, [ridx, cidx], v * c16)
          return carry2
        lax.fori_loop(0, GROUPS, gbody, None)
        pltpu.sync_copy(rows, acc.at[dstv], add=True)
        return carry1
      lax.fori_loop(0, nch, chunk_body, None)
      return carry
    lax.fori_loop(0, nsup, super_body, None)
    plsc.subcore_barrier()

    @pl.when(cid == 0)
    def _():
      pltpu.sync_copy(acc.at[pl.ds(sid * rpt, rpt)],
                      out0.at[pl.ds(sid * rpt, rpt)])

    @pl.when(cid == 1)
    def _():
      pltpu.sync_copy(acc.at[pl.ds(sid * rpt, rpt)],
                      out1.at[pl.ds(sid * rpt, rpt)])

  return agg_kernel


def _matmul_body(x_ref, w_ref, deg_ref, h_ref, dis_ref):
  h_ref[...] = jnp.dot(x_ref[...], w_ref[...],
                       preferred_element_type=jnp.float32)
  t = deg_ref[...] + 1.0
  dis_ref[...] = jnp.where(t > 0.0, lax.rsqrt(t), 0.0)


def _combine_body(p0_ref, p1_ref, h_ref, dis_ref, b_ref, o_ref):
  n = o_ref.shape[0]
  dis = dis_ref[...]
  o_ref[...] = (p0_ref[pl.ds(0, n), :] + p1_ref[pl.ds(0, n), :]
                + h_ref[...] * (dis * dis) + b_ref[...])


def kernel(x, edge_index, edge_weight, W, b):
  n, d = x.shape
  e = edge_index.shape[1]
  n_pad = ((n + (NS * L) - 1) // (NS * L)) * (NS * L)
  assert e % (NC * NS * CHUNK) == 0 and n % NS == 0 and d % L == 0

  src = edge_index[0]
  dst = edge_index[1]

  deg = _make_deg_kernel(n_pad, e)(dst, edge_weight)
  h, dis2d = pl.pallas_call(
      _matmul_body,
      out_shape=(jax.ShapeDtypeStruct((n, d), jnp.float32),
                 jax.ShapeDtypeStruct((n_pad // d, d), jnp.float32)),
  )(x, W, deg.reshape(n_pad // d, d))
  dis_full = dis2d.reshape(n_pad)
  p0, p1 = _make_agg_kernel(n, n_pad, d, e)(src, dst, edge_weight, dis_full, h)
  dis_col = dis_full[:n].reshape(n, 1)
  out = pl.pallas_call(
      _combine_body,
      out_shape=jax.ShapeDtypeStruct((n, d), jnp.float32),
  )(p0, p1, h, dis_col, b.reshape(1, d))
  return out

# --- scband reference (transcript-rebuilt; emitter-appended) ---
"""Pipeline reference for scband-pool-gcn-36988258353723 (READ-ONLY COPY).

The authoritative reference and input builder live on the scoring server;
editing this copy changes nothing except your own understanding.
"""

import jax, jax.numpy as jnp
import numpy as np

N = 10000
E = 320000
D = 128


def setup_inputs(seed: int = 0) -> dict:
    key = jax.random.key(seed)
    k1, k2, k3, k4 = jax.random.split(key, 4)
    x = jax.random.normal(k1, (N, D), dtype=jnp.float32)
    edge_index = jax.random.randint(k2, (2, E), 0, N, dtype=jnp.int32)
    edge_weight = jax.random.uniform(k3, (E,), dtype=jnp.float32)
    W = jax.random.normal(k4, (D, D), dtype=jnp.float32) * (1.0 / np.sqrt(D))
    b = jnp.zeros((D,), dtype=jnp.float32)
    return {"x": x, "edge_index": edge_index, "edge_weight": edge_weight, "W": W, "b": b}


def reference(x, edge_index, edge_weight, W, b):
    # Faithful GCNConv(in_dim, in_dim) forward (PyG semantics):
    # 1) add self-loops with weight 1
    # 2) symmetric gcn_norm: deg^{-1/2}[src] * w * deg^{-1/2}[dst]
    # 3) linear transform, weighted scatter-add aggregation to dst, bias add
    n = x.shape[0]
    src = edge_index[0]
    dst = edge_index[1]
    loop = jnp.arange(n, dtype=src.dtype)
    src = jnp.concatenate([src, loop])
    dst = jnp.concatenate([dst, loop])
    ew = jnp.concatenate([edge_weight, jnp.ones((n,), dtype=edge_weight.dtype)])
    # degree computed by scatter-add of edge weights onto dst (col)
    deg = jnp.zeros((n,), dtype=x.dtype).at[dst].add(ew)
    deg_inv_sqrt = jnp.where(deg > 0, jax.lax.rsqrt(deg), 0.0)
    norm = deg_inv_sqrt[src] * ew * deg_inv_sqrt[dst]
    h = x @ W
    msg = jnp.take(h, src, axis=0) * norm[:, None]
    out = jnp.zeros_like(h).at[dst].add(msg)
    return out + b

if __name__ == "__main__":
    import jax
    _d = setup_inputs()
    print(jax.jit(kernel)(*tuple(_d.values())))

</pallas_src>

<mosaic_0001>
#map = affine_map<(d0, d1) -> (0)>
module attributes {stable_mosaic.version = 14 : i64} {
  func.func @deg_kernel(%arg0: i32, %arg1: i32, %arg2: memref<320000xi32, #tpu.memory_space<hbm>>, %arg3: memref<320000xf32, #tpu.memory_space<hbm>>, %arg4: memref<10240xf32, #tpu.memory_space<hbm>>, %arg5: memref<20000xi32, #tpu.memory_space<vmem>>, %arg6: memref<20000xf32, #tpu.memory_space<vmem>>, %arg7: memref<80xi32, #tpu.memory_space<vmem>>, %arg8: memref<640xf32, #tpu.memory_space<vmem>>, %arg9: memref<10240xf32, #tpu.memory_space<vmem_shared>>) attributes {dimension_semantics = [#tpu.dimension_semantics<core_parallel>, #tpu.dimension_semantics<subcore_parallel>], iteration_bounds = array<i64: 2, 16>, scalar_prefetch = 0 : i64, scratch_operands = 5 : i64, tpu.core_type = #tpu.core_type<sc_vector_subcore>, window_params = [{transform_indices = #map}, {transform_indices = #map}, {transform_indices = #map}]} {
    %eq3A = arith.constant 0 : i32
    %eq3A_0 = arith.cmpi eq, %arg0, %eq3A : i32
    %convert_element_type3A = arith.extui %eq3A_0 : i1 to i32
    %cond3A = arith.constant 0 : i32
    %cond3A_1 = arith.cmpi ne, %convert_element_type3A, %cond3A : i32
    scf.if %cond3A_1 {
      %scan3A = arith.constant 0 : i32
      %scan3A_2 = arith.constant 40 : i32
      %scan3A_3 = arith.addi %scan3A, %scan3A_2 : i32
      %scan3A_4 = arith.constant 1 : i32
      scf.for %scan3A_21 = %scan3A to %scan3A_3 step %scan3A_4  : i32 {
        %broadcast_in_dim3A = arith.constant 0.000000e+00 : f32
        %broadcast_in_dim3A_22 = vector.broadcast %broadcast_in_dim3A : f32 to vector<16xf32>
        %mul3A_23 = arith.constant 16 : i32
        %mul3A_24 = arith.muli %scan3A_21, %mul3A_23 : i32
        %swap3A = arith.index_cast %mul3A_24 : i32 to index
        %swap3A_25 = tpu.vector_load %arg8[%swap3A] {strides = array<i32>} : memref<640xf32, #tpu.memory_space<vmem>>, vector<16xf32>,
        %swap3A_26 = vector.shape_cast %swap3A_25 : vector<16xf32> to vector<16xf32>
        %swap3A_27 = vector.shape_cast %broadcast_in_dim3A_22 : vector<16xf32> to vector<16xf32>
        tpu.vector_store %arg8[%swap3A], %swap3A_27 {strides = array<i32>} : memref<640xf32, #tpu.memory_space<vmem>>, vector<16xf32>,
      }
      %scan3A_5 = arith.constant 40 : i32
      %mul3A = arith.constant 640 : i32
      %mul3A_6 = arith.muli %arg1, %mul3A : i32
      "tpu.region"() ({
        %run_scoped3A = tpu.sem_alloc : memref<!tpu.dma_semaphore, #tpu.memory_space<semaphore_mem>>
        %dma_start3A = tpu.memref_slice %arg9[%mul3A_6] : memref<10240xf32, #tpu.memory_space<vmem_shared>> -> memref<640xf32, #tpu.memory_space<vmem_shared>>
        %dma_start3A_21 = tpu.memref_slice %arg9[%mul3A_6] : memref<10240xf32, #tpu.memory_space<vmem_shared>> -> memref<640xf32, #tpu.memory_space<vmem_shared>>
        tpu.enqueue_dma source(%arg8 : memref<640xf32, #tpu.memory_space<vmem>>) target(%dma_start3A_21 : memref<640xf32, #tpu.memory_space<vmem_shared>>) target_semaphore(%run_scoped3A : memref<!tpu.dma_semaphore, #tpu.memory_space<semaphore_mem>>)
        %dma_wait3A = tpu.memref_slice %arg9[%mul3A_6] : memref<10240xf32, #tpu.memory_space<vmem_shared>> -> memref<640xf32, #tpu.memory_space<vmem_shared>>
        %dma_wait3A_22 = tpu.memref_slice %arg9[%mul3A_6] : memref<10240xf32, #tpu.memory_space<vmem_shared>> -> memref<640xf32, #tpu.memory_space<vmem_shared>>
        tpu.wait_dma2 semaphore(%run_scoped3A : memref<!tpu.dma_semaphore, #tpu.memory_space<semaphore_mem>>) src(%arg8 : memref<640xf32, #tpu.memory_space<vmem>>) dst(%dma_wait3A_22 : memref<640xf32, #tpu.memory_space<vmem_shared>>)
        tpu.yield
      }) : () -> ()
      %barrier3A = arith.constant 0 : index
      tpu.barrier barrier_id(%barrier3A)
      %mul3A_7 = arith.constant 20000 : i32
      %mul3A_8 = arith.muli %arg1, %mul3A_7 : i32
      "tpu.region"() ({
        %run_scoped3A = tpu.sem_alloc : memref<!tpu.dma_semaphore, #tpu.memory_space<semaphore_mem>>
        %dma_start3A = tpu.memref_slice %arg2[%mul3A_8] : memref<320000xi32, #tpu.memory_space<hbm>> -> memref<20000xi32, #tpu.memory_space<hbm>>
        %dma_start3A_21 = tpu.memref_slice %arg2[%mul3A_8] : memref<320000xi32, #tpu.memory_space<hbm>> -> memref<20000xi32, #tpu.memory_space<hbm>>
        tpu.enqueue_dma source(%dma_start3A_21 : memref<20000xi32, #tpu.memory_space<hbm>>) target(%arg5 : memref<20000xi32, #tpu.memory_space<vmem>>) target_semaphore(%run_scoped3A : memref<!tpu.dma_semaphore, #tpu.memory_space<semaphore_mem>>)
        %dma_wait3A = tpu.memref_slice %arg2[%mul3A_8] : memref<320000xi32, #tpu.memory_space<hbm>> -> memref<20000xi32, #tpu.memory_space<hbm>>
        %dma_wait3A_22 = tpu.memref_slice %arg2[%mul3A_8] : memref<320000xi32, #tpu.memory_space<hbm>> -> memref<20000xi32, #tpu.memory_space<hbm>>
        tpu.wait_dma2 semaphore(%run_scoped3A : memref<!tpu.dma_semaphore, #tpu.memory_space<semaphore_mem>>) src(%dma_wait3A_22 : memref<20000xi32, #tpu.memory_space<hbm>>) dst(%arg5 : memref<20000xi32, #tpu.memory_space<vmem>>)
        tpu.yield
      }) : () -> ()
      %mul3A_9 = arith.constant 20000 : i32
      %mul3A_10 = arith.muli %arg1, %mul3A_9 : i32
      "tpu.region"() ({
        %run_scoped3A = tpu.sem_alloc : memref<!tpu.dma_semaphore, #tpu.memory_space<semaphore_mem>>
        %dma_start3A = tpu.memref_slice %arg3[%mul3A_10] : memref<320000xf32, #tpu.memory_space<hbm>> -> memref<20000xf32, #tpu.memory_space<hbm>>
        %dma_start3A_21 = tpu.memref_slice %arg3[%mul3A_10] : memref<320000xf32, #tpu.memory_space<hbm>> -> memref<20000xf32, #tpu.memory_space<hbm>>
        tpu.enqueue_dma source(%dma_start3A_21 : memref<20000xf32, #tpu.memory_space<hbm>>) target(%arg6 : memref<20000xf32, #tpu.memory_space<vmem>>) target_semaphore(%run_scoped3A : memref<!tpu.dma_semaphore, #tpu.memory_space<semaphore_mem>>)
        %dma_wait3A = tpu.memref_slice %arg3[%mul3A_10] : memref<320000xf32, #tpu.memory_space<hbm>> -> memref<20000xf32, #tpu.memory_space<hbm>>
        %dma_wait3A_22 = tpu.memref_slice %arg3[%mul3A_10] : memref<320000xf32, #tpu.memory_space<hbm>> -> memref<20000xf32, #tpu.memory_space<hbm>>
        tpu.wait_dma2 semaphore(%run_scoped3A : memref<!tpu.dma_semaphore, #tpu.memory_space<semaphore_mem>>) src(%dma_wait3A_22 : memref<20000xf32, #tpu.memory_space<hbm>>) dst(%arg6 : memref<20000xf32, #tpu.memory_space<vmem>>)
        tpu.yield
      }) : () -> ()
      %scan3A_11 = arith.constant 0 : i32
      %scan3A_12 = arith.constant 250 : i32
      %scan3A_13 = arith.addi %scan3A_11, %scan3A_12 : i32
      %scan3A_14 = arith.constant 1 : i32
      scf.for %scan3A_21 = %scan3A_11 to %scan3A_13 step %scan3A_14  : i32 {
        %mul3A_22 = arith.constant 80 : i32
        %mul3A_23 = arith.muli %scan3A_21, %mul3A_22 : i32
        %add3A = arith.constant 0 : i32
        %add3A_24 = arith.addi %mul3A_23, %add3A : i32
        %get3A = arith.index_cast %add3A_24 : i32 to index
        %get3A_25 = tpu.vector_load %arg5[%get3A] {strides = array<i32>} : memref<20000xi32, #tpu.memory_space<vmem>>, vector<16xi32>,
        %get3A_26 = vector.shape_cast %get3A_25 : vector<16xi32> to vector<16xi32>
        %swap3A = arith.constant 0 : index
        %swap3A_27 = tpu.vector_load %arg7[%swap3A] {strides = array<i32>} : memref<80xi32, #tpu.memory_space<vmem>>, vector<16xi32>,
        %swap3A_28 = vector.shape_cast %swap3A_27 : vector<16xi32> to vector<16xi32>
        %swap3A_29 = vector.shape_cast %get3A_26 : vector<16xi32> to vector<16xi32>
        tpu.vector_store %arg7[%swap3A], %swap3A_29 {strides = array<i32>} : memref<80xi32, #tpu.memory_space<vmem>>, vector<16xi32>,
        %add3A_30 = arith.constant 16 : i32
        %add3A_31 = arith.addi %mul3A_23, %add3A_30 : i32
        %get3A_32 = arith.index_cast %add3A_31 : i32 to index
        %get3A_33 = tpu.vector_load %arg5[%get3A_32] {strides = array<i32>} : memref<20000xi32, #tpu.memory_space<vmem>>, vector<16xi32>,
        %get3A_34 = vector.shape_cast %get3A_33 : vector<16xi32> to vector<16xi32>
        %swap3A_35 = arith.constant 16 : index
        %swap3A_36 = tpu.vector_load %arg7[%swap3A_35] {strides = array<i32>} : memref<80xi32, #tpu.memory_space<vmem>>, vector<16xi32>,
        %swap3A_37 = vector.shape_cast %swap3A_36 : vector<16xi32> to vector<16xi32>
        %swap3A_38 = vector.shape_cast %get3A_34 : vector<16xi32> to vector<16xi32>
        tpu.vector_store %arg7[%swap3A_35], %swap3A_38 {strides = array<i32>} : memref<80xi32, #tpu.memory_space<vmem>>, vector<16xi32>,
        %add3A_39 = arith.constant 32 : i32
        %add3A_40 = arith.addi %mul3A_23, %add3A_39 : i32
        %get3A_41 = arith.index_cast %add3A_40 : i32 to index
        %get3A_42 = tpu.vector_load %arg5[%get3A_41] {strides = array<i32>} : memref<20000xi32, #tpu.memory_space<vmem>>, vector<16xi32>,
        %get3A_43 = vector.shape_cast %get3A_42 : vector<16xi32> to vector<16xi32>
        %swap3A_44 = arith.constant 32 : index
        %swap3A_45 = tpu.vector_load %arg7[%swap3A_44] {strides = array<i32>} : memref<80xi32, #tpu.memory_space<vmem>>, vector<16xi32>,
        %swap3A_46 = vector.shape_cast %swap3A_45 : vector<16xi32> to vector<16xi32>
        %swap3A_47 = vector.shape_cast %get3A_43 : vector<16xi32> to vector<16xi32>
        tpu.vector_store %arg7[%swap3A_44], %swap3A_47 {strides = array<i32>} : memref<80xi32, #tpu.memory_space<vmem>>, vector<16xi32>,
        %add3A_48 = arith.constant 48 : i32
        %add3A_49 = arith.addi %mul3A_23, %add3A_48 : i32
        %get3A_50 = arith.index_cast %add3A_49 : i32 to index
        %get3A_51 = tpu.vector_load %arg5[%get3A_50] {strides = array<i32>} : memref<20000xi32, #tpu.memory_space<vmem>>, vector<16xi32>,
        %get3A_52 = vector.shape_cast %get3A_51 : vector<16xi32> to vector<16xi32>
        %swap3A_53 = arith.constant 48 : index
        %swap3A_54 = tpu.vector_load %arg7[%swap3A_53] {strides = array<i32>} : memref<80xi32, #tpu.memory_space<vmem>>, vector<16xi32>,
        %swap3A_55 = vector.shape_cast %swap3A_54 : vector<16xi32> to vector<16xi32>
        %swap3A_56 = vector.shape_cast %get3A_52 : vector<16xi32> to vector<16xi32>
        tpu.vector_store %arg7[%swap3A_53], %swap3A_56 {strides = array<i32>} : memref<80xi32, #tpu.memory_space<vmem>>, vector<16xi32>,
        %add3A_57 = arith.constant 64 : i32
        %add3A_58 = arith.addi %mul3A_23, %add3A_57 : i32
        %get3A_59 = arith.index_cast %add3A_58 : i32 to index
        %get3A_60 = tpu.vector_load %arg5[%get3A_59] {strides = array<i32>} : memref<20000xi32, #tpu.memory_space<vmem>>, vector<16xi32>,
        %get3A_61 = vector.shape_cast %get3A_60 : vector<16xi32> to vector<16xi32>
        %swap3A_62 = arith.constant 64 : index
        %swap3A_63 = tpu.vector_load %arg7[%swap3A_62] {strides = array<i32>} : memref<80xi32, #tpu.memory_space<vmem>>, vector<16xi32>,
        %swap3A_64 = vector.shape_cast %swap3A_63 : vector<16xi32> to vector<16xi32>
        %swap3A_65 = vector.shape_cast %get3A_61 : vector<16xi32> to vector<16xi32>
        tpu.vector_store %arg7[%swap3A_62], %swap3A_65 {strides = array<i32>} : memref<80xi32, #tpu.memory_space<vmem>>, vector<16xi32>,
        "tpu.region"() ({
          %run_scoped3A = tpu.sem_alloc : memref<!tpu.dma_semaphore, #tpu.memory_space<semaphore_mem>>
          %dma_start3A = tpu.memref_slice %arg6[%mul3A_23] : memref<20000xf32, #tpu.memory_space<vmem>> -> memref<80xf32, #tpu.memory_space<vmem>>
          %dma_start3A_66 = arith.constant 0 : i32
          %dma_start3A_67 = tpu.memref_slice %arg9[%dma_start3A_66] : memref<10240xf32, #tpu.memory_space<vmem_shared>> -> memref<10240xf32, #tpu.memory_space<vmem_shared>>
          tpu.enqueue_indirect_dma source(%dma_start3A : memref<80xf32, #tpu.memory_space<vmem>>) target(%dma_start3A_67 : memref<10240xf32, #tpu.memory_space<vmem_shared>>) offsets(%arg7 : memref<80xi32, #tpu.memory_space<vmem>>) semaphore(%run_scoped3A : memref<!tpu.dma_semaphore, #tpu.memory_space<semaphore_mem>>) {add = true}
          %dma_wait3A = tpu.memref_slice %arg6[%mul3A_23] : memref<20000xf32, #tpu.memory_space<vmem>> -> memref<80xf32, #tpu.memory_space<vmem>>
          %dma_wait3A_68 = arith.constant 0 : i32
          %dma_wait3A_69 = tpu.memref_slice %arg9[%dma_wait3A_68] : memref<10240xf32, #tpu.memory_space<vmem_shared>> -> memref<10240xf32, #tpu.memory_space<vmem_shared>>
          tpu.wait_indirect_dma semaphore(%run_scoped3A : memref<!tpu.dma_semaphore, #tpu.memory_space<semaphore_mem>>) src(%dma_wait3A : memref<80xf32, #tpu.memory_space<vmem>>) dst(%dma_wait3A_69 : memref<10240xf32, #tpu.memory_space<vmem_shared>>)
          tpu.yield
        }) : () -> ()
      }
      %scan3A_15 = arith.constant 250 : i32
      %barrier3A_16 = arith.constant 0 : index
      tpu.barrier barrier_id(%barrier3A_16)
      %mul3A_17 = arith.constant 640 : i32
      %mul3A_18 = arith.muli %arg1, %mul3A_17 : i32
      "tpu.region"() ({
        %run_scoped3A = tpu.sem_alloc : memref<!tpu.dma_semaphore, #tpu.memory_space<semaphore_mem>>
        %dma_start3A = tpu.memref_slice %arg9[%mul3A_18] : memref<10240xf32, #tpu.memory_space<vmem_shared>> -> memref<640xf32, #tpu.memory_space<vmem_shared>>
        %dma_start3A_21 = tpu.memref_slice %arg9[%mul3A_18] : memref<10240xf32, #tpu.memory_space<vmem_shared>> -> memref<640xf32, #tpu.memory_space<vmem_shared>>
        tpu.enqueue_dma source(%dma_start3A_21 : memref<640xf32, #tpu.memory_space<vmem_shared>>) target(%arg8 : memref<640xf32, #tpu.memory_space<vmem>>) target_semaphore(%run_scoped3A : memref<!tpu.dma_semaphore, #tpu.memory_space<semaphore_mem>>)
        %dma_wait3A = tpu.memref_slice %arg9[%mul3A_18] : memref<10240xf32, #tpu.memory_space<vmem_shared>> -> memref<640xf32, #tpu.memory_space<vmem_shared>>
        %dma_wait3A_22 = tpu.memref_slice %arg9[%mul3A_18] : memref<10240xf32, #tpu.memory_space<vmem_shared>> -> memref<640xf32, #tpu.memory_space<vmem_shared>>
        tpu.wait_dma2 semaphore(%run_scoped3A : memref<!tpu.dma_semaphore, #tpu.memory_space<semaphore_mem>>) src(%dma_wait3A_22 : memref<640xf32, #tpu.memory_space<vmem_shared>>) dst(%arg8 : memref<640xf32, #tpu.memory_space<vmem>>)
        tpu.yield
      }) : () -> ()
      %mul3A_19 = arith.constant 640 : i32
      %mul3A_20 = arith.muli %arg1, %mul3A_19 : i32
      "tpu.region"() ({
        %run_scoped3A = tpu.sem_alloc : memref<!tpu.dma_semaphore, #tpu.memory_space<semaphore_mem>>
        %dma_start3A = tpu.memref_slice %arg4[%mul3A_20] : memref<10240xf32, #tpu.memory_space<hbm>> -> memref<640xf32, #tpu.memory_space<hbm>>
        %dma_start3A_21 = tpu.memref_slice %arg4[%mul3A_20] : memref<10240xf32, #tpu.memory_space<hbm>> -> memref<640xf32, #tpu.memory_space<hbm>>
        tpu.enqueue_dma source(%arg8 : memref<640xf32, #tpu.memory_space<vmem>>) target(%dma_start3A_21 : memref<640xf32, #tpu.memory_space<hbm>>) target_semaphore(%run_scoped3A : memref<!tpu.dma_semaphore, #tpu.memory_space<semaphore_mem>>)
        %dma_wait3A = tpu.memref_slice %arg4[%mul3A_20] : memref<10240xf32, #tpu.memory_space<hbm>> -> memref<640xf32, #tpu.memory_space<hbm>>
        %dma_wait3A_22 = tpu.memref_slice %arg4[%mul3A_20] : memref<10240xf32, #tpu.memory_space<hbm>> -> memref<640xf32, #tpu.memory_space<hbm>>
        tpu.wait_dma2 semaphore(%run_scoped3A : memref<!tpu.dma_semaphore, #tpu.memory_space<semaphore_mem>>) src(%arg8 : memref<640xf32, #tpu.memory_space<vmem>>) dst(%dma_wait3A_22 : memref<640xf32, #tpu.memory_space<hbm>>)
        tpu.yield
      }) : () -> ()
    } else {
    }
    return
  }
}

#map = affine_map<(d0, d1) -> (0)>
#map1 = affine_map<(d0, d1) -> (0, 0)>
module attributes {stable_mosaic.version = 14 : i64} {
  func.func @agg_kernel(%arg0: i32, %arg1: i32, %arg2: memref<320000xi32, #tpu.memory_space<hbm>>, %arg3: memref<320000xi32, #tpu.memory_space<hbm>>, %arg4: memref<320000xf32, #tpu.memory_space<hbm>>, %arg5: memref<10240xf32, #tpu.memory_space<hbm>>, %arg6: memref<10000x128xf32, #tpu.memory_space<hbm>>, %arg7: memref<10240x128xf32, #tpu.memory_space<hbm>>, %arg8: memref<10240x128xf32, #tpu.memory_space<hbm>>, %arg9: memref<2000xi32, #tpu.memory_space<vmem>>, %arg10: memref<2000xi32, #tpu.memory_space<vmem>>, %arg11: memref<2000xf32, #tpu.memory_space<vmem>>, %arg12: memref<10000xf32, #tpu.memory_space<vmem>>, %arg13: memref<80xi32, #tpu.memory_space<vmem>>, %arg14: memref<80xi32, #tpu.memory_space<vmem>>, %arg15: memref<80x128xf32, #tpu.memory_space<vmem>>, %arg16: memref<10240x128xf32, #tpu.memory_space<vmem_shared>>, %arg17: memref<!tpu.dma_semaphore, #tpu.memory_space<semaphore_mem>>) attributes {dimension_semantics = [#tpu.dimension_semantics<core_parallel>, #tpu.dimension_semantics<subcore_parallel>], iteration_bounds = array<i64: 2, 16>, scalar_prefetch = 0 : i64, scratch_operands = 9 : i64, tpu.core_type = #tpu.core_type<sc_vector_subcore>, window_params = [{transform_indices = #map}, {transform_indices = #map}, {transform_indices = #map}, {transform_indices = #map}, {transform_indices = #map1}, {transform_indices = #map1}, {transform_indices = #map1}]} {
    %mul3A = arith.constant 16 : i32
    %mul3A_0 = arith.muli %arg0, %mul3A : i32
    %add3A = arith.addi %mul3A_0, %arg1 : i32
    "tpu.region"() ({
      %run_scoped3A = tpu.sem_alloc : memref<!tpu.dma_semaphore, #tpu.memory_space<semaphore_mem>>
      %dma_start3A = arith.constant 0 : i32
      %dma_start3A_50 = tpu.memref_slice %arg5[%dma_start3A] : memref<10240xf32, #tpu.memory_space<hbm>> -> memref<10000xf32, #tpu.memory_space<hbm>>
      %dma_start3A_51 = arith.constant 0 : i32
      %dma_start3A_52 = tpu.memref_slice %arg5[%dma_start3A_51] : memref<10240xf32, #tpu.memory_space<hbm>> -> memref<10000xf32, #tpu.memory_space<hbm>>
      tpu.enqueue_dma source(%dma_start3A_52 : memref<10000xf32, #tpu.memory_space<hbm>>) target(%arg12 : memref<10000xf32, #tpu.memory_space<vmem>>) target_semaphore(%run_scoped3A : memref<!tpu.dma_semaphore, #tpu.memory_space<semaphore_mem>>)
      %dma_wait3A = arith.constant 0 : i32
      %dma_wait3A_53 = tpu.memref_slice %arg5[%dma_wait3A] : memref<10240xf32, #tpu.memory_space<hbm>> -> memref<10000xf32, #tpu.memory_space<hbm>>
      %dma_wait3A_54 = arith.constant 0 : i32
      %dma_wait3A_55 = tpu.memref_slice %arg5[%dma_wait3A_54] : memref<10240xf32, #tpu.memory_space<hbm>> -> memref<10000xf32, #tpu.memory_space<hbm>>
      tpu.wait_dma2 semaphore(%run_scoped3A : memref<!tpu.dma_semaphore, #tpu.memory_space<semaphore_mem>>) src(%dma_wait3A_55 : memref<10000xf32, #tpu.memory_space<hbm>>) dst(%arg12 : memref<10000xf32, #tpu.memory_space<vmem>>)
      tpu.yield
    }) : () -> ()
    %scan3A = arith.constant 0 : i32
    %scan3A_1 = arith.constant 80 : i32
    %scan3A_2 = arith.addi %scan3A, %scan3A_1 : i32
    %scan3A_3 = arith.constant 1 : i32
    scf.for %scan3A_50 = %scan3A to %scan3A_2 step %scan3A_3  : i32 {
      %broadcast_in_dim3A = arith.constant 0.000000e+00 : f32
      %broadcast_in_dim3A_51 = vector.broadcast %broadcast_in_dim3A : f32 to vector<16xf32>
      %swap3A = arith.index_cast %scan3A_50 : i32 to index
      %swap3A_52 = arith.constant 0 : index
      %swap3A_53 = tpu.vector_load %arg15[%swap3A, %swap3A_52] {strides = array<i32>} : memref<80x128xf32, #tpu.memory_space<vmem>>, vector<16xf32>,
      tpu.vector_store %arg15[%swap3A, %swap3A_52], %broadcast_in_dim3A_51 {strides = array<i32>} : memref<80x128xf32, #tpu.memory_space<vmem>>, vector<16xf32>,
      %broadcast_in_dim3A_54 = arith.constant 0.000000e+00 : f32
      %broadcast_in_dim3A_55 = vector.broadcast %broadcast_in_dim3A_54 : f32 to vector<16xf32>
      %swap3A_56 = arith.index_cast %scan3A_50 : i32 to index
      %swap3A_57 = arith.constant 16 : index
      %swap3A_58 = tpu.vector_load %arg15[%swap3A_56, %swap3A_57] {strides = array<i32>} : memref<80x128xf32, #tpu.memory_space<vmem>>, vector<16xf32>,
      tpu.vector_store %arg15[%swap3A_56, %swap3A_57], %broadcast_in_dim3A_55 {strides = array<i32>} : memref<80x128xf32, #tpu.memory_space<vmem>>, vector<16xf32>,
      %broadcast_in_dim3A_59 = arith.constant 0.000000e+00 : f32
      %broadcast_in_dim3A_60 = vector.broadcast %broadcast_in_dim3A_59 : f32 to vector<16xf32>
      %swap3A_61 = arith.index_cast %scan3A_50 : i32 to index
      %swap3A_62 = arith.constant 32 : index
      %swap3A_63 = tpu.vector_load %arg15[%swap3A_61, %swap3A_62] {strides = array<i32>} : memref<80x128xf32, #tpu.memory_space<vmem>>, vector<16xf32>,
      tpu.vector_store %arg15[%swap3A_61, %swap3A_62], %broadcast_in_dim3A_60 {strides = array<i32>} : memref<80x128xf32, #tpu.memory_space<vmem>>, vector<16xf32>,
      %broadcast_in_dim3A_64 = arith.constant 0.000000e+00 : f32
      %broadcast_in_dim3A_65 = vector.broadcast %broadcast_in_dim3A_64 : f32 to vector<16xf32>
      %swap3A_66 = arith.index_cast %scan3A_50 : i32 to index
      %swap3A_67 = arith.constant 48 : index
      %swap3A_68 = tpu.vector_load %arg15[%swap3A_66, %swap3A_67] {strides = array<i32>} : memref<80x128xf32, #tpu.memory_space<vmem>>, vector<16xf32>,
      tpu.vector_store %arg15[%swap3A_66, %swap3A_67], %broadcast_in_dim3A_65 {strides = array<i32>} : memref<80x128xf32, #tpu.memory_space<vmem>>, vector<16xf32>,
      %broadcast_in_dim3A_69 = arith.constant 0.000000e+00 : f32
      %broadcast_in_dim3A_70 = vector.broadcast %broadcast_in_dim3A_69 : f32 to vector<16xf32>
      %swap3A_71 = arith.index_cast %scan3A_50 : i32 to index
      %swap3A_72 = arith.constant 64 : index
      %swap3A_73 = tpu.vector_load %arg15[%swap3A_71, %swap3A_72] {strides = array<i32>} : memref<80x128xf32, #tpu.memory_space<vmem>>, vector<16xf32>,
      tpu.vector_store %arg15[%swap3A_71, %swap3A_72], %broadcast_in_dim3A_70 {strides = array<i32>} : memref<80x128xf32, #tpu.memory_space<vmem>>, vector<16xf32>,
      %broadcast_in_dim3A_74 = arith.constant 0.000000e+00 : f32
      %broadcast_in_dim3A_75 = vector.broadcast %broadcast_in_dim3A_74 : f32 to vector<16xf32>
      %swap3A_76 = arith.index_cast %scan3A_50 : i32 to index
      %swap3A_77 = arith.constant 80 : index
      %swap3A_78 = tpu.vector_load %arg15[%swap3A_76, %swap3A_77] {strides = array<i32>} : memref<80x128xf32, #tpu.memory_space<vmem>>, vector<16xf32>,
      tpu.vector_store %arg15[%swap3A_76, %swap3A_77], %broadcast_in_dim3A_75 {strides = array<i32>} : memref<80x128xf32, #tpu.memory_space<vmem>>, vector<16xf32>,
      %broadcast_in_dim3A_79 = arith.constant 0.000000e+00 : f32
      %broadcast_in_dim3A_80 = vector.broadcast %broadcast_in_dim3A_79 : f32 to vector<16xf32>
      %swap3A_81 = arith.index_cast %scan3A_50 : i32 to index
      %swap3A_82 = arith.constant 96 : index
      %swap3A_83 = tpu.vector_load %arg15[%swap3A_81, %swap3A_82] {strides = array<i32>} : memref<80x128xf32, #tpu.memory_space<vmem>>, vector<16xf32>,
      tpu.vector_store %arg15[%swap3A_81, %swap3A_82], %broadcast_in_dim3A_80 {strides = array<i32>} : memref<80x128xf32, #tpu.memory_space<vmem>>, vector<16xf32>,
      %broadcast_in_dim3A_84 = arith.constant 0.000000e+00 : f32
      %broadcast_in_dim3A_85 = vector.broadcast %broadcast_in_dim3A_84 : f32 to vector<16xf32>
      %swap3A_86 = arith.index_cast %scan3A_50 : i32 to index
      %swap3A_87 = arith.constant 112 : index
      %swap3A_88 = tpu.vector_load %arg15[%swap3A_86, %swap3A_87] {strides = array<i32>} : memref<80x128xf32, #tpu.memory_space<vmem>>, vector<16xf32>,
      tpu.vector_store %arg15[%swap3A_86, %swap3A_87], %broadcast_in_dim3A_85 {strides = array<i32>} : memref<80x128xf32, #tpu.memory_space<vmem>>, vector<16xf32>,
    }
    %scan3A_4 = arith.constant 80 : i32
    %mul3A_5 = arith.constant 640 : i32
    %mul3A_6 = arith.muli %arg1, %mul3A_5 : i32
    %add3A_7 = arith.constant 0 : i32
    %add3A_8 = arith.addi %mul3A_6, %add3A_7 : i32
    "tpu.region"() ({
      %run_scoped3A = tpu.sem_alloc : memref<!tpu.dma_semaphore, #tpu.memory_space<semaphore_mem>>
      %dma_start3A = arith.constant 0 : i32
      %dma_start3A_50 = tpu.memref_slice %arg16[%add3A_8, %dma_start3A] : memref<10240x128xf32, #tpu.memory_space<vmem_shared>> -> memref<80x128xf32, #tpu.memory_space<vmem_shared>>
      %dma_start3A_51 = arith.constant 0 : i32
      %dma_start3A_52 = tpu.memref_slice %arg16[%add3A_8, %dma_start3A_51] : memref<10240x128xf32, #tpu.memory_space<vmem_shared>> -> memref<80x128xf32, #tpu.memory_space<vmem_shared>>
      tpu.enqueue_dma source(%arg15 : memref<80x128xf32, #tpu.memory_space<vmem>>) target(%dma_start3A_52 : memref<80x128xf32, #tpu.memory_space<vmem_shared>>) target_semaphore(%run_scoped3A : memref<!tpu.dma_semaphore, #tpu.memory_space<semaphore_mem>>)
      %dma_wait3A = arith.constant 0 : i32
      %dma_wait3A_53 = tpu.memref_slice %arg16[%add3A_8, %dma_wait3A] : memref<10240x128xf32, #tpu.memory_space<vmem_shared>> -> memref<80x128xf32, #tpu.memory_space<vmem_shared>>
      %dma_wait3A_54 = arith.constant 0 : i32
      %dma_wait3A_55 = tpu.memref_slice %arg16[%add3A_8, %dma_wait3A_54] : memref<10240x128xf32, #tpu.memory_space<vmem_shared>> -> memref<80x128xf32, #tpu.memory_space<vmem_shared>>
      tpu.wait_dma2 semaphore(%run_scoped3A : memref<!tpu.dma_semaphore, #tpu.memory_space<semaphore_mem>>) src(%arg15 : memref<80x128xf32, #tpu.memory_space<vmem>>) dst(%dma_wait3A_55 : memref<80x128xf32, #tpu.memory_space<vmem_shared>>)
      tpu.yield
    }) : () -> ()
    %mul3A_9 = arith.constant 640 : i32
    %mul3A_10 = arith.muli %arg1, %mul3A_9 : i32
    %add3A_11 = arith.constant 80 : i32
    %add3A_12 = arith.addi %mul3A_10, %add3A_11 : i32
    "tpu.region"() ({
      %run_scoped3A = tpu.sem_alloc : memref<!tpu.dma_semaphore, #tpu.memory_space<semaphore_mem>>
      %dma_start3A = arith.constant 0 : i32
      %dma_start3A_50 = tpu.memref_slice %arg16[%add3A_12, %dma_start3A] : memref<10240x128xf32, #tpu.memory_space<vmem_shared>> -> memref<80x128xf32, #tpu.memory_space<vmem_shared>>
      %dma_start3A_51 = arith.constant 0 : i32
      %dma_start3A_52 = tpu.memref_slice %arg16[%add3A_12, %dma_start3A_51] : memref<10240x128xf32, #tpu.memory_space<vmem_shared>> -> memref<80x128xf32, #tpu.memory_space<vmem_shared>>
      tpu.enqueue_dma source(%arg15 : memref<80x128xf32, #tpu.memory_space<vmem>>) target(%dma_start3A_52 : memref<80x128xf32, #tpu.memory_space<vmem_shared>>) target_semaphore(%run_scoped3A : memref<!tpu.dma_semaphore, #tpu.memory_space<semaphore_mem>>)
      %dma_wait3A = arith.constant 0 : i32
      %dma_wait3A_53 = tpu.memref_slice %arg16[%add3A_12, %dma_wait3A] : memref<10240x128xf32, #tpu.memory_space<vmem_shared>> -> memref<80x128xf32, #tpu.memory_space<vmem_shared>>
      %dma_wait3A_54 = arith.constant 0 : i32
      %dma_wait3A_55 = tpu.memref_slice %arg16[%add3A_12, %dma_wait3A_54] : memref<10240x128xf32, #tpu.memory_space<vmem_shared>> -> memref<80x128xf32, #tpu.memory_space<vmem_shared>>
      tpu.wait_dma2 semaphore(%run_scoped3A : memref<!tpu.dma_semaphore, #tpu.memory_space<semaphore_mem>>) src(%arg15 : memref<80x128xf32, #tpu.memory_space<vmem>>) dst(%dma_wait3A_55 : memref<80x128xf32, #tpu.memory_space<vmem_shared>>)
      tpu.yield
    }) : () -> ()
    %mul3A_13 = arith.constant 640 : i32
    %mul3A_14 = arith.muli %arg1, %mul3A_13 : i32
    %add3A_15 = arith.constant 160 : i32
    %add3A_16 = arith.addi %mul3A_14, %add3A_15 : i32
    "tpu.region"() ({
      %run_scoped3A = tpu.sem_alloc : memref<!tpu.dma_semaphore, #tpu.memory_space<semaphore_mem>>
      %dma_start3A = arith.constant 0 : i32
      %dma_start3A_50 = tpu.memref_slice %arg16[%add3A_16, %dma_start3A] : memref<10240x128xf32, #tpu.memory_space<vmem_shared>> -> memref<80x128xf32, #tpu.memory_space<vmem_shared>>
      %dma_start3A_51 = arith.constant 0 : i32
      %dma_start3A_52 = tpu.memref_slice %arg16[%add3A_16, %dma_start3A_51] : memref<10240x128xf32, #tpu.memory_space<vmem_shared>> -> memref<80x128xf32, #tpu.memory_space<vmem_shared>>
      tpu.enqueue_dma source(%arg15 : memref<80x128xf32, #tpu.memory_space<vmem>>) target(%dma_start3A_52 : memref<80x128xf32, #tpu.memory_space<vmem_shared>>) target_semaphore(%run_scoped3A : memref<!tpu.dma_semaphore, #tpu.memory_space<semaphore_mem>>)
      %dma_wait3A = arith.constant 0 : i32
      %dma_wait3A_53 = tpu.memref_slice %arg16[%add3A_16, %dma_wait3A] : memref<10240x128xf32, #tpu.memory_space<vmem_shared>> -> memref<80x128xf32, #tpu.memory_space<vmem_shared>>
      %dma_wait3A_54 = arith.constant 0 : i32
      %dma_wait3A_55 = tpu.memref_slice %arg16[%add3A_16, %dma_wait3A_54] : memref<10240x128xf32, #tpu.memory_space<vmem_shared>> -> memref<80x128xf32, #tpu.memory_space<vmem_shared>>
      tpu.wait_dma2 semaphore(%run_scoped3A : memref<!tpu.dma_semaphore, #tpu.memory_space<semaphore_mem>>) src(%arg15 : memref<80x128xf32, #tpu.memory_space<vmem>>) dst(%dma_wait3A_55 : memref<80x128xf32, #tpu.memory_space<vmem_shared>>)
      tpu.yield
    }) : () -> ()
    %mul3A_17 = arith.constant 640 : i32
    %mul3A_18 = arith.muli %arg1, %mul3A_17 : i32
    %add3A_19 = arith.constant 240 : i32
    %add3A_20 = arith.addi %mul3A_18, %add3A_19 : i32
    "tpu.region"() ({
      %run_scoped3A = tpu.sem_alloc : memref<!tpu.dma_semaphore, #tpu.memory_space<semaphore_mem>>
      %dma_start3A = arith.constant 0 : i32
      %dma_start3A_50 = tpu.memref_slice %arg16[%add3A_20, %dma_start3A] : memref<10240x128xf32, #tpu.memory_space<vmem_shared>> -> memref<80x128xf32, #tpu.memory_space<vmem_shared>>
      %dma_start3A_51 = arith.constant 0 : i32
      %dma_start3A_52 = tpu.memref_slice %arg16[%add3A_20, %dma_start3A_51] : memref<10240x128xf32, #tpu.memory_space<vmem_shared>> -> memref<80x128xf32, #tpu.memory_space<vmem_shared>>
      tpu.enqueue_dma source(%arg15 : memref<80x128xf32, #tpu.memory_space<vmem>>) target(%dma_start3A_52 : memref<80x128xf32, #tpu.memory_space<vmem_shared>>) target_semaphore(%run_scoped3A : memref<!tpu.dma_semaphore, #tpu.memory_space<semaphore_mem>>)
      %dma_wait3A = arith.constant 0 : i32
      %dma_wait3A_53 = tpu.memref_slice %arg16[%add3A_20, %dma_wait3A] : memref<10240x128xf32, #tpu.memory_space<vmem_shared>> -> memref<80x128xf32, #tpu.memory_space<vmem_shared>>
      %dma_wait3A_54 = arith.constant 0 : i32
      %dma_wait3A_55 = tpu.memref_slice %arg16[%add3A_20, %dma_wait3A_54] : memref<10240x128xf32, #tpu.memory_space<vmem_shared>> -> memref<80x128xf32, #tpu.memory_space<vmem_shared>>
      tpu.wait_dma2 semaphore(%run_scoped3A : memref<!tpu.dma_semaphore, #tpu.memory_space<semaphore_mem>>) src(%arg15 : memref<80x128xf32, #tpu.memory_space<vmem>>) dst(%dma_wait3A_55 : memref<80x128xf32, #tpu.memory_space<vmem_shared>>)
      tpu.yield
    }) : () -> ()
    %mul3A_21 = arith.constant 640 : i32
    %mul3A_22 = arith.muli %arg1, %mul3A_21 : i32
    %add3A_23 = arith.constant 320 : i32
    %add3A_24 = arith.addi %mul3A_22, %add3A_23 : i32
    "tpu.region"() ({
      %run_scoped3A = tpu.sem_alloc : memref<!tpu.dma_semaphore, #tpu.memory_space<semaphore_mem>>
      %dma_start3A = arith.constant 0 : i32
      %dma_start3A_50 = tpu.memref_slice %arg16[%add3A_24, %dma_start3A] : memref<10240x128xf32, #tpu.memory_space<vmem_shared>> -> memref<80x128xf32, #tpu.memory_space<vmem_shared>>
      %dma_start3A_51 = arith.constant 0 : i32
      %dma_start3A_52 = tpu.memref_slice %arg16[%add3A_24, %dma_start3A_51] : memref<10240x128xf32, #tpu.memory_space<vmem_shared>> -> memref<80x128xf32, #tpu.memory_space<vmem_shared>>
      tpu.enqueue_dma source(%arg15 : memref<80x128xf32, #tpu.memory_space<vmem>>) target(%dma_start3A_52 : memref<80x128xf32, #tpu.memory_space<vmem_shared>>) target_semaphore(%run_scoped3A : memref<!tpu.dma_semaphore, #tpu.memory_space<semaphore_mem>>)
      %dma_wait3A = arith.constant 0 : i32
      %dma_wait3A_53 = tpu.memref_slice %arg16[%add3A_24, %dma_wait3A] : memref<10240x128xf32, #tpu.memory_space<vmem_shared>> -> memref<80x128xf32, #tpu.memory_space<vmem_shared>>
      %dma_wait3A_54 = arith.constant 0 : i32
      %dma_wait3A_55 = tpu.memref_slice %arg16[%add3A_24, %dma_wait3A_54] : memref<10240x128xf32, #tpu.memory_space<vmem_shared>> -> memref<80x128xf32, #tpu.memory_space<vmem_shared>>
      tpu.wait_dma2 semaphore(%run_scoped3A : memref<!tpu.dma_semaphore, #tpu.memory_space<semaphore_mem>>) src(%arg15 : memref<80x128xf32, #tpu.memory_space<vmem>>) dst(%dma_wait3A_55 : memref<80x128xf32, #tpu.memory_space<vmem_shared>>)
      tpu.yield
    }) : () -> ()
    %mul3A_25 = arith.constant 640 : i32
    %mul3A_26 = arith.muli %arg1, %mul3A_25 : i32
    %add3A_27 = arith.constant 400 : i32
    %add3A_28 = arith.addi %mul3A_26, %add3A_27 : i32
    "tpu.region"() ({
      %run_scoped3A = tpu.sem_alloc : memref<!tpu.dma_semaphore, #tpu.memory_space<semaphore_mem>>
      %dma_start3A = arith.constant 0 : i32
      %dma_start3A_50 = tpu.memref_slice %arg16[%add3A_28, %dma_start3A] : memref<10240x128xf32, #tpu.memory_space<vmem_shared>> -> memref<80x128xf32, #tpu.memory_space<vmem_shared>>
      %dma_start3A_51 = arith.constant 0 : i32
      %dma_start3A_52 = tpu.memref_slice %arg16[%add3A_28, %dma_start3A_51] : memref<10240x128xf32, #tpu.memory_space<vmem_shared>> -> memref<80x128xf32, #tpu.memory_space<vmem_shared>>
      tpu.enqueue_dma source(%arg15 : memref<80x128xf32, #tpu.memory_space<vmem>>) target(%dma_start3A_52 : memref<80x128xf32, #tpu.memory_space<vmem_shared>>) target_semaphore(%run_scoped3A : memref<!tpu.dma_semaphore, #tpu.memory_space<semaphore_mem>>)
      %dma_wait3A = arith.constant 0 : i32
      %dma_wait3A_53 = tpu.memref_slice %arg16[%add3A_28, %dma_wait3A] : memref<10240x128xf32, #tpu.memory_space<vmem_shared>> -> memref<80x128xf32, #tpu.memory_space<vmem_shared>>
      %dma_wait3A_54 = arith.constant 0 : i32
      %dma_wait3A_55 = tpu.memref_slice %arg16[%add3A_28, %dma_wait3A_54] : memref<10240x128xf32, #tpu.memory_space<vmem_shared>> -> memref<80x128xf32, #tpu.memory_space<vmem_shared>>
      tpu.wait_dma2 semaphore(%run_scoped3A : memref<!tpu.dma_semaphore, #tpu.memory_space<semaphore_mem>>) src(%arg15 : memref<80x128xf32, #tpu.memory_space<vmem>>) dst(%dma_wait3A_55 : memref<80x128xf32, #tpu.memory_space<vmem_shared>>)
      tpu.yield
    }) : () -> ()
    %mul3A_29 = arith.constant 640 : i32
    %mul3A_30 = arith.muli %arg1, %mul3A_29 : i32
    %add3A_31 = arith.constant 480 : i32
    %add3A_32 = arith.addi %mul3A_30, %add3A_31 : i32
    "tpu.region"() ({
      %run_scoped3A = tpu.sem_alloc : memref<!tpu.dma_semaphore, #tpu.memory_space<semaphore_mem>>
      %dma_start3A = arith.constant 0 : i32
      %dma_start3A_50 = tpu.memref_slice %arg16[%add3A_32, %dma_start3A] : memref<10240x128xf32, #tpu.memory_space<vmem_shared>> -> memref<80x128xf32, #tpu.memory_space<vmem_shared>>
      %dma_start3A_51 = arith.constant 0 : i32
      %dma_start3A_52 = tpu.memref_slice %arg16[%add3A_32, %dma_start3A_51] : memref<10240x128xf32, #tpu.memory_space<vmem_shared>> -> memref<80x128xf32, #tpu.memory_space<vmem_shared>>
      tpu.enqueue_dma source(%arg15 : memref<80x128xf32, #tpu.memory_space<vmem>>) target(%dma_start3A_52 : memref<80x128xf32, #tpu.memory_space<vmem_shared>>) target_semaphore(%run_scoped3A : memref<!tpu.dma_semaphore, #tpu.memory_space<semaphore_mem>>)
      %dma_wait3A = arith.constant 0 : i32
      %dma_wait3A_53 = tpu.memref_slice %arg16[%add3A_32, %dma_wait3A] : memref<10240x128xf32, #tpu.memory_space<vmem_shared>> -> memref<80x128xf32, #tpu.memory_space<vmem_shared>>
      %dma_wait3A_54 = arith.constant 0 : i32
      %dma_wait3A_55 = tpu.memref_slice %arg16[%add3A_32, %dma_wait3A_54] : memref<10240x128xf32, #tpu.memory_space<vmem_shared>> -> memref<80x128xf32, #tpu.memory_space<vmem_shared>>
      tpu.wait_dma2 semaphore(%run_scoped3A : memref<!tpu.dma_semaphore, #tpu.memory_space<semaphore_mem>>) src(%arg15 : memref<80x128xf32, #tpu.memory_space<vmem>>) dst(%dma_wait3A_55 : memref<80x128xf32, #tpu.memory_space<vmem_shared>>)
      tpu.yield
    }) : () -> ()
    %mul3A_33 = arith.constant 640 : i32
    %mul3A_34 = arith.muli %arg1, %mul3A_33 : i32
    %add3A_35 = arith.constant 560 : i32
    %add3A_36 = arith.addi %mul3A_34, %add3A_35 : i32
    "tpu.region"() ({
      %run_scoped3A = tpu.sem_alloc : memref<!tpu.dma_semaphore, #tpu.memory_space<semaphore_mem>>
      %dma_start3A = arith.constant 0 : i32
      %dma_start3A_50 = tpu.memref_slice %arg16[%add3A_36, %dma_start3A] : memref<10240x128xf32, #tpu.memory_space<vmem_shared>> -> memref<80x128xf32, #tpu.memory_space<vmem_shared>>
      %dma_start3A_51 = arith.constant 0 : i32
      %dma_start3A_52 = tpu.memref_slice %arg16[%add3A_36, %dma_start3A_51] : memref<10240x128xf32, #tpu.memory_space<vmem_shared>> -> memref<80x128xf32, #tpu.memory_space<vmem_shared>>
      tpu.enqueue_dma source(%arg15 : memref<80x128xf32, #tpu.memory_space<vmem>>) target(%dma_start3A_52 : memref<80x128xf32, #tpu.memory_space<vmem_shared>>) target_semaphore(%run_scoped3A : memref<!tpu.dma_semaphore, #tpu.memory_space<semaphore_mem>>)
      %dma_wait3A = arith.constant 0 : i32
      %dma_wait3A_53 = tpu.memref_slice %arg16[%add3A_36, %dma_wait3A] : memref<10240x128xf32, #tpu.memory_space<vmem_shared>> -> memref<80x128xf32, #tpu.memory_space<vmem_shared>>
      %dma_wait3A_54 = arith.constant 0 : i32
      %dma_wait3A_55 = tpu.memref_slice %arg16[%add3A_36, %dma_wait3A_54] : memref<10240x128xf32, #tpu.memory_space<vmem_shared>> -> memref<80x128xf32, #tpu.memory_space<vmem_shared>>
      tpu.wait_dma2 semaphore(%run_scoped3A : memref<!tpu.dma_semaphore, #tpu.memory_space<semaphore_mem>>) src(%arg15 : memref<80x128xf32, #tpu.memory_space<vmem>>) dst(%dma_wait3A_55 : memref<80x128xf32, #tpu.memory_space<vmem_shared>>)
      tpu.yield
    }) : () -> ()
    %barrier3A = arith.constant 0 : index
    tpu.barrier barrier_id(%barrier3A)
    %scan3A_37 = arith.constant 0 : i32
    %scan3A_38 = arith.constant 5 : i32
    %scan3A_39 = arith.addi %scan3A_37, %scan3A_38 : i32
    %scan3A_40 = arith.constant 1 : i32
    scf.for %scan3A_50 = %scan3A_37 to %scan3A_39 step %scan3A_40  : i32 {
      %mul3A_51 = arith.constant 10000 : i32
      %mul3A_52 = arith.muli %add3A, %mul3A_51 : i32
      %mul3A_53 = arith.constant 2000 : i32
      %mul3A_54 = arith.muli %scan3A_50, %mul3A_53 : i32
      %add3A_55 = arith.addi %mul3A_52, %mul3A_54 : i32
      "tpu.region"() ({
        %run_scoped3A = tpu.sem_alloc : memref<!tpu.dma_semaphore, #tpu.memory_space<semaphore_mem>>
        %dma_start3A = tpu.memref_slice %arg2[%add3A_55] : memref<320000xi32, #tpu.memory_space<hbm>> -> memref<2000xi32, #tpu.memory_space<hbm>>
        %dma_start3A_61 = tpu.memref_slice %arg2[%add3A_55] : memref<320000xi32, #tpu.memory_space<hbm>> -> memref<2000xi32, #tpu.memory_space<hbm>>
        tpu.enqueue_dma source(%dma_start3A_61 : memref<2000xi32, #tpu.memory_space<hbm>>) target(%arg9 : memref<2000xi32, #tpu.memory_space<vmem>>) target_semaphore(%run_scoped3A : memref<!tpu.dma_semaphore, #tpu.memory_space<semaphore_mem>>)
        %dma_wait3A = tpu.memref_slice %arg2[%add3A_55] : memref<320000xi32, #tpu.memory_space<hbm>> -> memref<2000xi32, #tpu.memory_space<hbm>>
        %dma_wait3A_62 = tpu.memref_slice %arg2[%add3A_55] : memref<320000xi32, #tpu.memory_space<hbm>> -> memref<2000xi32, #tpu.memory_space<hbm>>
        tpu.wait_dma2 semaphore(%run_scoped3A : memref<!tpu.dma_semaphore, #tpu.memory_space<semaphore_mem>>) src(%dma_wait3A_62 : memref<2000xi32, #tpu.memory_space<hbm>>) dst(%arg9 : memref<2000xi32, #tpu.memory_space<vmem>>)
        tpu.yield
      }) : () -> ()
      "tpu.region"() ({
        %run_scoped3A = tpu.sem_alloc : memref<!tpu.dma_semaphore, #tpu.memory_space<semaphore_mem>>
        %dma_start3A = tpu.memref_slice %arg3[%add3A_55] : memref<320000xi32, #tpu.memory_space<hbm>> -> memref<2000xi32, #tpu.memory_space<hbm>>
        %dma_start3A_61 = tpu.memref_slice %arg3[%add3A_55] : memref<320000xi32, #tpu.memory_space<hbm>> -> memref<2000xi32, #tpu.memory_space<hbm>>
        tpu.enqueue_dma source(%dma_start3A_61 : memref<2000xi32, #tpu.memory_space<hbm>>) target(%arg10 : memref<2000xi32, #tpu.memory_space<vmem>>) target_semaphore(%run_scoped3A : memref<!tpu.dma_semaphore, #tpu.memory_space<semaphore_mem>>)
        %dma_wait3A = tpu.memref_slice %arg3[%add3A_55] : memref<320000xi32, #tpu.memory_space<hbm>> -> memref<2000xi32, #tpu.memory_space<hbm>>
        %dma_wait3A_62 = tpu.memref_slice %arg3[%add3A_55] : memref<320000xi32, #tpu.memory_space<hbm>> -> memref<2000xi32, #tpu.memory_space<hbm>>
        tpu.wait_dma2 semaphore(%run_scoped3A : memref<!tpu.dma_semaphore, #tpu.memory_space<semaphore_mem>>) src(%dma_wait3A_62 : memref<2000xi32, #tpu.memory_space<hbm>>) dst(%arg10 : memref<2000xi32, #tpu.memory_space<vmem>>)
        tpu.yield
      }) : () -> ()
      "tpu.region"() ({
        %run_scoped3A = tpu.sem_alloc : memref<!tpu.dma_semaphore, #tpu.memory_space<semaphore_mem>>
        %dma_start3A = tpu.memref_slice %arg4[%add3A_55] : memref<320000xf32, #tpu.memory_space<hbm>> -> memref<2000xf32, #tpu.memory_space<hbm>>
        %dma_start3A_61 = tpu.memref_slice %arg4[%add3A_55] : memref<320000xf32, #tpu.memory_space<hbm>> -> memref<2000xf32, #tpu.memory_space<hbm>>
        tpu.enqueue_dma source(%dma_start3A_61 : memref<2000xf32, #tpu.memory_space<hbm>>) target(%arg11 : memref<2000xf32, #tpu.memory_space<vmem>>) target_semaphore(%run_scoped3A : memref<!tpu.dma_semaphore, #tpu.memory_space<semaphore_mem>>)
        %dma_wait3A = tpu.memref_slice %arg4[%add3A_55] : memref<320000xf32, #tpu.memory_space<hbm>> -> memref<2000xf32, #tpu.memory_space<hbm>>
        %dma_wait3A_62 = tpu.memref_slice %arg4[%add3A_55] : memref<320000xf32, #tpu.memory_space<hbm>> -> memref<2000xf32, #tpu.memory_space<hbm>>
        tpu.wait_dma2 semaphore(%run_scoped3A : memref<!tpu.dma_semaphore, #tpu.memory_space<semaphore_mem>>) src(%dma_wait3A_62 : memref<2000xf32, #tpu.memory_space<hbm>>) dst(%arg11 : memref<2000xf32, #tpu.memory_space<vmem>>)
        tpu.yield
      }) : () -> ()
      %scan3A_56 = arith.constant 0 : i32
      %scan3A_57 = arith.constant 25 : i32
      %scan3A_58 = arith.addi %scan3A_56, %scan3A_57 : i32
      %scan3A_59 = arith.constant 1 : i32
      scf.for %scan3A_61 = %scan3A_56 to %scan3A_58 step %scan3A_59  : i32 {
        %mul3A_62 = arith.constant 80 : i32
        %mul3A_63 = arith.muli %scan3A_61, %mul3A_62 : i32
        %add3A_64 = arith.constant 0 : i32
        %add3A_65 = arith.addi %mul3A_63, %add3A_64 : i32
        %get3A = arith.index_cast %add3A_65 : i32 to index
        %get3A_66 = tpu.vector_load %arg9[%get3A] {strides = array<i32>} : memref<2000xi32, #tpu.memory_space<vmem>>, vector<16xi32>,
        %swap3A = arith.constant 0 : index
        %swap3A_67 = tpu.vector_load %arg13[%swap3A] {strides = array<i32>} : memref<80xi32, #tpu.memory_space<vmem>>, vector<16xi32>,
        %swap3A_68 = vector.shape_cast %swap3A_67 : vector<16xi32> to vector<16xi32>
        %swap3A_69 = vector.shape_cast %get3A_66 : vector<16xi32> to vector<16xi32>
        tpu.vector_store %arg13[%swap3A], %swap3A_69 {strides = array<i32>} : memref<80xi32, #tpu.memory_space<vmem>>, vector<16xi32>,
        %add3A_70 = arith.constant 0 : i32
        %add3A_71 = arith.addi %mul3A_63, %add3A_70 : i32
        %get3A_72 = arith.index_cast %add3A_71 : i32 to index
        %get3A_73 = tpu.vector_load %arg10[%get3A_72] {strides = array<i32>} : memref<2000xi32, #tpu.memory_space<vmem>>, vector<16xi32>,
        %swap3A_74 = arith.constant 0 : index
        %swap3A_75 = tpu.vector_load %arg14[%swap3A_74] {strides = array<i32>} : memref<80xi32, #tpu.memory_space<vmem>>, vector<16xi32>,
        %swap3A_76 = vector.shape_cast %swap3A_75 : vector<16xi32> to vector<16xi32>
        %swap3A_77 = vector.shape_cast %get3A_73 : vector<16xi32> to vector<16xi32>
        tpu.vector_store %arg14[%swap3A_74], %swap3A_77 {strides = array<i32>} : memref<80xi32, #tpu.memory_space<vmem>>, vector<16xi32>,
        %add3A_78 = arith.constant 16 : i32
        %add3A_79 = arith.addi %mul3A_63, %add3A_78 : i32
        %get3A_80 = arith.index_cast %add3A_79 : i32 to index
        %get3A_81 = tpu.vector_load %arg9[%get3A_80] {strides = array<i32>} : memref<2000xi32, #tpu.memory_space<vmem>>, vector<16xi32>,
        %swap3A_82 = arith.constant 16 : index
        %swap3A_83 = tpu.vector_load %arg13[%swap3A_82] {strides = array<i32>} : memref<80xi32, #tpu.memory_space<vmem>>, vector<16xi32>,
        %swap3A_84 = vector.shape_cast %swap3A_83 : vector<16xi32> to vector<16xi32>
        %swap3A_85 = vector.shape_cast %get3A_81 : vector<16xi32> to vector<16xi32>
        tpu.vector_store %arg13[%swap3A_82], %swap3A_85 {strides = array<i32>} : memref<80xi32, #tpu.memory_space<vmem>>, vector<16xi32>,
        %add3A_86 = arith.constant 16 : i32
        %add3A_87 = arith.addi %mul3A_63, %add3A_86 : i32
        %get3A_88 = arith.index_cast %add3A_87 : i32 to index
        %get3A_89 = tpu.vector_load %arg10[%get3A_88] {strides = array<i32>} : memref<2000xi32, #tpu.memory_space<vmem>>, vector<16xi32>,
        %swap3A_90 = arith.constant 16 : index
        %swap3A_91 = tpu.vector_load %arg14[%swap3A_90] {strides = array<i32>} : memref<80xi32, #tpu.memory_space<vmem>>, vector<16xi32>,
        %swap3A_92 = vector.shape_cast %swap3A_91 : vector<16xi32> to vector<16xi32>
        %swap3A_93 = vector.shape_cast %get3A_89 : vector<16xi32> to vector<16xi32>
        tpu.vector_store %arg14[%swap3A_90], %swap3A_93 {strides = array<i32>} : memref<80xi32, #tpu.memory_space<vmem>>, vector<16xi32>,
        %add3A_94 = arith.constant 32 : i32
        %add3A_95 = arith.addi %mul3A_63, %add3A_94 : i32
        %get3A_96 = arith.index_cast %add3A_95 : i32 to index
        %get3A_97 = tpu.vector_load %arg9[%get3A_96] {strides = array<i32>} : memref<2000xi32, #tpu.memory_space<vmem>>, vector<16xi32>,
        %swap3A_98 = arith.constant 32 : index
        %swap3A_99 = tpu.vector_load %arg13[%swap3A_98] {strides = array<i32>} : memref<80xi32, #tpu.memory_space<vmem>>, vector<16xi32>,
        %swap3A_100 = vector.shape_cast %swap3A_99 : vector<16xi32> to vector<16xi32>
        %swap3A_101 = vector.shape_cast %get3A_97 : vector<16xi32> to vector<16xi32>
        tpu.vector_store %arg13[%swap3A_98], %swap3A_101 {strides = array<i32>} : memref<80xi32, #tpu.memory_space<vmem>>, vector<16xi32>,
        %add3A_102 = arith.constant 32 : i32
        %add3A_103 = arith.addi %mul3A_63, %add3A_102 : i32
        %get3A_104 = arith.index_cast %add3A_103 : i32 to index
        %get3A_105 = tpu.vector_load %arg10[%get3A_104] {strides = array<i32>} : memref<2000xi32, #tpu.memory_space<vmem>>, vector<16xi32>,
        %swap3A_106 = arith.constant 32 : index
        %swap3A_107 = tpu.vector_load %arg14[%swap3A_106] {strides = array<i32>} : memref<80xi32, #tpu.memory_space<vmem>>, vector<16xi32>,
        %swap3A_108 = vector.shape_cast %swap3A_107 : vector<16xi32> to vector<16xi32>
        %swap3A_109 = vector.shape_cast %get3A_105 : vector<16xi32> to vector<16xi32>
        tpu.vector_store %arg14[%swap3A_106], %swap3A_109 {strides = array<i32>} : memref<80xi32, #tpu.memory_space<vmem>>, vector<16xi32>,
        %add3A_110 = arith.constant 48 : i32
        %add3A_111 = arith.addi %mul3A_63, %add3A_110 : i32
        %get3A_112 = arith.index_cast %add3A_111 : i32 to index
        %get3A_113 = tpu.vector_load %arg9[%get3A_112] {strides = array<i32>} : memref<2000xi32, #tpu.memory_space<vmem>>, vector<16xi32>,
        %swap3A_114 = arith.constant 48 : index
        %swap3A_115 = tpu.vector_load %arg13[%swap3A_114] {strides = array<i32>} : memref<80xi32, #tpu.memory_space<vmem>>, vector<16xi32>,
        %swap3A_116 = vector.shape_cast %swap3A_115 : vector<16xi32> to vector<16xi32>
        %swap3A_117 = vector.shape_cast %get3A_113 : vector<16xi32> to vector<16xi32>
        tpu.vector_store %arg13[%swap3A_114], %swap3A_117 {strides = array<i32>} : memref<80xi32, #tpu.memory_space<vmem>>, vector<16xi32>,
        %add3A_118 = arith.constant 48 : i32
        %add3A_119 = arith.addi %mul3A_63, %add3A_118 : i32
        %get3A_120 = arith.index_cast %add3A_119 : i32 to index
        %get3A_121 = tpu.vector_load %arg10[%get3A_120] {strides = array<i32>} : memref<2000xi32, #tpu.memory_space<vmem>>, vector<16xi32>,
        %swap3A_122 = arith.constant 48 : index
        %swap3A_123 = tpu.vector_load %arg14[%swap3A_122] {strides = array<i32>} : memref<80xi32, #tpu.memory_space<vmem>>, vector<16xi32>,
        %swap3A_124 = vector.shape_cast %swap3A_123 : vector<16xi32> to vector<16xi32>
        %swap3A_125 = vector.shape_cast %get3A_121 : vector<16xi32> to vector<16xi32>
        tpu.vector_store %arg14[%swap3A_122], %swap3A_125 {strides = array<i32>} : memref<80xi32, #tpu.memory_space<vmem>>, vector<16xi32>,
        %add3A_126 = arith.constant 64 : i32
        %add3A_127 = arith.addi %mul3A_63, %add3A_126 : i32
        %get3A_128 = arith.index_cast %add3A_127 : i32 to index
        %get3A_129 = tpu.vector_load %arg9[%get3A_128] {strides = array<i32>} : memref<2000xi32, #tpu.memory_space<vmem>>, vector<16xi32>,
        %swap3A_130 = arith.constant 64 : index
        %swap3A_131 = tpu.vector_load %arg13[%swap3A_130] {strides = array<i32>} : memref<80xi32, #tpu.memory_space<vmem>>, vector<16xi32>,
        %swap3A_132 = vector.shape_cast %swap3A_131 : vector<16xi32> to vector<16xi32>
        %swap3A_133 = vector.shape_cast %get3A_129 : vector<16xi32> to vector<16xi32>
        tpu.vector_store %arg13[%swap3A_130], %swap3A_133 {strides = array<i32>} : memref<80xi32, #tpu.memory_space<vmem>>, vector<16xi32>,
        %add3A_134 = arith.constant 64 : i32
        %add3A_135 = arith.addi %mul3A_63, %add3A_134 : i32
        %get3A_136 = arith.index_cast %add3A_135 : i32 to index
        %get3A_137 = tpu.vector_load %arg10[%get3A_136] {strides = array<i32>} : memref<2000xi32, #tpu.memory_space<vmem>>, vector<16xi32>,
        %swap3A_138 = arith.constant 64 : index
        %swap3A_139 = tpu.vector_load %arg14[%swap3A_138] {strides = array<i32>} : memref<80xi32, #tpu.memory_space<vmem>>, vector<16xi32>,
        %swap3A_140 = vector.shape_cast %swap3A_139 : vector<16xi32> to vector<16xi32>
        %swap3A_141 = vector.shape_cast %get3A_137 : vector<16xi32> to vector<16xi32>
        tpu.vector_store %arg14[%swap3A_138], %swap3A_141 {strides = array<i32>} : memref<80xi32, #tpu.memory_space<vmem>>, vector<16xi32>,
        %dma_start3A = arith.constant 0 : i32
        %dma_start3A_142 = arith.constant 0 : i32
        %dma_start3A_143 = tpu.memref_slice %arg6[%dma_start3A, %dma_start3A_142] : memref<10000x128xf32, #tpu.memory_space<hbm>> -> memref<10000x128xf32, #tpu.memory_space<hbm>>
        tpu.enqueue_indirect_dma source(%dma_start3A_143 : memref<10000x128xf32, #tpu.memory_space<hbm>>) target(%arg15 : memref<80x128xf32, #tpu.memory_space<vmem>>) offsets(%arg13 : memref<80xi32, #tpu.memory_space<vmem>>) semaphore(%arg17 : memref<!tpu.dma_semaphore, #tpu.memory_space<semaphore_mem>>)
        %dma_wait3A = arith.constant 0 : i32
        %dma_wait3A_144 = arith.constant 0 : i32
        %dma_wait3A_145 = tpu.memref_slice %arg6[%dma_wait3A, %dma_wait3A_144] : memref<10000x128xf32, #tpu.memory_space<hbm>> -> memref<10000x128xf32, #tpu.memory_space<hbm>>
        tpu.wait_indirect_dma semaphore(%arg17 : memref<!tpu.dma_semaphore, #tpu.memory_space<semaphore_mem>>) src(%dma_wait3A_145 : memref<10000x128xf32, #tpu.memory_space<hbm>>) dst(%arg15 : memref<80x128xf32, #tpu.memory_space<vmem>>)
        %scan3A_146 = arith.constant 0 : i32
        %scan3A_147 = arith.constant 5 : i32
        %scan3A_148 = arith.addi %scan3A_146, %scan3A_147 : i32
        %scan3A_149 = arith.constant 1 : i32
        scf.for %scan3A_151 = %scan3A_146 to %scan3A_148 step %scan3A_149  : i32 {
          %mul3A_152 = arith.constant 16 : i32
          %mul3A_153 = arith.muli %scan3A_151, %mul3A_152 : i32
          %get3A_154 = arith.index_cast %mul3A_153 : i32 to index
          %get3A_155 = tpu.vector_load %arg13[%get3A_154] {strides = array<i32>} : memref<80xi32, #tpu.memory_space<vmem>>, vector<16xi32>,
          %get3A_156 = arith.index_cast %mul3A_153 : i32 to index
          %get3A_157 = tpu.vector_load %arg14[%get3A_156] {strides = array<i32>} : memref<80xi32, #tpu.memory_space<vmem>>, vector<16xi32>,
          %add3A_158 = arith.addi %mul3A_63, %mul3A_153 : i32
          %get3A_159 = arith.index_cast %add3A_158 : i32 to index
          %get3A_160 = tpu.vector_load %arg11[%get3A_159] {strides = array<i32>} : memref<2000xf32, #tpu.memory_space<vmem>>, vector<16xf32>,
          %gather3A = tpu.vector_load_idx %arg12[%get3A_155] : memref<10000xf32, #tpu.memory_space<vmem>>[vector<16xi32>], vector<16xf32>,
          %mul3A_161 = arith.mulf %gather3A, %get3A_160 : vector<16xf32>
          %gather3A_162 = tpu.vector_load_idx %arg12[%get3A_157] : memref<10000xf32, #tpu.memory_space<vmem>>[vector<16xi32>], vector<16xf32>,
          %mul3A_163 = arith.mulf %mul3A_161, %gather3A_162 : vector<16xf32>
          %iota3A = tpu.iota {dimensions = array<i32: 0>} : vector<16xi32>
          %add3A_164 = vector.broadcast %mul3A_153 : i32 to vector<16xi32>
          %add3A_165 = arith.addi %add3A_164, %iota3A : vector<16xi32>
          %broadcast_in_dim3A = arith.constant 0 : i32
          %broadcast_in_dim3A_166 = vector.broadcast %broadcast_in_dim3A : i32 to vector<16xi32>
          %gather3A_167 = tpu.vector_load_idx %arg15[%add3A_165, %broadcast_in_dim3A_166] : memref<80x128xf32, #tpu.memory_space<vmem>>[vector<16xi32>, vector<16xi32>], vector<16xf32>,
          %mul3A_168 = arith.mulf %gather3A_167, %mul3A_163 : vector<16xf32>
          tpu.vector_store_idx %arg15[%add3A_165, %broadcast_in_dim3A_166], %mul3A_168 : memref<80x128xf32, #tpu.memory_space<vmem>>[vector<16xi32>, vector<16xi32>], vector<16xf32>,
          %broadcast_in_dim3A_169 = arith.constant 1 : i32
          %broadcast_in_dim3A_170 = vector.broadcast %broadcast_in_dim3A_169 : i32 to vector<16xi32>
          %gather3A_171 = tpu.vector_load_idx %arg15[%add3A_165, %broadcast_in_dim3A_170] : memref<80x128xf32, #tpu.memory_space<vmem>>[vector<16xi32>, vector<16xi32>], vector<16xf32>,
          %mul3A_172 = arith.mulf %gather3A_171, %mul3A_163 : vector<16xf32>
          tpu.vector_store_idx %arg15[%add3A_165, %broadcast_in_dim3A_170], %mul3A_172 : memref<80x128xf32, #tpu.memory_space<vmem>>[vector<16xi32>, vector<16xi32>], vector<16xf32>,
          %broadcast_in_dim3A_173 = arith.constant 2 : i32
          %broadcast_in_dim3A_174 = vector.broadcast %broadcast_in_dim3A_173 : i32 to vector<16xi32>
          %gather3A_175 = tpu.vector_load_idx %arg15[%add3A_165, %broadcast_in_dim3A_174] : memref<80x128xf32, #tpu.memory_space<vmem>>[vector<16xi32>, vector<16xi32>], vector<16xf32>,
          %mul3A_176 = arith.mulf %gather3A_175, %mul3A_163 : vector<16xf32>
          tpu.vector_store_idx %arg15[%add3A_165, %broadcast_in_dim3A_174], %mul3A_176 : memref<80x128xf32, #tpu.memory_space<vmem>>[vector<16xi32>, vector<16xi32>], vector<16xf32>,
          %broadcast_in_dim3A_177 = arith.constant 3 : i32
          %broadcast_in_dim3A_178 = vector.broadcast %broadcast_in_dim3A_177 : i32 to vector<16xi32>
          %gather3A_179 = tpu.vector_load_idx %arg15[%add3A_165, %broadcast_in_dim3A_178] : memref<80x128xf32, #tpu.memory_space<vmem>>[vector<16xi32>, vector<16xi32>], vector<16xf32>,
          %mul3A_180 = arith.mulf %gather3A_179, %mul3A_163 : vector<16xf32>
          tpu.vector_store_idx %arg15[%add3A_165, %broadcast_in_dim3A_178], %mul3A_180 : memref<80x128xf32, #tpu.memory_space<vmem>>[vector<16xi32>, vector<16xi32>], vector<16xf32>,
          %broadcast_in_dim3A_181 = arith.constant 4 : i32
          %broadcast_in_dim3A_182 = vector.broadcast %broadcast_in_dim3A_181 : i32 to vector<16xi32>
          %gather3A_183 = tpu.vector_load_idx %arg15[%add3A_165, %broadcast_in_dim3A_182] : memref<80x128xf32, #tpu.memory_space<vmem>>[vector<16xi32>, vector<16xi32>], vector<16xf32>,
          %mul3A_184 = arith.mulf %gather3A_183, %mul3A_163 : vector<16xf32>
          tpu.vector_store_idx %arg15[%add3A_165, %broadcast_in_dim3A_182], %mul3A_184 : memref<80x128xf32, #tpu.memory_space<vmem>>[vector<16xi32>, vector<16xi32>], vector<16xf32>,
          %broadcast_in_dim3A_185 = arith.constant 5 : i32
          %broadcast_in_dim3A_186 = vector.broadcast %broadcast_in_dim3A_185 : i32 to vector<16xi32>
          %gather3A_187 = tpu.vector_load_idx %arg15[%add3A_165, %broadcast_in_dim3A_186] : memref<80x128xf32, #tpu.memory_space<vmem>>[vector<16xi32>, vector<16xi32>], vector<16xf32>,
          %mul3A_188 = arith.mulf %gather3A_187, %mul3A_163 : vector<16xf32>
          tpu.vector_store_idx %arg15[%add3A_165, %broadcast_in_dim3A_186], %mul3A_188 : memref<80x128xf32, #tpu.memory_space<vmem>>[vector<16xi32>, vector<16xi32>], vector<16xf32>,
          %broadcast_in_dim3A_189 = arith.constant 6 : i32
          %broadcast_in_dim3A_190 = vector.broadcast %broadcast_in_dim3A_189 : i32 to vector<16xi32>
          %gather3A_191 = tpu.vector_load_idx %arg15[%add3A_165, %broadcast_in_dim3A_190] : memref<80x128xf32, #tpu.memory_space<vmem>>[vector<16xi32>, vector<16xi32>], vector<16xf32>,
          %mul3A_192 = arith.mulf %gather3A_191, %mul3A_163 : vector<16xf32>
          tpu.vector_store_idx %arg15[%add3A_165, %broadcast_in_dim3A_190], %mul3A_192 : memref<80x128xf32, #tpu.memory_space<vmem>>[vector<16xi32>, vector<16xi32>], vector<16xf32>,
          %broadcast_in_dim3A_193 = arith.constant 7 : i32
          %broadcast_in_dim3A_194 = vector.broadcast %broadcast_in_dim3A_193 : i32 to vector<16xi32>
          %gather3A_195 = tpu.vector_load_idx %arg15[%add3A_165, %broadcast_in_dim3A_194] : memref<80x128xf32, #tpu.memory_space<vmem>>[vector<16xi32>, vector<16xi32>], vector<16xf32>,
          %mul3A_196 = arith.mulf %gather3A_195, %mul3A_163 : vector<16xf32>
          tpu.vector_store_idx %arg15[%add3A_165, %broadcast_in_dim3A_194], %mul3A_196 : memref<80x128xf32, #tpu.memory_space<vmem>>[vector<16xi32>, vector<16xi32>], vector<16xf32>,
          %broadcast_in_dim3A_197 = arith.constant 8 : i32
          %broadcast_in_dim3A_198 = vector.broadcast %broadcast_in_dim3A_197 : i32 to vector<16xi32>
          %gather3A_199 = tpu.vector_load_idx %arg15[%add3A_165, %broadcast_in_dim3A_198] : memref<80x128xf32, #tpu.memory_space<vmem>>[vector<16xi32>, vector<16xi32>], vector<16xf32>,
          %mul3A_200 = arith.mulf %gather3A_199, %mul3A_163 : vector<16xf32>
          tpu.vector_store_idx %arg15[%add3A_165, %broadcast_in_dim3A_198], %mul3A_200 : memref<80x128xf32, #tpu.memory_space<vmem>>[vector<16xi32>, vector<16xi32>], vector<16xf32>,
          %broadcast_in_dim3A_201 = arith.constant 9 : i32
          %broadcast_in_dim3A_202 = vector.broadcast %broadcast_in_dim3A_201 : i32 to vector<16xi32>
          %gather3A_203 = tpu.vector_load_idx %arg15[%add3A_165, %broadcast_in_dim3A_202] : memref<80x128xf32, #tpu.memory_space<vmem>>[vector<16xi32>, vector<16xi32>], vector<16xf32>,
          %mul3A_204 = arith.mulf %gather3A_203, %mul3A_163 : vector<16xf32>
          tpu.vector_store_idx %arg15[%add3A_165, %broadcast_in_dim3A_202], %mul3A_204 : memref<80x128xf32, #tpu.memory_space<vmem>>[vector<16xi32>, vector<16xi32>], vector<16xf32>,
          %broadcast_in_dim3A_205 = arith.constant 10 : i32
          %broadcast_in_dim3A_206 = vector.broadcast %broadcast_in_dim3A_205 : i32 to vector<16xi32>
          %gather3A_207 = tpu.vector_load_idx %arg15[%add3A_165, %broadcast_in_dim3A_206] : memref<80x128xf32, #tpu.memory_space<vmem>>[vector<16xi32>, vector<16xi32>], vector<16xf32>,
          %mul3A_208 = arith.mulf %gather3A_207, %mul3A_163 : vector<16xf32>
          tpu.vector_store_idx %arg15[%add3A_165, %broadcast_in_dim3A_206], %mul3A_208 : memref<80x128xf32, #tpu.memory_space<vmem>>[vector<16xi32>, vector<16xi32>], vector<16xf32>,
          %broadcast_in_dim3A_209 = arith.constant 11 : i32
          %broadcast_in_dim3A_210 = vector.broadcast %broadcast_in_dim3A_209 : i32 to vector<16xi32>
          %gather3A_211 = tpu.vector_load_idx %arg15[%add3A_165, %broadcast_in_dim3A_210] : memref<80x128xf32, #tpu.memory_space<vmem>>[vector<16xi32>, vector<16xi32>], vector<16xf32>,
          %mul3A_212 = arith.mulf %gather3A_211, %mul3A_163 : vector<16xf32>
          tpu.vector_store_idx %arg15[%add3A_165, %broadcast_in_dim3A_210], %mul3A_212 : memref<80x128xf32, #tpu.memory_space<vmem>>[vector<16xi32>, vector<16xi32>], vector<16xf32>,
          %broadcast_in_dim3A_213 = arith.constant 12 : i32
          %broadcast_in_dim3A_214 = vector.broadcast %broadcast_in_dim3A_213 : i32 to vector<16xi32>
          %gather3A_215 = tpu.vector_load_idx %arg15[%add3A_165, %broadcast_in_dim3A_214] : memref<80x128xf32, #tpu.memory_space<vmem>>[vector<16xi32>, vector<16xi32>], vector<16xf32>,
          %mul3A_216 = arith.mulf %gather3A_215, %mul3A_163 : vector<16xf32>
          tpu.vector_store_idx %arg15[%add3A_165, %broadcast_in_dim3A_214], %mul3A_216 : memref<80x128xf32, #tpu.memory_space<vmem>>[vector<16xi32>, vector<16xi32>], vector<16xf32>,
          %broadcast_in_dim3A_217 = arith.constant 13 : i32
          %broadcast_in_dim3A_218 = vector.broadcast %broadcast_in_dim3A_217 : i32 to vector<16xi32>
          %gather3A_219 = tpu.vector_load_idx %arg15[%add3A_165, %broadcast_in_dim3A_218] : memref<80x128xf32, #tpu.memory_space<vmem>>[vector<16xi32>, vector<16xi32>], vector<16xf32>,
          %mul3A_220 = arith.mulf %gather3A_219, %mul3A_163 : vector<16xf32>
          tpu.vector_store_idx %arg15[%add3A_165, %broadcast_in_dim3A_218], %mul3A_220 : memref<80x128xf32, #tpu.memory_space<vmem>>[vector<16xi32>, vector<16xi32>], vector<16xf32>,
          %broadcast_in_dim3A_221 = arith.constant 14 : i32
          %broadcast_in_dim3A_222 = vector.broadcast %broadcast_in_dim3A_221 : i32 to vector<16xi32>
          %gather3A_223 = tpu.vector_load_idx %arg15[%add3A_165, %broadcast_in_dim3A_222] : memref<80x128xf32, #tpu.memory_space<vmem>>[vector<16xi32>, vector<16xi32>], vector<16xf32>,
          %mul3A_224 = arith.mulf %gather3A_223, %mul3A_163 : vector<16xf32>
          tpu.vector_store_idx %arg15[%add3A_165, %broadcast_in_dim3A_222], %mul3A_224 : memref<80x128xf32, #tpu.memory_space<vmem>>[vector<16xi32>, vector<16xi32>], vector<16xf32>,
          %broadcast_in_dim3A_225 = arith.constant 15 : i32
          %broadcast_in_dim3A_226 = vector.broadcast %broadcast_in_dim3A_225 : i32 to vector<16xi32>
          %gather3A_227 = tpu.vector_load_idx %arg15[%add3A_165, %broadcast_in_dim3A_226] : memref<80x128xf32, #tpu.memory_space<vmem>>[vector<16xi32>, vector<16xi32>], vector<16xf32>,
          %mul3A_228 = arith.mulf %gather3A_227, %mul3A_163 : vector<16xf32>
          tpu.vector_store_idx %arg15[%add3A_165, %broadcast_in_dim3A_226], %mul3A_228 : memref<80x128xf32, #tpu.memory_space<vmem>>[vector<16xi32>, vector<16xi32>], vector<16xf32>,
          %broadcast_in_dim3A_229 = arith.constant 16 : i32
          %broadcast_in_dim3A_230 = vector.broadcast %broadcast_in_dim3A_229 : i32 to vector<16xi32>
          %gather3A_231 = tpu.vector_load_idx %arg15[%add3A_165, %broadcast_in_dim3A_230] : memref<80x128xf32, #tpu.memory_space<vmem>>[vector<16xi32>, vector<16xi32>], vector<16xf32>,
          %mul3A_232 = arith.mulf %gather3A_231, %mul3A_163 : vector<16xf32>
          tpu.vector_store_idx %arg15[%add3A_165, %broadcast_in_dim3A_230], %mul3A_232 : memref<80x128xf32, #tpu.memory_space<vmem>>[vector<16xi32>, vector<16xi32>], vector<16xf32>,
          %broadcast_in_dim3A_233 = arith.constant 17 : i32
          %broadcast_in_dim3A_234 = vector.broadcast %broadcast_in_dim3A_233 : i32 to vector<16xi32>
          %gather3A_235 = tpu.vector_load_idx %arg15[%add3A_165, %broadcast_in_dim3A_234] : memref<80x128xf32, #tpu.memory_space<vmem>>[vector<16xi32>, vector<16xi32>], vector<16xf32>,
          %mul3A_236 = arith.mulf %gather3A_235, %mul3A_163 : vector<16xf32>
          tpu.vector_store_idx %arg15[%add3A_165, %broadcast_in_dim3A_234], %mul3A_236 : memref<80x128xf32, #tpu.memory_space<vmem>>[vector<16xi32>, vector<16xi32>], vector<16xf32>,
          %broadcast_in_dim3A_237 = arith.constant 18 : i32
          %broadcast_in_dim3A_238 = vector.broadcast %broadcast_in_dim3A_237 : i32 to vector<16xi32>
          %gather3A_239 = tpu.vector_load_idx %arg15[%add3A_165, %broadcast_in_dim3A_238] : memref<80x128xf32, #tpu.memory_space<vmem>>[vector<16xi32>, vector<16xi32>], vector<16xf32>,
          %mul3A_240 = arith.mulf %gather3A_239, %mul3A_163 : vector<16xf32>
          tpu.vector_store_idx %arg15[%add3A_165, %broadcast_in_dim3A_238], %mul3A_240 : memref<80x128xf32, #tpu.memory_space<vmem>>[vector<16xi32>, vector<16xi32>], vector<16xf32>,
          %broadcast_in_dim3A_241 = arith.constant 19 : i32
          %broadcast_in_dim3A_242 = vector.broadcast %broadcast_in_dim3A_241 : i32 to vector<16xi32>
          %gather3A_243 = tpu.vector_load_idx %arg15[%add3A_165, %broadcast_in_dim3A_242] : memref<80x128xf32, #tpu.memory_space<vmem>>[vector<16xi32>, vector<16xi32>], vector<16xf32>,
          %mul3A_244 = arith.mulf %gather3A_243, %mul3A_163 : vector<16xf32>
          tpu.vector_store_idx %arg15[%add3A_165, %broadcast_in_dim3A_242], %mul3A_244 : memref<80x128xf32, #tpu.memory_space<vmem>>[vector<16xi32>, vector<16xi32>], vector<16xf32>,
          %broadcast_in_dim3A_245 = arith.constant 20 : i32
          %broadcast_in_dim3A_246 = vector.broadcast %broadcast_in_dim3A_245 : i32 to vector<16xi32>
          %gather3A_247 = tpu.vector_load_idx %arg15[%add3A_165, %broadcast_in_dim3A_246] : memref<80x128xf32, #tpu.memory_space<vmem>>[vector<16xi32>, vector<16xi32>], vector<16xf32>,
          %mul3A_248 = arith.mulf %gather3A_247, %mul3A_163 : vector<16xf32>
          tpu.vector_store_idx %arg15[%add3A_165, %broadcast_in_dim3A_246], %mul3A_248 : memref<80x128xf32, #tpu.memory_space<vmem>>[vector<16xi32>, vector<16xi32>], vector<16xf32>,
          %broadcast_in_dim3A_249 = arith.constant 21 : i32
          %broadcast_in_dim3A_250 = vector.broadcast %broadcast_in_dim3A_249 : i32 to vector<16xi32>
          %gather3A_251 = tpu.vector_load_idx %arg15[%add3A_165, %broadcast_in_dim3A_250] : memref<80x128xf32, #tpu.memory_space<vmem>>[vector<16xi32>, vector<16xi32>], vector<16xf32>,
          %mul3A_252 = arith.mulf %gather3A_251, %mul3A_163 : vector<16xf32>
          tpu.vector_store_idx %arg15[%add3A_165, %broadcast_in_dim3A_250], %mul3A_252 : memref<80x128xf32, #tpu.memory_space<vmem>>[vector<16xi32>, vector<16xi32>], vector<16xf32>,
          %broadcast_in_dim3A_253 = arith.constant 22 : i32
          %broadcast_in_dim3A_254 = vector.broadcast %broadcast_in_dim3A_253 : i32 to vector<16xi32>
          %gather3A_255 = tpu.vector_load_idx %arg15[%add3A_165, %broadcast_in_dim3A_254] : memref<80x128xf32, #tpu.memory_space<vmem>>[vector<16xi32>, vector<16xi32>], vector<16xf32>,
          %mul3A_256 = arith.mulf %gather3A_255, %mul3A_163 : vector<16xf32>
          tpu.vector_store_idx %arg15[%add3A_165, %broadcast_in_dim3A_254], %mul3A_256 : memref<80x128xf32, #tpu.memory_space<vmem>>[vector<16xi32>, vector<16xi32>], vector<16xf32>,
          %broadcast_in_dim3A_257 = arith.constant 23 : i32
          %broadcast_in_dim3A_258 = vector.broadcast %broadcast_in_dim3A_257 : i32 to vector<16xi32>
          %gather3A_259 = tpu.vector_load_idx %arg15[%add3A_165, %broadcast_in_dim3A_258] : memref<80x128xf32, #tpu.memory_space<vmem>>[vector<16xi32>, vector<16xi32>], vector<16xf32>,
          %mul3A_260 = arith.mulf %gather3A_259, %mul3A_163 : vector<16xf32>
          tpu.vector_store_idx %arg15[%add3A_165, %broadcast_in_dim3A_258], %mul3A_260 : memref<80x128xf32, #tpu.memory_space<vmem>>[vector<16xi32>, vector<16xi32>], vector<16xf32>,
          %broadcast_in_dim3A_261 = arith.constant 24 : i32
          %broadcast_in_dim3A_262 = vector.broadcast %broadcast_in_dim3A_261 : i32 to vector<16xi32>
          %gather3A_263 = tpu.vector_load_idx %arg15[%add3A_165, %broadcast_in_dim3A_262] : memref<80x128xf32, #tpu.memory_space<vmem>>[vector<16xi32>, vector<16xi32>], vector<16xf32>,
          %mul3A_264 = arith.mulf %gather3A_263, %mul3A_163 : vector<16xf32>
          tpu.vector_store_idx %arg15[%add3A_165, %broadcast_in_dim3A_262], %mul3A_264 : memref<80x128xf32, #tpu.memory_space<vmem>>[vector<16xi32>, vector<16xi32>], vector<16xf32>,
          %broadcast_in_dim3A_265 = arith.constant 25 : i32
          %broadcast_in_dim3A_266 = vector.broadcast %broadcast_in_dim3A_265 : i32 to vector<16xi32>
          %gather3A_267 = tpu.vector_load_idx %arg15[%add3A_165, %broadcast_in_dim3A_266] : memref<80x128xf32, #tpu.memory_space<vmem>>[vector<16xi32>, vector<16xi32>], vector<16xf32>,
          %mul3A_268 = arith.mulf %gather3A_267, %mul3A_163 : vector<16xf32>
          tpu.vector_store_idx %arg15[%add3A_165, %broadcast_in_dim3A_266], %mul3A_268 : memref<80x128xf32, #tpu.memory_space<vmem>>[vector<16xi32>, vector<16xi32>], vector<16xf32>,
          %broadcast_in_dim3A_269 = arith.constant 26 : i32
          %broadcast_in_dim3A_270 = vector.broadcast %broadcast_in_dim3A_269 : i32 to vector<16xi32>
          %gather3A_271 = tpu.vector_load_idx %arg15[%add3A_165, %broadcast_in_dim3A_270] : memref<80x128xf32, #tpu.memory_space<vmem>>[vector<16xi32>, vector<16xi32>], vector<16xf32>,
          %mul3A_272 = arith.mulf %gather3A_271, %mul3A_163 : vector<16xf32>
          tpu.vector_store_idx %arg15[%add3A_165, %broadcast_in_dim3A_270], %mul3A_272 : memref<80x128xf32, #tpu.memory_space<vmem>>[vector<16xi32>, vector<16xi32>], vector<16xf32>,
          %broadcast_in_dim3A_273 = arith.constant 27 : i32
          %broadcast_in_dim3A_274 = vector.broadcast %broadcast_in_dim3A_273 : i32 to vector<16xi32>
          %gather3A_275 = tpu.vector_load_idx %arg15[%add3A_165, %broadcast_in_dim3A_274] : memref<80x128xf32, #tpu.memory_space<vmem>>[vector<16xi32>, vector<16xi32>], vector<16xf32>,
          %mul3A_276 = arith.mulf %gather3A_275, %mul3A_163 : vector<16xf32>
          tpu.vector_store_idx %arg15[%add3A_165, %broadcast_in_dim3A_274], %mul3A_276 : memref<80x128xf32, #tpu.memory_space<vmem>>[vector<16xi32>, vector<16xi32>], vector<16xf32>,
          %broadcast_in_dim3A_277 = arith.constant 28 : i32
          %broadcast_in_dim3A_278 = vector.broadcast %broadcast_in_dim3A_277 : i32 to vector<16xi32>
          %gather3A_279 = tpu.vector_load_idx %arg15[%add3A_165, %broadcast_in_dim3A_278] : memref<80x128xf32, #tpu.memory_space<vmem>>[vector<16xi32>, vector<16xi32>], vector<16xf32>,
          %mul3A_280 = arith.mulf %gather3A_279, %mul3A_163 : vector<16xf32>
          tpu.vector_store_idx %arg15[%add3A_165, %broadcast_in_dim3A_278], %mul3A_280 : memref<80x128xf32, #tpu.memory_space<vmem>>[vector<16xi32>, vector<16xi32>], vector<16xf32>,
          %broadcast_in_dim3A_281 = arith.constant 29 : i32
          %broadcast_in_dim3A_282 = vector.broadcast %broadcast_in_dim3A_281 : i32 to vector<16xi32>
          %gather3A_283 = tpu.vector_load_idx %arg15[%add3A_165, %broadcast_in_dim3A_282] : memref<80x128xf32, #tpu.memory_space<vmem>>[vector<16xi32>, vector<16xi32>], vector<16xf32>,
          %mul3A_284 = arith.mulf %gather3A_283, %mul3A_163 : vector<16xf32>
          tpu.vector_store_idx %arg15[%add3A_165, %broadcast_in_dim3A_282], %mul3A_284 : memref<80x128xf32, #tpu.memory_space<vmem>>[vector<16xi32>, vector<16xi32>], vector<16xf32>,
          %broadcast_in_dim3A_285 = arith.constant 30 : i32
          %broadcast_in_dim3A_286 = vector.broadcast %broadcast_in_dim3A_285 : i32 to vector<16xi32>
          %gather3A_287 = tpu.vector_load_idx %arg15[%add3A_165, %broadcast_in_dim3A_286] : memref<80x128xf32, #tpu.memory_space<vmem>>[vector<16xi32>, vector<16xi32>], vector<16xf32>,
          %mul3A_288 = arith.mulf %gather3A_287, %mul3A_163 : vector<16xf32>
          tpu.vector_store_idx %arg15[%add3A_165, %broadcast_in_dim3A_286], %mul3A_288 : memref<80x128xf32, #tpu.memory_space<vmem>>[vector<16xi32>, vector<16xi32>], vector<16xf32>,
          %broadcast_in_dim3A_289 = arith.constant 31 : i32
          %broadcast_in_dim3A_290 = vector.broadcast %broadcast_in_dim3A_289 : i32 to vector<16xi32>
          %gather3A_291 = tpu.vector_load_idx %arg15[%add3A_165, %broadcast_in_dim3A_290] : memref<80x128xf32, #tpu.memory_space<vmem>>[vector<16xi32>, vector<16xi32>], vector<16xf32>,
          %mul3A_292 = arith.mulf %gather3A_291, %mul3A_163 : vector<16xf32>
          tpu.vector_store_idx %arg15[%add3A_165, %broadcast_in_dim3A_290], %mul3A_292 : memref<80x128xf32, #tpu.memory_space<vmem>>[vector<16xi32>, vector<16xi32>], vector<16xf32>,
          %broadcast_in_dim3A_293 = arith.constant 32 : i32
          %broadcast_in_dim3A_294 = vector.broadcast %broadcast_in_dim3A_293 : i32 to vector<16xi32>
          %gather3A_295 = tpu.vector_load_idx %arg15[%add3A_165, %broadcast_in_dim3A_294] : memref<80x128xf32, #tpu.memory_space<vmem>>[vector<16xi32>, vector<16xi32>], vector<16xf32>,
          %mul3A_296 = arith.mulf %gather3A_295, %mul3A_163 : vector<16xf32>
          tpu.vector_store_idx %arg15[%add3A_165, %broadcast_in_dim3A_294], %mul3A_296 : memref<80x128xf32, #tpu.memory_space<vmem>>[vector<16xi32>, vector<16xi32>], vector<16xf32>,
          %broadcast_in_dim3A_297 = arith.constant 33 : i32
          %broadcast_in_dim3A_298 = vector.broadcast %broadcast_in_dim3A_297 : i32 to vector<16xi32>
          %gather3A_299 = tpu.vector_load_idx %arg15[%add3A_165, %broadcast_in_dim3A_298] : memref<80x128xf32, #tpu.memory_space<vmem>>[vector<16xi32>, vector<16xi32>], vector<16xf32>,
          %mul3A_300 = arith.mulf %gather3A_299, %mul3A_163 : vector<16xf32>
          tpu.vector_store_idx %arg15[%add3A_165, %broadcast_in_dim3A_298], %mul3A_300 : memref<80x128xf32, #tpu.memory_space<vmem>>[vector<16xi32>, vector<16xi32>], vector<16xf32>,
          %broadcast_in_dim3A_301 = arith.constant 34 : i32
          %broadcast_in_dim3A_302 = vector.broadcast %broadcast_in_dim3A_301 : i32 to vector<16xi32>
          %gather3A_303 = tpu.vector_load_idx %arg15[%add3A_165, %broadcast_in_dim3A_302] : memref<80x128xf32, #tpu.memory_space<vmem>>[vector<16xi32>, vector<16xi32>], vector<16xf32>,
          %mul3A_304 = arith.mulf %gather3A_303, %mul3A_163 : vector<16xf32>
          tpu.vector_store_idx %arg15[%add3A_165, %broadcast_in_dim3A_302], %mul3A_304 : memref<80x128xf32, #tpu.memory_space<vmem>>[vector<16xi32>, vector<16xi32>], vector<16xf32>,
          %broadcast_in_dim3A_305 = arith.constant 35 : i32
          %broadcast_in_dim3A_306 = vector.broadcast %broadcast_in_dim3A_305 : i32 to vector<16xi32>
          %gather3A_307 = tpu.vector_load_idx %arg15[%add3A_165, %broadcast_in_dim3A_306] : memref<80x128xf32, #tpu.memory_space<vmem>>[vector<16xi32>, vector<16xi32>], vector<16xf32>,
          %mul3A_308 = arith.mulf %gather3A_307, %mul3A_163 : vector<16xf32>
          tpu.vector_store_idx %arg15[%add3A_165, %broadcast_in_dim3A_306], %mul3A_308 : memref<80x128xf32, #tpu.memory_space<vmem>>[vector<16xi32>, vector<16xi32>], vector<16xf32>,
          %broadcast_in_dim3A_309 = arith.constant 36 : i32
          %broadcast_in_dim3A_310 = vector.broadcast %broadcast_in_dim3A_309 : i32 to vector<16xi32>
          %gather3A_311 = tpu.vector_load_idx %arg15[%add3A_165, %broadcast_in_dim3A_310] : memref<80x128xf32, #tpu.memory_space<vmem>>[vector<16xi32>, vector<16xi32>], vector<16xf32>,
          %mul3A_312 = arith.mulf %gather3A_311, %mul3A_163 : vector<16xf32>
          tpu.vector_store_idx %arg15[%add3A_165, %broadcast_in_dim3A_310], %mul3A_312 : memref<80x128xf32, #tpu.memory_space<vmem>>[vector<16xi32>, vector<16xi32>], vector<16xf32>,
          %broadcast_in_dim3A_313 = arith.constant 37 : i32
          %broadcast_in_dim3A_314 = vector.broadcast %broadcast_in_dim3A_313 : i32 to vector<16xi32>
          %gather3A_315 = tpu.vector_load_idx %arg15[%add3A_165, %broadcast_in_dim3A_314] : memref<80x128xf32, #tpu.memory_space<vmem>>[vector<16xi32>, vector<16xi32>], vector<16xf32>,
          %mul3A_316 = arith.mulf %gather3A_315, %mul3A_163 : vector<16xf32>
          tpu.vector_store_idx %arg15[%add3A_165, %broadcast_in_dim3A_314], %mul3A_316 : memref<80x128xf32, #tpu.memory_space<vmem>>[vector<16xi32>, vector<16xi32>], vector<16xf32>,
          %broadcast_in_dim3A_317 = arith.constant 38 : i32
          %broadcast_in_dim3A_318 = vector.broadcast %broadcast_in_dim3A_317 : i32 to vector<16xi32>
          %gather3A_319 = tpu.vector_load_idx %arg15[%add3A_165, %broadcast_in_dim3A_318] : memref<80x128xf32, #tpu.memory_space<vmem>>[vector<16xi32>, vector<16xi32>], vector<16xf32>,
          %mul3A_320 = arith.mulf %gather3A_319, %mul3A_163 : vector<16xf32>
          tpu.vector_store_idx %arg15[%add3A_165, %broadcast_in_dim3A_318], %mul3A_320 : memref<80x128xf32, #tpu.memory_space<vmem>>[vector<16xi32>, vector<16xi32>], vector<16xf32>,
          %broadcast_in_dim3A_321 = arith.constant 39 : i32
          %broadcast_in_dim3A_322 = vector.broadcast %broadcast_in_dim3A_321 : i32 to vector<16xi32>
          %gather3A_323 = tpu.vector_load_idx %arg15[%add3A_165, %broadcast_in_dim3A_322] : memref<80x128xf32, #tpu.memory_space<vmem>>[vector<16xi32>, vector<16xi32>], vector<16xf32>,
          %mul3A_324 = arith.mulf %gather3A_323, %mul3A_163 : vector<16xf32>
          tpu.vector_store_idx %arg15[%add3A_165, %broadcast_in_dim3A_322], %mul3A_324 : memref<80x128xf32, #tpu.memory_space<vmem>>[vector<16xi32>, vector<16xi32>], vector<16xf32>,
          %broadcast_in_dim3A_325 = arith.constant 40 : i32
          %broadcast_in_dim3A_326 = vector.broadcast %broadcast_in_dim3A_325 : i32 to vector<16xi32>
          %gather3A_327 = tpu.vector_load_idx %arg15[%add3A_165, %broadcast_in_dim3A_326] : memref<80x128xf32, #tpu.memory_space<vmem>>[vector<16xi32>, vector<16xi32>], vector<16xf32>,
          %mul3A_328 = arith.mulf %gather3A_327, %mul3A_163 : vector<16xf32>
          tpu.vector_store_idx %arg15[%add3A_165, %broadcast_in_dim3A_326], %mul3A_328 : memref<80x128xf32, #tpu.memory_space<vmem>>[vector<16xi32>, vector<16xi32>], vector<16xf32>,
          %broadcast_in_dim3A_329 = arith.constant 41 : i32
          %broadcast_in_dim3A_330 = vector.broadcast %broadcast_in_dim3A_329 : i32 to vector<16xi32>
          %gather3A_331 = tpu.vector_load_idx %arg15[%add3A_165, %broadcast_in_dim3A_330] : memref<80x128xf32, #tpu.memory_space<vmem>>[vector<16xi32>, vector<16xi32>], vector<16xf32>,
          %mul3A_332 = arith.mulf %gather3A_331, %mul3A_163 : vector<16xf32>
          tpu.vector_store_idx %arg15[%add3A_165, %broadcast_in_dim3A_330], %mul3A_332 : memref<80x128xf32, #tpu.memory_space<vmem>>[vector<16xi32>, vector<16xi32>], vector<16xf32>,
          %broadcast_in_dim3A_333 = arith.constant 42 : i32
          %broadcast_in_dim3A_334 = vector.broadcast %broadcast_in_dim3A_333 : i32 to vector<16xi32>
          %gather3A_335 = tpu.vector_load_idx %arg15[%add3A_165, %broadcast_in_dim3A_334] : memref<80x128xf32, #tpu.memory_space<vmem>>[vector<16xi32>, vector<16xi32>], vector<16xf32>,
          %mul3A_336 = arith.mulf %gather3A_335, %mul3A_163 : vector<16xf32>
          tpu.vector_store_idx %arg15[%add3A_165, %broadcast_in_dim3A_334], %mul3A_336 : memref<80x128xf32, #tpu.memory_space<vmem>>[vector<16xi32>, vector<16xi32>], vector<16xf32>,
          %broadcast_in_dim3A_337 = arith.constant 43 : i32
          %broadcast_in_dim3A_338 = vector.broadcast %broadcast_in_dim3A_337 : i32 to vector<16xi32>
          %gather3A_339 = tpu.vector_load_idx %arg15[%add3A_165, %broadcast_in_dim3A_338] : memref<80x128xf32, #tpu.memory_space<vmem>>[vector<16xi32>, vector<16xi32>], vector<16xf32>,
          %mul3A_340 = arith.mulf %gather3A_339, %mul3A_163 : vector<16xf32>
          tpu.vector_store_idx %arg15[%add3A_165, %broadcast_in_dim3A_338], %mul3A_340 : memref<80x128xf32, #tpu.memory_space<vmem>>[vector<16xi32>, vector<16xi32>], vector<16xf32>,
          %broadcast_in_dim3A_341 = arith.constant 44 : i32
          %broadcast_in_dim3A_342 = vector.broadcast %broadcast_in_dim3A_341 : i32 to vector<16xi32>
          %gather3A_343 = tpu.vector_load_idx %arg15[%add3A_165, %broadcast_in_dim3A_342] : memref<80x128xf32, #tpu.memory_space<vmem>>[vector<16xi32>, vector<16xi32>], vector<16xf32>,
          %mul3A_344 = arith.mulf %gather3A_343, %mul3A_163 : vector<16xf32>
          tpu.vector_store_idx %arg15[%add3A_165, %broadcast_in_dim3A_342], %mul3A_344 : memref<80x128xf32, #tpu.memory_space<vmem>>[vector<16xi32>, vector<16xi32>], vector<16xf32>,
          %broadcast_in_dim3A_345 = arith.constant 45 : i32
          %broadcast_in_dim3A_346 = vector.broadcast %broadcast_in_dim3A_345 : i32 to vector<16xi32>
          %gather3A_347 = tpu.vector_load_idx %arg15[%add3A_165, %broadcast_in_dim3A_346] : memref<80x128xf32, #tpu.memory_space<vmem>>[vector<16xi32>, vector<16xi32>], vector<16xf32>,
          %mul3A_348 = arith.mulf %gather3A_347, %mul3A_163 : vector<16xf32>
          tpu.vector_store_idx %arg15[%add3A_165, %broadcast_in_dim3A_346], %mul3A_348 : memref<80x128xf32, #tpu.memory_space<vmem>>[vector<16xi32>, vector<16xi32>], vector<16xf32>,
          %broadcast_in_dim3A_349 = arith.constant 46 : i32
          %broadcast_in_dim3A_350 = vector.broadcast %broadcast_in_dim3A_349 : i32 to vector<16xi32>
          %gather3A_351 = tpu.vector_load_idx %arg15[%add3A_165, %broadcast_in_dim3A_350] : memref<80x128xf32, #tpu.memory_space<vmem>>[vector<16xi32>, vector<16xi32>], vector<16xf32>,
          %mul3A_352 = arith.mulf %gather3A_351, %mul3A_163 : vector<16xf32>
          tpu.vector_store_idx %arg15[%add3A_165, %broadcast_in_dim3A_350], %mul3A_352 : memref<80x128xf32, #tpu.memory_space<vmem>>[vector<16xi32>, vector<16xi32>], vector<16xf32>,
          %broadcast_in_dim3A_353 = arith.constant 47 : i32
          %broadcast_in_dim3A_354 = vector.broadcast %broadcast_in_dim3A_353 : i32 to vector<16xi32>
          %gather3A_355 = tpu.vector_load_idx %arg15[%add3A_165, %broadcast_in_dim3A_354] : memref<80x128xf32, #tpu.memory_space<vmem>>[vector<16xi32>, vector<16xi32>], vector<16xf32>,
          %mul3A_356 = arith.mulf %gather3A_355, %mul3A_163 : vector<16xf32>
          tpu.vector_store_idx %arg15[%add3A_165, %broadcast_in_dim3A_354], %mul3A_356 : memref<80x128xf32, #tpu.memory_space<vmem>>[vector<16xi32>, vector<16xi32>], vector<16xf32>,
          %broadcast_in_dim3A_357 = arith.constant 48 : i32
          %broadcast_in_dim3A_358 = vector.broadcast %broadcast_in_dim3A_357 : i32 to vector<16xi32>
          %gather3A_359 = tpu.vector_load_idx %arg15[%add3A_165, %broadcast_in_dim3A_358] : memref<80x128xf32, #tpu.memory_space<vmem>>[vector<16xi32>, vector<16xi32>], vector<16xf32>,
          %mul3A_360 = arith.mulf %gather3A_359, %mul3A_163 : vector<16xf32>
          tpu.vector_store_idx %arg15[%add3A_165, %broadcast_in_dim3A_358], %mul3A_360 : memref<80x128xf32, #tpu.memory_space<vmem>>[vector<16xi32>, vector<16xi32>], vector<16xf32>,
          %broadcast_in_dim3A_361 = arith.constant 49 : i32
          %broadcast_in_dim3A_362 = vector.broadcast %broadcast_in_dim3A_361 : i32 to vector<16xi32>
          %gather3A_363 = tpu.vector_load_idx %arg15[%add3A_165, %broadcast_in_dim3A_362] : memref<80x128xf32, #tpu.memory_space<vmem>>[vector<16xi32>, vector<16xi32>], vector<16xf32>,
          %mul3A_364 = arith.mulf %gather3A_363, %mul3A_163 : vector<16xf32>
          tpu.vector_store_idx %arg15[%add3A_165, %broadcast_in_dim3A_362], %mul3A_364 : memref<80x128xf32, #tpu.memory_space<vmem>>[vector<16xi32>, vector<16xi32>], vector<16xf32>,
          %broadcast_in_dim3A_365 = arith.constant 50 : i32
          %broadcast_in_dim3A_366 = vector.broadcast %broadcast_in_dim3A_365 : i32 to vector<16xi32>
          %gather3A_367 = tpu.vector_load_idx %arg15[%add3A_165, %broadcast_in_dim3A_366] : memref<80x128xf32, #tpu.memory_space<vmem>>[vector<16xi32>, vector<16xi32>], vector<16xf32>,
          %mul3A_368 = arith.mulf %gather3A_367, %mul3A_163 : vector<16xf32>
          tpu.vector_store_idx %arg15[%add3A_165, %broadcast_in_dim3A_366], %mul3A_368 : memref<80x128xf32, #tpu.memory_space<vmem>>[vector<16xi32>, vector<16xi32>], vector<16xf32>,
          %broadcast_in_dim3A_369 = arith.constant 51 : i32
          %broadcast_in_dim3A_370 = vector.broadcast %broadcast_in_dim3A_369 : i32 to vector<16xi32>
          %gather3A_371 = tpu.vector_load_idx %arg15[%add3A_165, %broadcast_in_dim3A_370] : memref<80x128xf32, #tpu.memory_space<vmem>>[vector<16xi32>, vector<16xi32>], vector<16xf32>,
          %mul3A_372 = arith.mulf %gather3A_371, %mul3A_163 : vector<16xf32>
          tpu.vector_store_idx %arg15[%add3A_165, %broadcast_in_dim3A_370], %mul3A_372 : memref<80x128xf32, #tpu.memory_space<vmem>>[vector<16xi32>, vector<16xi32>], vector<16xf32>,
          %broadcast_in_dim3A_373 = arith.constant 52 : i32
          %broadcast_in_dim3A_374 = vector.broadcast %broadcast_in_dim3A_373 : i32 to vector<16xi32>
          %gather3A_375 = tpu.vector_load_idx %arg15[%add3A_165, %broadcast_in_dim3A_374] : memref<80x128xf32, #tpu.memory_space<vmem>>[vector<16xi32>, vector<16xi32>], vector<16xf32>,
          %mul3A_376 = arith.mulf %gather3A_375, %mul3A_163 : vector<16xf32>
          tpu.vector_store_idx %arg15[%add3A_165, %broadcast_in_dim3A_374], %mul3A_376 : memref<80x128xf32, #tpu.memory_space<vmem>>[vector<16xi32>, vector<16xi32>], vector<16xf32>,
          %broadcast_in_dim3A_377 = arith.constant 53 : i32
          %broadcast_in_dim3A_378 = vector.broadcast %broadcast_in_dim3A_377 : i32 to vector<16xi32>
          %gather3A_379 = tpu.vector_load_idx %arg15[%add3A_165, %broadcast_in_dim3A_378] : memref<80x128xf32, #tpu.memory_space<vmem>>[vector<16xi32>, vector<16xi32>], vector<16xf32>,
          %mul3A_380 = arith.mulf %gather3A_379, %mul3A_163 : vector<16xf32>
          tpu.vector_store_idx %arg15[%add3A_165, %broadcast_in_dim3A_378], %mul3A_380 : memref<80x128xf32, #tpu.memory_space<vmem>>[vector<16xi32>, vector<16xi32>], vector<16xf32>,
          %broadcast_in_dim3A_381 = arith.constant 54 : i32
          %broadcast_in_dim3A_382 = vector.broadcast %broadcast_in_dim3A_381 : i32 to vector<16xi32>
          %gather3A_383 = tpu.vector_load_idx %arg15[%add3A_165, %broadcast_in_dim3A_382] : memref<80x128xf32, #tpu.memory_space<vmem>>[vector<16xi32>, vector<16xi32>], vector<16xf32>,
          %mul3A_384 = arith.mulf %gather3A_383, %mul3A_163 : vector<16xf32>
          tpu.vector_store_idx %arg15[%add3A_165, %broadcast_in_dim3A_382], %mul3A_384 : memref<80x128xf32, #tpu.memory_space<vmem>>[vector<16xi32>, vector<16xi32>], vector<16xf32>,
          %broadcast_in_dim3A_385 = arith.constant 55 : i32
          %broadcast_in_dim3A_386 = vector.broadcast %broadcast_in_dim3A_385 : i32 to vector<16xi32>
          %gather3A_387 = tpu.vector_load_idx %arg15[%add3A_165, %broadcast_in_dim3A_386] : memref<80x128xf32, #tpu.memory_space<vmem>>[vector<16xi32>, vector<16xi32>], vector<16xf32>,
          %mul3A_388 = arith.mulf %gather3A_387, %mul3A_163 : vector<16xf32>
          tpu.vector_store_idx %arg15[%add3A_165, %broadcast_in_dim3A_386], %mul3A_388 : memref<80x128xf32, #tpu.memory_space<vmem>>[vector<16xi32>, vector<16xi32>], vector<16xf32>,
          %broadcast_in_dim3A_389 = arith.constant 56 : i32
          %broadcast_in_dim3A_390 = vector.broadcast %broadcast_in_dim3A_389 : i32 to vector<16xi32>
          %gather3A_391 = tpu.vector_load_idx %arg15[%add3A_165, %broadcast_in_dim3A_390] : memref<80x128xf32, #tpu.memory_space<vmem>>[vector<16xi32>, vector<16xi32>], vector<16xf32>,
          %mul3A_392 = arith.mulf %gather3A_391, %mul3A_163 : vector<16xf32>
          tpu.vector_store_idx %arg15[%add3A_165, %broadcast_in_dim3A_390], %mul3A_392 : memref<80x128xf32, #tpu.memory_space<vmem>>[vector<16xi32>, vector<16xi32>], vector<16xf32>,
          %broadcast_in_dim3A_393 = arith.constant 57 : i32
          %broadcast_in_dim3A_394 = vector.broadcast %broadcast_in_dim3A_393 : i32 to vector<16xi32>
          %gather3A_395 = tpu.vector_load_idx %arg15[%add3A_165, %broadcast_in_dim3A_394] : memref<80x128xf32, #tpu.memory_space<vmem>>[vector<16xi32>, vector<16xi32>], vector<16xf32>,
          %mul3A_396 = arith.mulf %gather3A_395, %mul3A_163 : vector<16xf32>
          tpu.vector_store_idx %arg15[%add3A_165, %broadcast_in_dim3A_394], %mul3A_396 : memref<80x128xf32, #tpu.memory_space<vmem>>[vector<16xi32>, vector<16xi32>], vector<16xf32>,
          %broadcast_in_dim3A_397 = arith.constant 58 : i32
          %broadcast_in_dim3A_398 = vector.broadcast %broadcast_in_dim3A_397 : i32 to vector<16xi32>
          %gather3A_399 = tpu.vector_load_idx %arg15[%add3A_165, %broadcast_in_dim3A_398] : memref<80x128xf32, #tpu.memory_space<vmem>>[vector<16xi32>, vector<16xi32>], vector<16xf32>,
          %mul3A_400 = arith.mulf %gather3A_399, %mul3A_163 : vector<16xf32>
          tpu.vector_store_idx %arg15[%add3A_165, %broadcast_in_dim3A_398], %mul3A_400 : memref<80x128xf32, #tpu.memory_space<vmem>>[vector<16xi32>, vector<16xi32>], vector<16xf32>,
          %broadcast_in_dim3A_401 = arith.constant 59 : i32
          %broadcast_in_dim3A_402 = vector.broadcast %broadcast_in_dim3A_401 : i32 to vector<16xi32>
          %gather3A_403 = tpu.vector_load_idx %arg15[%add3A_165, %broadcast_in_dim3A_402] : memref<80x128xf32, #tpu.memory_space<vmem>>[vector<16xi32>, vector<16xi32>], vector<16xf32>,
          %mul3A_404 = arith.mulf %gather3A_403, %mul3A_163 : vector<16xf32>
          tpu.vector_store_idx %arg15[%add3A_165, %broadcast_in_dim3A_402], %mul3A_404 : memref<80x128xf32, #tpu.memory_space<vmem>>[vector<16xi32>, vector<16xi32>], vector<16xf32>,
          %broadcast_in_dim3A_405 = arith.constant 60 : i32
          %broadcast_in_dim3A_406 = vector.broadcast %broadcast_in_dim3A_405 : i32 to vector<16xi32>
          %gather3A_407 = tpu.vector_load_idx %arg15[%add3A_165, %broadcast_in_dim3A_406] : memref<80x128xf32, #tpu.memory_space<vmem>>[vector<16xi32>, vector<16xi32>], vector<16xf32>,
          %mul3A_408 = arith.mulf %gather3A_407, %mul3A_163 : vector<16xf32>
          tpu.vector_store_idx %arg15[%add3A_165, %broadcast_in_dim3A_406], %mul3A_408 : memref<80x128xf32, #tpu.memory_space<vmem>>[vector<16xi32>, vector<16xi32>], vector<16xf32>,
          %broadcast_in_dim3A_409 = arith.constant 61 : i32
          %broadcast_in_dim3A_410 = vector.broadcast %broadcast_in_dim3A_409 : i32 to vector<16xi32>
          %gather3A_411 = tpu.vector_load_idx %arg15[%add3A_165, %broadcast_in_dim3A_410] : memref<80x128xf32, #tpu.memory_space<vmem>>[vector<16xi32>, vector<16xi32>], vector<16xf32>,
          %mul3A_412 = arith.mulf %gather3A_411, %mul3A_163 : vector<16xf32>
          tpu.vector_store_idx %arg15[%add3A_165, %broadcast_in_dim3A_410], %mul3A_412 : memref<80x128xf32, #tpu.memory_space<vmem>>[vector<16xi32>, vector<16xi32>], vector<16xf32>,
          %broadcast_in_dim3A_413 = arith.constant 62 : i32
          %broadcast_in_dim3A_414 = vector.broadcast %broadcast_in_dim3A_413 : i32 to vector<16xi32>
          %gather3A_415 = tpu.vector_load_idx %arg15[%add3A_165, %broadcast_in_dim3A_414] : memref<80x128xf32, #tpu.memory_space<vmem>>[vector<16xi32>, vector<16xi32>], vector<16xf32>,
          %mul3A_416 = arith.mulf %gather3A_415, %mul3A_163 : vector<16xf32>
          tpu.vector_store_idx %arg15[%add3A_165, %broadcast_in_dim3A_414], %mul3A_416 : memref<80x128xf32, #tpu.memory_space<vmem>>[vector<16xi32>, vector<16xi32>], vector<16xf32>,
          %broadcast_in_dim3A_417 = arith.constant 63 : i32
          %broadcast_in_dim3A_418 = vector.broadcast %broadcast_in_dim3A_417 : i32 to vector<16xi32>
          %gather3A_419 = tpu.vector_load_idx %arg15[%add3A_165, %broadcast_in_dim3A_418] : memref<80x128xf32, #tpu.memory_space<vmem>>[vector<16xi32>, vector<16xi32>], vector<16xf32>,
          %mul3A_420 = arith.mulf %gather3A_419, %mul3A_163 : vector<16xf32>
          tpu.vector_store_idx %arg15[%add3A_165, %broadcast_in_dim3A_418], %mul3A_420 : memref<80x128xf32, #tpu.memory_space<vmem>>[vector<16xi32>, vector<16xi32>], vector<16xf32>,
          %broadcast_in_dim3A_421 = arith.constant 64 : i32
          %broadcast_in_dim3A_422 = vector.broadcast %broadcast_in_dim3A_421 : i32 to vector<16xi32>
          %gather3A_423 = tpu.vector_load_idx %arg15[%add3A_165, %broadcast_in_dim3A_422] : memref<80x128xf32, #tpu.memory_space<vmem>>[vector<16xi32>, vector<16xi32>], vector<16xf32>,
          %mul3A_424 = arith.mulf %gather3A_423, %mul3A_163 : vector<16xf32>
          tpu.vector_store_idx %arg15[%add3A_165, %broadcast_in_dim3A_422], %mul3A_424 : memref<80x128xf32, #tpu.memory_space<vmem>>[vector<16xi32>, vector<16xi32>], vector<16xf32>,
          %broadcast_in_dim3A_425 = arith.constant 65 : i32
          %broadcast_in_dim3A_426 = vector.broadcast %broadcast_in_dim3A_425 : i32 to vector<16xi32>
          %gather3A_427 = tpu.vector_load_idx %arg15[%add3A_165, %broadcast_in_dim3A_426] : memref<80x128xf32, #tpu.memory_space<vmem>>[vector<16xi32>, vector<16xi32>], vector<16xf32>,
          %mul3A_428 = arith.mulf %gather3A_427, %mul3A_163 : vector<16xf32>
          tpu.vector_store_idx %arg15[%add3A_165, %broadcast_in_dim3A_426], %mul3A_428 : memref<80x128xf32, #tpu.memory_space<vmem>>[vector<16xi32>, vector<16xi32>], vector<16xf32>,
          %broadcast_in_dim3A_429 = arith.constant 66 : i32
          %broadcast_in_dim3A_430 = vector.broadcast %broadcast_in_dim3A_429 : i32 to vector<16xi32>
          %gather3A_431 = tpu.vector_load_idx %arg15[%add3A_165, %broadcast_in_dim3A_430] : memref<80x128xf32, #tpu.memory_space<vmem>>[vector<16xi32>, vector<16xi32>], vector<16xf32>,
          %mul3A_432 = arith.mulf %gather3A_431, %mul3A_163 : vector<16xf32>
          tpu.vector_store_idx %arg15[%add3A_165, %broadcast_in_dim3A_430], %mul3A_432 : memref<80x128xf32, #tpu.memory_space<vmem>>[vector<16xi32>, vector<16xi32>], vector<16xf32>,
          %broadcast_in_dim3A_433 = arith.constant 67 : i32
          %broadcast_in_dim3A_434 = vector.broadcast %broadcast_in_dim3A_433 : i32 to vector<16xi32>
          %gather3A_435 = tpu.vector_load_idx %arg15[%add3A_165, %broadcast_in_dim3A_434] : memref<80x128xf32, #tpu.memory_space<vmem>>[vector<16xi32>, vector<16xi32>], vector<16xf32>,
          %mul3A_436 = arith.mulf %gather3A_435, %mul3A_163 : vector<16xf32>
          tpu.vector_store_idx %arg15[%add3A_165, %broadcast_in_dim3A_434], %mul3A_436 : memref<80x128xf32, #tpu.memory_space<vmem>>[vector<16xi32>, vector<16xi32>], vector<16xf32>,
          %broadcast_in_dim3A_437 = arith.constant 68 : i32
          %broadcast_in_dim3A_438 = vector.broadcast %broadcast_in_dim3A_437 : i32 to vector<16xi32>
          %gather3A_439 = tpu.vector_load_idx %arg15[%add3A_165, %broadcast_in_dim3A_438] : memref<80x128xf32, #tpu.memory_space<vmem>>[vector<16xi32>, vector<16xi32>], vector<16xf32>,
          %mul3A_440 = arith.mulf %gather3A_439, %mul3A_163 : vector<16xf32>
          tpu.vector_store_idx %arg15[%add3A_165, %broadcast_in_dim3A_438], %mul3A_440 : memref<80x128xf32, #tpu.memory_space<vmem>>[vector<16xi32>, vector<16xi32>], vector<16xf32>,
          %broadcast_in_dim3A_441 = arith.constant 69 : i32
          %broadcast_in_dim3A_442 = vector.broadcast %broadcast_in_dim3A_441 : i32 to vector<16xi32>
          %gather3A_443 = tpu.vector_load_idx %arg15[%add3A_165, %broadcast_in_dim3A_442] : memref<80x128xf32, #tpu.memory_space<vmem>>[vector<16xi32>, vector<16xi32>], vector<16xf32>,
          %mul3A_444 = arith.mulf %gather3A_443, %mul3A_163 : vector<16xf32>
          tpu.vector_store_idx %arg15[%add3A_165, %broadcast_in_dim3A_442], %mul3A_444 : memref<80x128xf32, #tpu.memory_space<vmem>>[vector<16xi32>, vector<16xi32>], vector<16xf32>,
          %broadcast_in_dim3A_445 = arith.constant 70 : i32
          %broadcast_in_dim3A_446 = vector.broadcast %broadcast_in_dim3A_445 : i32 to vector<16xi32>
          %gather3A_447 = tpu.vector_load_idx %arg15[%add3A_165, %broadcast_in_dim3A_446] : memref<80x128xf32, #tpu.memory_space<vmem>>[vector<16xi32>, vector<16xi32>], vector<16xf32>,
          %mul3A_448 = arith.mulf %gather3A_447, %mul3A_163 : vector<16xf32>
          tpu.vector_store_idx %arg15[%add3A_165, %broadcast_in_dim3A_446], %mul3A_448 : memref<80x128xf32, #tpu.memory_space<vmem>>[vector<16xi32>, vector<16xi32>], vector<16xf32>,
          %broadcast_in_dim3A_449 = arith.constant 71 : i32
          %broadcast_in_dim3A_450 = vector.broadcast %broadcast_in_dim3A_449 : i32 to vector<16xi32>
          %gather3A_451 = tpu.vector_load_idx %arg15[%add3A_165, %broadcast_in_dim3A_450] : memref<80x128xf32, #tpu.memory_space<vmem>>[vector<16xi32>, vector<16xi32>], vector<16xf32>,
          %mul3A_452 = arith.mulf %gather3A_451, %mul3A_163 : vector<16xf32>
          tpu.vector_store_idx %arg15[%add3A_165, %broadcast_in_dim3A_450], %mul3A_452 : memref<80x128xf32, #tpu.memory_space<vmem>>[vector<16xi32>, vector<16xi32>], vector<16xf32>,
          %broadcast_in_dim3A_453 = arith.constant 72 : i32
          %broadcast_in_dim3A_454 = vector.broadcast %broadcast_in_dim3A_453 : i32 to vector<16xi32>
          %gather3A_455 = tpu.vector_load_idx %arg15[%add3A_165, %broadcast_in_dim3A_454] : memref<80x128xf32, #tpu.memory_space<vmem>>[vector<16xi32>, vector<16xi32>], vector<16xf32>,
          %mul3A_456 = arith.mulf %gather3A_455, %mul3A_163 : vector<16xf32>
          tpu.vector_store_idx %arg15[%add3A_165, %broadcast_in_dim3A_454], %mul3A_456 : memref<80x128xf32, #tpu.memory_space<vmem>>[vector<16xi32>, vector<16xi32>], vector<16xf32>,
          %broadcast_in_dim3A_457 = arith.constant 73 : i32
          %broadcast_in_dim3A_458 = vector.broadcast %broadcast_in_dim3A_457 : i32 to vector<16xi32>
          %gather3A_459 = tpu.vector_load_idx %arg15[%add3A_165, %broadcast_in_dim3A_458] : memref<80x128xf32, #tpu.memory_space<vmem>>[vector<16xi32>, vector<16xi32>], vector<16xf32>,
          %mul3A_460 = arith.mulf %gather3A_459, %mul3A_163 : vector<16xf32>
          tpu.vector_store_idx %arg15[%add3A_165, %broadcast_in_dim3A_458], %mul3A_460 : memref<80x128xf32, #tpu.memory_space<vmem>>[vector<16xi32>, vector<16xi32>], vector<16xf32>,
          %broadcast_in_dim3A_461 = arith.constant 74 : i32
          %broadcast_in_dim3A_462 = vector.broadcast %broadcast_in_dim3A_461 : i32 to vector<16xi32>
          %gather3A_463 = tpu.vector_load_idx %arg15[%add3A_165, %broadcast_in_dim3A_462] : memref<80x128xf32, #tpu.memory_space<vmem>>[vector<16xi32>, vector<16xi32>], vector<16xf32>,
          %mul3A_464 = arith.mulf %gather3A_463, %mul3A_163 : vector<16xf32>
          tpu.vector_store_idx %arg15[%add3A_165, %broadcast_in_dim3A_462], %mul3A_464 : memref<80x128xf32, #tpu.memory_space<vmem>>[vector<16xi32>, vector<16xi32>], vector<16xf32>,
          %broadcast_in_dim3A_465 = arith.constant 75 : i32
          %broadcast_in_dim3A_466 = vector.broadcast %broadcast_in_dim3A_465 : i32 to vector<16xi32>
          %gather3A_467 = tpu.vector_load_idx %arg15[%add3A_165, %broadcast_in_dim3A_466] : memref<80x128xf32, #tpu.memory_space<vmem>>[vector<16xi32>, vector<16xi32>], vector<16xf32>,
          %mul3A_468 = arith.mulf %gather3A_467, %mul3A_163 : vector<16xf32>
          tpu.vector_store_idx %arg15[%add3A_165, %broadcast_in_dim3A_466], %mul3A_468 : memref<80x128xf32, #tpu.memory_space<vmem>>[vector<16xi32>, vector<16xi32>], vector<16xf32>,
          %broadcast_in_dim3A_469 = arith.constant 76 : i32
          %broadcast_in_dim3A_470 = vector.broadcast %broadcast_in_dim3A_469 : i32 to vector<16xi32>
          %gather3A_471 = tpu.vector_load_idx %arg15[%add3A_165, %broadcast_in_dim3A_470] : memref<80x128xf32, #tpu.memory_space<vmem>>[vector<16xi32>, vector<16xi32>], vector<16xf32>,
          %mul3A_472 = arith.mulf %gather3A_471, %mul3A_163 : vector<16xf32>
          tpu.vector_store_idx %arg15[%add3A_165, %broadcast_in_dim3A_470], %mul3A_472 : memref<80x128xf32, #tpu.memory_space<vmem>>[vector<16xi32>, vector<16xi32>], vector<16xf32>,
          %broadcast_in_dim3A_473 = arith.constant 77 : i32
          %broadcast_in_dim3A_474 = vector.broadcast %broadcast_in_dim3A_473 : i32 to vector<16xi32>
          %gather3A_475 = tpu.vector_load_idx %arg15[%add3A_165, %broadcast_in_dim3A_474] : memref<80x128xf32, #tpu.memory_space<vmem>>[vector<16xi32>, vector<16xi32>], vector<16xf32>,
          %mul3A_476 = arith.mulf %gather3A_475, %mul3A_163 : vector<16xf32>
          tpu.vector_store_idx %arg15[%add3A_165, %broadcast_in_dim3A_474], %mul3A_476 : memref<80x128xf32, #tpu.memory_space<vmem>>[vector<16xi32>, vector<16xi32>], vector<16xf32>,
          %broadcast_in_dim3A_477 = arith.constant 78 : i32
          %broadcast_in_dim3A_478 = vector.broadcast %broadcast_in_dim3A_477 : i32 to vector<16xi32>
          %gather3A_479 = tpu.vector_load_idx %arg15[%add3A_165, %broadcast_in_dim3A_478] : memref<80x128xf32, #tpu.memory_space<vmem>>[vector<16xi32>, vector<16xi32>], vector<16xf32>,
          %mul3A_480 = arith.mulf %gather3A_479, %mul3A_163 : vector<16xf32>
          tpu.vector_store_idx %arg15[%add3A_165, %broadcast_in_dim3A_478], %mul3A_480 : memref<80x128xf32, #tpu.memory_space<vmem>>[vector<16xi32>, vector<16xi32>], vector<16xf32>,
          %broadcast_in_dim3A_481 = arith.constant 79 : i32
          %broadcast_in_dim3A_482 = vector.broadcast %broadcast_in_dim3A_481 : i32 to vector<16xi32>
          %gather3A_483 = tpu.vector_load_idx %arg15[%add3A_165, %broadcast_in_dim3A_482] : memref<80x128xf32, #tpu.memory_space<vmem>>[vector<16xi32>, vector<16xi32>], vector<16xf32>,
          %mul3A_484 = arith.mulf %gather3A_483, %mul3A_163 : vector<16xf32>
          tpu.vector_store_idx %arg15[%add3A_165, %broadcast_in_dim3A_482], %mul3A_484 : memref<80x128xf32, #tpu.memory_space<vmem>>[vector<16xi32>, vector<16xi32>], vector<16xf32>,
          %broadcast_in_dim3A_485 = arith.constant 80 : i32
          %broadcast_in_dim3A_486 = vector.broadcast %broadcast_in_dim3A_485 : i32 to vector<16xi32>
          %gather3A_487 = tpu.vector_load_idx %arg15[%add3A_165, %broadcast_in_dim3A_486] : memref<80x128xf32, #tpu.memory_space<vmem>>[vector<16xi32>, vector<16xi32>], vector<16xf32>,
          %mul3A_488 = arith.mulf %gather3A_487, %mul3A_163 : vector<16xf32>
          tpu.vector_store_idx %arg15[%add3A_165, %broadcast_in_dim3A_486], %mul3A_488 : memref<80x128xf32, #tpu.memory_space<vmem>>[vector<16xi32>, vector<16xi32>], vector<16xf32>,
          %broadcast_in_dim3A_489 = arith.constant 81 : i32
          %broadcast_in_dim3A_490 = vector.broadcast %broadcast_in_dim3A_489 : i32 to vector<16xi32>
          %gather3A_491 = tpu.vector_load_idx %arg15[%add3A_165, %broadcast_in_dim3A_490] : memref<80x128xf32, #tpu.memory_space<vmem>>[vector<16xi32>, vector<16xi32>], vector<16xf32>,
          %mul3A_492 = arith.mulf %gather3A_491, %mul3A_163 : vector<16xf32>
          tpu.vector_store_idx %arg15[%add3A_165, %broadcast_in_dim3A_490], %mul3A_492 : memref<80x128xf32, #tpu.memory_space<vmem>>[vector<16xi32>, vector<16xi32>], vector<16xf32>,
          %broadcast_in_dim3A_493 = arith.constant 82 : i32
          %broadcast_in_dim3A_494 = vector.broadcast %broadcast_in_dim3A_493 : i32 to vector<16xi32>
          %gather3A_495 = tpu.vector_load_idx %arg15[%add3A_165, %broadcast_in_dim3A_494] : memref<80x128xf32, #tpu.memory_space<vmem>>[vector<16xi32>, vector<16xi32>], vector<16xf32>,
          %mul3A_496 = arith.mulf %gather3A_495, %mul3A_163 : vector<16xf32>
          tpu.vector_store_idx %arg15[%add3A_165, %broadcast_in_dim3A_494], %mul3A_496 : memref<80x128xf32, #tpu.memory_space<vmem>>[vector<16xi32>, vector<16xi32>], vector<16xf32>,
          %broadcast_in_dim3A_497 = arith.constant 83 : i32
          %broadcast_in_dim3A_498 = vector.broadcast %broadcast_in_dim3A_497 : i32 to vector<16xi32>
          %gather3A_499 = tpu.vector_load_idx %arg15[%add3A_165, %broadcast_in_dim3A_498] : memref<80x128xf32, #tpu.memory_space<vmem>>[vector<16xi32>, vector<16xi32>], vector<16xf32>,
          %mul3A_500 = arith.mulf %gather3A_499, %mul3A_163 : vector<16xf32>
          tpu.vector_store_idx %arg15[%add3A_165, %broadcast_in_dim3A_498], %mul3A_500 : memref<80x128xf32, #tpu.memory_space<vmem>>[vector<16xi32>, vector<16xi32>], vector<16xf32>,
          %broadcast_in_dim3A_501 = arith.constant 84 : i32
          %broadcast_in_dim3A_502 = vector.broadcast %broadcast_in_dim3A_501 : i32 to vector<16xi32>
          %gather3A_503 = tpu.vector_load_idx %arg15[%add3A_165, %broadcast_in_dim3A_502] : memref<80x128xf32, #tpu.memory_space<vmem>>[vector<16xi32>, vector<16xi32>], vector<16xf32>,
          %mul3A_504 = arith.mulf %gather3A_503, %mul3A_163 : vector<16xf32>
          tpu.vector_store_idx %arg15[%add3A_165, %broadcast_in_dim3A_502], %mul3A_504 : memref<80x128xf32, #tpu.memory_space<vmem>>[vector<16xi32>, vector<16xi32>], vector<16xf32>,
          %broadcast_in_dim3A_505 = arith.constant 85 : i32
          %broadcast_in_dim3A_506 = vector.broadcast %broadcast_in_dim3A_505 : i32 to vector<16xi32>
          %gather3A_507 = tpu.vector_load_idx %arg15[%add3A_165, %broadcast_in_dim3A_506] : memref<80x128xf32, #tpu.memory_space<vmem>>[vector<16xi32>, vector<16xi32>], vector<16xf32>,
          %mul3A_508 = arith.mulf %gather3A_507, %mul3A_163 : vector<16xf32>
          tpu.vector_store_idx %arg15[%add3A_165, %broadcast_in_dim3A_506], %mul3A_508 : memref<80x128xf32, #tpu.memory_space<vmem>>[vector<16xi32>, vector<16xi32>], vector<16xf32>,
          %broadcast_in_dim3A_509 = arith.constant 86 : i32
          %broadcast_in_dim3A_510 = vector.broadcast %broadcast_in_dim3A_509 : i32 to vector<16xi32>
          %gather3A_511 = tpu.vector_load_idx %arg15[%add3A_165, %broadcast_in_dim3A_510] : memref<80x128xf32, #tpu.memory_space<vmem>>[vector<16xi32>, vector<16xi32>], vector<16xf32>,
          %mul3A_512 = arith.mulf %gather3A_511, %mul3A_163 : vector<16xf32>
          tpu.vector_store_idx %arg15[%add3A_165, %broadcast_in_dim3A_510], %mul3A_512 : memref<80x128xf32, #tpu.memory_space<vmem>>[vector<16xi32>, vector<16xi32>], vector<16xf32>,
          %broadcast_in_dim3A_513 = arith.constant 87 : i32
          %broadcast_in_dim3A_514 = vector.broadcast %broadcast_in_dim3A_513 : i32 to vector<16xi32>
          %gather3A_515 = tpu.vector_load_idx %arg15[%add3A_165, %broadcast_in_dim3A_514] : memref<80x128xf32, #tpu.memory_space<vmem>>[vector<16xi32>, vector<16xi32>], vector<16xf32>,
          %mul3A_516 = arith.mulf %gather3A_515, %mul3A_163 : vector<16xf32>
          tpu.vector_store_idx %arg15[%add3A_165, %broadcast_in_dim3A_514], %mul3A_516 : memref<80x128xf32, #tpu.memory_space<vmem>>[vector<16xi32>, vector<16xi32>], vector<16xf32>,
          %broadcast_in_dim3A_517 = arith.constant 88 : i32
          %broadcast_in_dim3A_518 = vector.broadcast %broadcast_in_dim3A_517 : i32 to vector<16xi32>
          %gather3A_519 = tpu.vector_load_idx %arg15[%add3A_165, %broadcast_in_dim3A_518] : memref<80x128xf32, #tpu.memory_space<vmem>>[vector<16xi32>, vector<16xi32>], vector<16xf32>,
          %mul3A_520 = arith.mulf %gather3A_519, %mul3A_163 : vector<16xf32>
          tpu.vector_store_idx %arg15[%add3A_165, %broadcast_in_dim3A_518], %mul3A_520 : memref<80x128xf32, #tpu.memory_space<vmem>>[vector<16xi32>, vector<16xi32>], vector<16xf32>,
          %broadcast_in_dim3A_521 = arith.constant 89 : i32
          %broadcast_in_dim3A_522 = vector.broadcast %broadcast_in_dim3A_521 : i32 to vector<16xi32>
          %gather3A_523 = tpu.vector_load_idx %arg15[%add3A_165, %broadcast_in_dim3A_522] : memref<80x128xf32, #tpu.memory_space<vmem>>[vector<16xi32>, vector<16xi32>], vector<16xf32>,
          %mul3A_524 = arith.mulf %gather3A_523, %mul3A_163 : vector<16xf32>
          tpu.vector_store_idx %arg15[%add3A_165, %broadcast_in_dim3A_522], %mul3A_524 : memref<80x128xf32, #tpu.memory_space<vmem>>[vector<16xi32>, vector<16xi32>], vector<16xf32>,
          %broadcast_in_dim3A_525 = arith.constant 90 : i32
          %broadcast_in_dim3A_526 = vector.broadcast %broadcast_in_dim3A_525 : i32 to vector<16xi32>
          %gather3A_527 = tpu.vector_load_idx %arg15[%add3A_165, %broadcast_in_dim3A_526] : memref<80x128xf32, #tpu.memory_space<vmem>>[vector<16xi32>, vector<16xi32>], vector<16xf32>,
          %mul3A_528 = arith.mulf %gather3A_527, %mul3A_163 : vector<16xf32>
          tpu.vector_store_idx %arg15[%add3A_165, %broadcast_in_dim3A_526], %mul3A_528 : memref<80x128xf32, #tpu.memory_space<vmem>>[vector<16xi32>, vector<16xi32>], vector<16xf32>,
          %broadcast_in_dim3A_529 = arith.constant 91 : i32
          %broadcast_in_dim3A_530 = vector.broadcast %broadcast_in_dim3A_529 : i32 to vector<16xi32>
          %gather3A_531 = tpu.vector_load_idx %arg15[%add3A_165, %broadcast_in_dim3A_530] : memref<80x128xf32, #tpu.memory_space<vmem>>[vector<16xi32>, vector<16xi32>], vector<16xf32>,
          %mul3A_532 = arith.mulf %gather3A_531, %mul3A_163 : vector<16xf32>
          tpu.vector_store_idx %arg15[%add3A_165, %broadcast_in_dim3A_530], %mul3A_532 : memref<80x128xf32, #tpu.memory_space<vmem>>[vector<16xi32>, vector<16xi32>], vector<16xf32>,
          %broadcast_in_dim3A_533 = arith.constant 92 : i32
          %broadcast_in_dim3A_534 = vector.broadcast %broadcast_in_dim3A_533 : i32 to vector<16xi32>
          %gather3A_535 = tpu.vector_load_idx %arg15[%add3A_165, %broadcast_in_dim3A_534] : memref<80x128xf32, #tpu.memory_space<vmem>>[vector<16xi32>, vector<16xi32>], vector<16xf32>,
          %mul3A_536 = arith.mulf %gather3A_535, %mul3A_163 : vector<16xf32>
          tpu.vector_store_idx %arg15[%add3A_165, %broadcast_in_dim3A_534], %mul3A_536 : memref<80x128xf32, #tpu.memory_space<vmem>>[vector<16xi32>, vector<16xi32>], vector<16xf32>,
          %broadcast_in_dim3A_537 = arith.constant 93 : i32
          %broadcast_in_dim3A_538 = vector.broadcast %broadcast_in_dim3A_537 : i32 to vector<16xi32>
          %gather3A_539 = tpu.vector_load_idx %arg15[%add3A_165, %broadcast_in_dim3A_538] : memref<80x128xf32, #tpu.memory_space<vmem>>[vector<16xi32>, vector<16xi32>], vector<16xf32>,
          %mul3A_540 = arith.mulf %gather3A_539, %mul3A_163 : vector<16xf32>
          tpu.vector_store_idx %arg15[%add3A_165, %broadcast_in_dim3A_538], %mul3A_540 : memref<80x128xf32, #tpu.memory_space<vmem>>[vector<16xi32>, vector<16xi32>], vector<16xf32>,
          %broadcast_in_dim3A_541 = arith.constant 94 : i32
          %broadcast_in_dim3A_542 = vector.broadcast %broadcast_in_dim3A_541 : i32 to vector<16xi32>
          %gather3A_543 = tpu.vector_load_idx %arg15[%add3A_165, %broadcast_in_dim3A_542] : memref<80x128xf32, #tpu.memory_space<vmem>>[vector<16xi32>, vector<16xi32>], vector<16xf32>,
          %mul3A_544 = arith.mulf %gather3A_543, %mul3A_163 : vector<16xf32>
          tpu.vector_store_idx %arg15[%add3A_165, %broadcast_in_dim3A_542], %mul3A_544 : memref<80x128xf32, #tpu.memory_space<vmem>>[vector<16xi32>, vector<16xi32>], vector<16xf32>,
          %broadcast_in_dim3A_545 = arith.constant 95 : i32
          %broadcast_in_dim3A_546 = vector.broadcast %broadcast_in_dim3A_545 : i32 to vector<16xi32>
          %gather3A_547 = tpu.vector_load_idx %arg15[%add3A_165, %broadcast_in_dim3A_546] : memref<80x128xf32, #tpu.memory_space<vmem>>[vector<16xi32>, vector<16xi32>], vector<16xf32>,
          %mul3A_548 = arith.mulf %gather3A_547, %mul3A_163 : vector<16xf32>
          tpu.vector_store_idx %arg15[%add3A_165, %broadcast_in_dim3A_546], %mul3A_548 : memref<80x128xf32, #tpu.memory_space<vmem>>[vector<16xi32>, vector<16xi32>], vector<16xf32>,
          %broadcast_in_dim3A_549 = arith.constant 96 : i32
          %broadcast_in_dim3A_550 = vector.broadcast %broadcast_in_dim3A_549 : i32 to vector<16xi32>
          %gather3A_551 = tpu.vector_load_idx %arg15[%add3A_165, %broadcast_in_dim3A_550] : memref<80x128xf32, #tpu.memory_space<vmem>>[vector<16xi32>, vector<16xi32>], vector<16xf32>,
          %mul3A_552 = arith.mulf %gather3A_551, %mul3A_163 : vector<16xf32>
          tpu.vector_store_idx %arg15[%add3A_165, %broadcast_in_dim3A_550], %mul3A_552 : memref<80x128xf32, #tpu.memory_space<vmem>>[vector<16xi32>, vector<16xi32>], vector<16xf32>,
          %broadcast_in_dim3A_553 = arith.constant 97 : i32
          %broadcast_in_dim3A_554 = vector.broadcast %broadcast_in_dim3A_553 : i32 to vector<16xi32>
          %gather3A_555 = tpu.vector_load_idx %arg15[%add3A_165, %broadcast_in_dim3A_554] : memref<80x128xf32, #tpu.memory_space<vmem>>[vector<16xi32>, vector<16xi32>], vector<16xf32>,
          %mul3A_556 = arith.mulf %gather3A_555, %mul3A_163 : vector<16xf32>
          tpu.vector_store_idx %arg15[%add3A_165, %broadcast_in_dim3A_554], %mul3A_556 : memref<80x128xf32, #tpu.memory_space<vmem>>[vector<16xi32>, vector<16xi32>], vector<16xf32>,
          %broadcast_in_dim3A_557 = arith.constant 98 : i32
          %broadcast_in_dim3A_558 = vector.broadcast %broadcast_in_dim3A_557 : i32 to vector<16xi32>
          %gather3A_559 = tpu.vector_load_idx %arg15[%add3A_165, %broadcast_in_dim3A_558] : memref<80x128xf32, #tpu.memory_space<vmem>>[vector<16xi32>, vector<16xi32>], vector<16xf32>,
          %mul3A_560 = arith.mulf %gather3A_559, %mul3A_163 : vector<16xf32>
          tpu.vector_store_idx %arg15[%add3A_165, %broadcast_in_dim3A_558], %mul3A_560 : memref<80x128xf32, #tpu.memory_space<vmem>>[vector<16xi32>, vector<16xi32>], vector<16xf32>,
          %broadcast_in_dim3A_561 = arith.constant 99 : i32
          %broadcast_in_dim3A_562 = vector.broadcast %broadcast_in_dim3A_561 : i32 to vector<16xi32>
          %gather3A_563 = tpu.vector_load_idx %arg15[%add3A_165, %broadcast_in_dim3A_562] : memref<80x128xf32, #tpu.memory_space<vmem>>[vector<16xi32>, vector<16xi32>], vector<16xf32>,
          %mul3A_564 = arith.mulf %gather3A_563, %mul3A_163 : vector<16xf32>
          tpu.vector_store_idx %arg15[%add3A_165, %broadcast_in_dim3A_562], %mul3A_564 : memref<80x128xf32, #tpu.memory_space<vmem>>[vector<16xi32>, vector<16xi32>], vector<16xf32>,
          %broadcast_in_dim3A_565 = arith.constant 100 : i32
          %broadcast_in_dim3A_566 = vector.broadcast %broadcast_in_dim3A_565 : i32 to vector<16xi32>
          %gather3A_567 = tpu.vector_load_idx %arg15[%add3A_165, %broadcast_in_dim3A_566] : memref<80x128xf32, #tpu.memory_space<vmem>>[vector<16xi32>, vector<16xi32>], vector<16xf32>,
          %mul3A_568 = arith.mulf %gather3A_567, %mul3A_163 : vector<16xf32>
          tpu.vector_store_idx %arg15[%add3A_165, %broadcast_in_dim3A_566], %mul3A_568 : memref<80x128xf32, #tpu.memory_space<vmem>>[vector<16xi32>, vector<16xi32>], vector<16xf32>,
          %broadcast_in_dim3A_569 = arith.constant 101 : i32
          %broadcast_in_dim3A_570 = vector.broadcast %broadcast_in_dim3A_569 : i32 to vector<16xi32>
          %gather3A_571 = tpu.vector_load_idx %arg15[%add3A_165, %broadcast_in_dim3A_570] : memref<80x128xf32, #tpu.memory_space<vmem>>[vector<16xi32>, vector<16xi32>], vector<16xf32>,
          %mul3A_572 = arith.mulf %gather3A_571, %mul3A_163 : vector<16xf32>
          tpu.vector_store_idx %arg15[%add3A_165, %broadcast_in_dim3A_570], %mul3A_572 : memref<80x128xf32, #tpu.memory_space<vmem>>[vector<16xi32>, vector<16xi32>], vector<16xf32>,
          %broadcast_in_dim3A_573 = arith.constant 102 : i32
          %broadcast_in_dim3A_574 = vector.broadcast %broadcast_in_dim3A_573 : i32 to vector<16xi32>
          %gather3A_575 = tpu.vector_load_idx %arg15[%add3A_165, %broadcast_in_dim3A_574] : memref<80x128xf32, #tpu.memory_space<vmem>>[vector<16xi32>, vector<16xi32>], vector<16xf32>,
          %mul3A_576 = arith.mulf %gather3A_575, %mul3A_163 : vector<16xf32>
          tpu.vector_store_idx %arg15[%add3A_165, %broadcast_in_dim3A_574], %mul3A_576 : memref<80x128xf32, #tpu.memory_space<vmem>>[vector<16xi32>, vector<16xi32>], vector<16xf32>,
          %broadcast_in_dim3A_577 = arith.constant 103 : i32
          %broadcast_in_dim3A_578 = vector.broadcast %broadcast_in_dim3A_577 : i32 to vector<16xi32>
          %gather3A_579 = tpu.vector_load_idx %arg15[%add3A_165, %broadcast_in_dim3A_578] : memref<80x128xf32, #tpu.memory_space<vmem>>[vector<16xi32>, vector<16xi32>], vector<16xf32>,
          %mul3A_580 = arith.mulf %gather3A_579, %mul3A_163 : vector<16xf32>
          tpu.vector_store_idx %arg15[%add3A_165, %broadcast_in_dim3A_578], %mul3A_580 : memref<80x128xf32, #tpu.memory_space<vmem>>[vector<16xi32>, vector<16xi32>], vector<16xf32>,
          %broadcast_in_dim3A_581 = arith.constant 104 : i32
          %broadcast_in_dim3A_582 = vector.broadcast %broadcast_in_dim3A_581 : i32 to vector<16xi32>
          %gather3A_583 = tpu.vector_load_idx %arg15[%add3A_165, %broadcast_in_dim3A_582] : memref<80x128xf32, #tpu.memory_space<vmem>>[vector<16xi32>, vector<16xi32>], vector<16xf32>,
          %mul3A_584 = arith.mulf %gather3A_583, %mul3A_163 : vector<16xf32>
          tpu.vector_store_idx %arg15[%add3A_165, %broadcast_in_dim3A_582], %mul3A_584 : memref<80x128xf32, #tpu.memory_space<vmem>>[vector<16xi32>, vector<16xi32>], vector<16xf32>,
          %broadcast_in_dim3A_585 = arith.constant 105 : i32
          %broadcast_in_dim3A_586 = vector.broadcast %broadcast_in_dim3A_585 : i32 to vector<16xi32>
          %gather3A_587 = tpu.vector_load_idx %arg15[%add3A_165, %broadcast_in_dim3A_586] : memref<80x128xf32, #tpu.memory_space<vmem>>[vector<16xi32>, vector<16xi32>], vector<16xf32>,
          %mul3A_588 = arith.mulf %gather3A_587, %mul3A_163 : vector<16xf32>
          tpu.vector_store_idx %arg15[%add3A_165, %broadcast_in_dim3A_586], %mul3A_588 : memref<80x128xf32, #tpu.memory_space<vmem>>[vector<16xi32>, vector<16xi32>], vector<16xf32>,
          %broadcast_in_dim3A_589 = arith.constant 106 : i32
          %broadcast_in_dim3A_590 = vector.broadcast %broadcast_in_dim3A_589 : i32 to vector<16xi32>
          %gather3A_591 = tpu.vector_load_idx %arg15[%add3A_165, %broadcast_in_dim3A_590] : memref<80x128xf32, #tpu.memory_space<vmem>>[vector<16xi32>, vector<16xi32>], vector<16xf32>,
          %mul3A_592 = arith.mulf %gather3A_591, %mul3A_163 : vector<16xf32>
          tpu.vector_store_idx %arg15[%add3A_165, %broadcast_in_dim3A_590], %mul3A_592 : memref<80x128xf32, #tpu.memory_space<vmem>>[vector<16xi32>, vector<16xi32>], vector<16xf32>,
          %broadcast_in_dim3A_593 = arith.constant 107 : i32
          %broadcast_in_dim3A_594 = vector.broadcast %broadcast_in_dim3A_593 : i32 to vector<16xi32>
          %gather3A_595 = tpu.vector_load_idx %arg15[%add3A_165, %broadcast_in_dim3A_594] : memref<80x128xf32, #tpu.memory_space<vmem>>[vector<16xi32>, vector<16xi32>], vector<16xf32>,
          %mul3A_596 = arith.mulf %gather3A_595, %mul3A_163 : vector<16xf32>
          tpu.vector_store_idx %arg15[%add3A_165, %broadcast_in_dim3A_594], %mul3A_596 : memref<80x128xf32, #tpu.memory_space<vmem>>[vector<16xi32>, vector<16xi32>], vector<16xf32>,
          %broadcast_in_dim3A_597 = arith.constant 108 : i32
          %broadcast_in_dim3A_598 = vector.broadcast %broadcast_in_dim3A_597 : i32 to vector<16xi32>
          %gather3A_599 = tpu.vector_load_idx %arg15[%add3A_165, %broadcast_in_dim3A_598] : memref<80x128xf32, #tpu.memory_space<vmem>>[vector<16xi32>, vector<16xi32>], vector<16xf32>,
          %mul3A_600 = arith.mulf %gather3A_599, %mul3A_163 : vector<16xf32>
          tpu.vector_store_idx %arg15[%add3A_165, %broadcast_in_dim3A_598], %mul3A_600 : memref<80x128xf32, #tpu.memory_space<vmem>>[vector<16xi32>, vector<16xi32>], vector<16xf32>,
          %broadcast_in_dim3A_601 = arith.constant 109 : i32
          %broadcast_in_dim3A_602 = vector.broadcast %broadcast_in_dim3A_601 : i32 to vector<16xi32>
          %gather3A_603 = tpu.vector_load_idx %arg15[%add3A_165, %broadcast_in_dim3A_602] : memref<80x128xf32, #tpu.memory_space<vmem>>[vector<16xi32>, vector<16xi32>], vector<16xf32>,
          %mul3A_604 = arith.mulf %gather3A_603, %mul3A_163 : vector<16xf32>
          tpu.vector_store_idx %arg15[%add3A_165, %broadcast_in_dim3A_602], %mul3A_604 : memref<80x128xf32, #tpu.memory_space<vmem>>[vector<16xi32>, vector<16xi32>], vector<16xf32>,
          %broadcast_in_dim3A_605 = arith.constant 110 : i32
          %broadcast_in_dim3A_606 = vector.broadcast %broadcast_in_dim3A_605 : i32 to vector<16xi32>
          %gather3A_607 = tpu.vector_load_idx %arg15[%add3A_165, %broadcast_in_dim3A_606] : memref<80x128xf32, #tpu.memory_space<vmem>>[vector<16xi32>, vector<16xi32>], vector<16xf32>,
          %mul3A_608 = arith.mulf %gather3A_607, %mul3A_163 : vector<16xf32>
          tpu.vector_store_idx %arg15[%add3A_165, %broadcast_in_dim3A_606], %mul3A_608 : memref<80x128xf32, #tpu.memory_space<vmem>>[vector<16xi32>, vector<16xi32>], vector<16xf32>,
          %broadcast_in_dim3A_609 = arith.constant 111 : i32
          %broadcast_in_dim3A_610 = vector.broadcast %broadcast_in_dim3A_609 : i32 to vector<16xi32>
          %gather3A_611 = tpu.vector_load_idx %arg15[%add3A_165, %broadcast_in_dim3A_610] : memref<80x128xf32, #tpu.memory_space<vmem>>[vector<16xi32>, vector<16xi32>], vector<16xf32>,
          %mul3A_612 = arith.mulf %gather3A_611, %mul3A_163 : vector<16xf32>
          tpu.vector_store_idx %arg15[%add3A_165, %broadcast_in_dim3A_610], %mul3A_612 : memref<80x128xf32, #tpu.memory_space<vmem>>[vector<16xi32>, vector<16xi32>], vector<16xf32>,
          %broadcast_in_dim3A_613 = arith.constant 112 : i32
          %broadcast_in_dim3A_614 = vector.broadcast %broadcast_in_dim3A_613 : i32 to vector<16xi32>
          %gather3A_615 = tpu.vector_load_idx %arg15[%add3A_165, %broadcast_in_dim3A_614] : memref<80x128xf32, #tpu.memory_space<vmem>>[vector<16xi32>, vector<16xi32>], vector<16xf32>,
          %mul3A_616 = arith.mulf %gather3A_615, %mul3A_163 : vector<16xf32>
          tpu.vector_store_idx %arg15[%add3A_165, %broadcast_in_dim3A_614], %mul3A_616 : memref<80x128xf32, #tpu.memory_space<vmem>>[vector<16xi32>, vector<16xi32>], vector<16xf32>,
          %broadcast_in_dim3A_617 = arith.constant 113 : i32
          %broadcast_in_dim3A_618 = vector.broadcast %broadcast_in_dim3A_617 : i32 to vector<16xi32>
          %gather3A_619 = tpu.vector_load_idx %arg15[%add3A_165, %broadcast_in_dim3A_618] : memref<80x128xf32, #tpu.memory_space<vmem>>[vector<16xi32>, vector<16xi32>], vector<16xf32>,
          %mul3A_620 = arith.mulf %gather3A_619, %mul3A_163 : vector<16xf32>
          tpu.vector_store_idx %arg15[%add3A_165, %broadcast_in_dim3A_618], %mul3A_620 : memref<80x128xf32, #tpu.memory_space<vmem>>[vector<16xi32>, vector<16xi32>], vector<16xf32>,
          %broadcast_in_dim3A_621 = arith.constant 114 : i32
          %broadcast_in_dim3A_622 = vector.broadcast %broadcast_in_dim3A_621 : i32 to vector<16xi32>
          %gather3A_623 = tpu.vector_load_idx %arg15[%add3A_165, %broadcast_in_dim3A_622] : memref<80x128xf32, #tpu.memory_space<vmem>>[vector<16xi32>, vector<16xi32>], vector<16xf32>,
          %mul3A_624 = arith.mulf %gather3A_623, %mul3A_163 : vector<16xf32>
          tpu.vector_store_idx %arg15[%add3A_165, %broadcast_in_dim3A_622], %mul3A_624 : memref<80x128xf32, #tpu.memory_space<vmem>>[vector<16xi32>, vector<16xi32>], vector<16xf32>,
          %broadcast_in_dim3A_625 = arith.constant 115 : i32
          %broadcast_in_dim3A_626 = vector.broadcast %broadcast_in_dim3A_625 : i32 to vector<16xi32>
          %gather3A_627 = tpu.vector_load_idx %arg15[%add3A_165, %broadcast_in_dim3A_626] : memref<80x128xf32, #tpu.memory_space<vmem>>[vector<16xi32>, vector<16xi32>], vector<16xf32>,
          %mul3A_628 = arith.mulf %gather3A_627, %mul3A_163 : vector<16xf32>
          tpu.vector_store_idx %arg15[%add3A_165, %broadcast_in_dim3A_626], %mul3A_628 : memref<80x128xf32, #tpu.memory_space<vmem>>[vector<16xi32>, vector<16xi32>], vector<16xf32>,
          %broadcast_in_dim3A_629 = arith.constant 116 : i32
          %broadcast_in_dim3A_630 = vector.broadcast %broadcast_in_dim3A_629 : i32 to vector<16xi32>
          %gather3A_631 = tpu.vector_load_idx %arg15[%add3A_165, %broadcast_in_dim3A_630] : memref<80x128xf32, #tpu.memory_space<vmem>>[vector<16xi32>, vector<16xi32>], vector<16xf32>,
          %mul3A_632 = arith.mulf %gather3A_631, %mul3A_163 : vector<16xf32>
          tpu.vector_store_idx %arg15[%add3A_165, %broadcast_in_dim3A_630], %mul3A_632 : memref<80x128xf32, #tpu.memory_space<vmem>>[vector<16xi32>, vector<16xi32>], vector<16xf32>,
          %broadcast_in_dim3A_633 = arith.constant 117 : i32
          %broadcast_in_dim3A_634 = vector.broadcast %broadcast_in_dim3A_633 : i32 to vector<16xi32>
          %gather3A_635 = tpu.vector_load_idx %arg15[%add3A_165, %broadcast_in_dim3A_634] : memref<80x128xf32, #tpu.memory_space<vmem>>[vector<16xi32>, vector<16xi32>], vector<16xf32>,
          %mul3A_636 = arith.mulf %gather3A_635, %mul3A_163 : vector<16xf32>
          tpu.vector_store_idx %arg15[%add3A_165, %broadcast_in_dim3A_634], %mul3A_636 : memref<80x128xf32, #tpu.memory_space<vmem>>[vector<16xi32>, vector<16xi32>], vector<16xf32>,
          %broadcast_in_dim3A_637 = arith.constant 118 : i32
          %broadcast_in_dim3A_638 = vector.broadcast %broadcast_in_dim3A_637 : i32 to vector<16xi32>
          %gather3A_639 = tpu.vector_load_idx %arg15[%add3A_165, %broadcast_in_dim3A_638] : memref<80x128xf32, #tpu.memory_space<vmem>>[vector<16xi32>, vector<16xi32>], vector<16xf32>,
          %mul3A_640 = arith.mulf %gather3A_639, %mul3A_163 : vector<16xf32>
          tpu.vector_store_idx %arg15[%add3A_165, %broadcast_in_dim3A_638], %mul3A_640 : memref<80x128xf32, #tpu.memory_space<vmem>>[vector<16xi32>, vector<16xi32>], vector<16xf32>,
          %broadcast_in_dim3A_641 = arith.constant 119 : i32
          %broadcast_in_dim3A_642 = vector.broadcast %broadcast_in_dim3A_641 : i32 to vector<16xi32>
          %gather3A_643 = tpu.vector_load_idx %arg15[%add3A_165, %broadcast_in_dim3A_642] : memref<80x128xf32, #tpu.memory_space<vmem>>[vector<16xi32>, vector<16xi32>], vector<16xf32>,
          %mul3A_644 = arith.mulf %gather3A_643, %mul3A_163 : vector<16xf32>
          tpu.vector_store_idx %arg15[%add3A_165, %broadcast_in_dim3A_642], %mul3A_644 : memref<80x128xf32, #tpu.memory_space<vmem>>[vector<16xi32>, vector<16xi32>], vector<16xf32>,
          %broadcast_in_dim3A_645 = arith.constant 120 : i32
          %broadcast_in_dim3A_646 = vector.broadcast %broadcast_in_dim3A_645 : i32 to vector<16xi32>
          %gather3A_647 = tpu.vector_load_idx %arg15[%add3A_165, %broadcast_in_dim3A_646] : memref<80x128xf32, #tpu.memory_space<vmem>>[vector<16xi32>, vector<16xi32>], vector<16xf32>,
          %mul3A_648 = arith.mulf %gather3A_647, %mul3A_163 : vector<16xf32>
          tpu.vector_store_idx %arg15[%add3A_165, %broadcast_in_dim3A_646], %mul3A_648 : memref<80x128xf32, #tpu.memory_space<vmem>>[vector<16xi32>, vector<16xi32>], vector<16xf32>,
          %broadcast_in_dim3A_649 = arith.constant 121 : i32
          %broadcast_in_dim3A_650 = vector.broadcast %broadcast_in_dim3A_649 : i32 to vector<16xi32>
          %gather3A_651 = tpu.vector_load_idx %arg15[%add3A_165, %broadcast_in_dim3A_650] : memref<80x128xf32, #tpu.memory_space<vmem>>[vector<16xi32>, vector<16xi32>], vector<16xf32>,
          %mul3A_652 = arith.mulf %gather3A_651, %mul3A_163 : vector<16xf32>
          tpu.vector_store_idx %arg15[%add3A_165, %broadcast_in_dim3A_650], %mul3A_652 : memref<80x128xf32, #tpu.memory_space<vmem>>[vector<16xi32>, vector<16xi32>], vector<16xf32>,
          %broadcast_in_dim3A_653 = arith.constant 122 : i32
          %broadcast_in_dim3A_654 = vector.broadcast %broadcast_in_dim3A_653 : i32 to vector<16xi32>
          %gather3A_655 = tpu.vector_load_idx %arg15[%add3A_165, %broadcast_in_dim3A_654] : memref<80x128xf32, #tpu.memory_space<vmem>>[vector<16xi32>, vector<16xi32>], vector<16xf32>,
          %mul3A_656 = arith.mulf %gather3A_655, %mul3A_163 : vector<16xf32>
          tpu.vector_store_idx %arg15[%add3A_165, %broadcast_in_dim3A_654], %mul3A_656 : memref<80x128xf32, #tpu.memory_space<vmem>>[vector<16xi32>, vector<16xi32>], vector<16xf32>,
          %broadcast_in_dim3A_657 = arith.constant 123 : i32
          %broadcast_in_dim3A_658 = vector.broadcast %broadcast_in_dim3A_657 : i32 to vector<16xi32>
          %gather3A_659 = tpu.vector_load_idx %arg15[%add3A_165, %broadcast_in_dim3A_658] : memref<80x128xf32, #tpu.memory_space<vmem>>[vector<16xi32>, vector<16xi32>], vector<16xf32>,
          %mul3A_660 = arith.mulf %gather3A_659, %mul3A_163 : vector<16xf32>
          tpu.vector_store_idx %arg15[%add3A_165, %broadcast_in_dim3A_658], %mul3A_660 : memref<80x128xf32, #tpu.memory_space<vmem>>[vector<16xi32>, vector<16xi32>], vector<16xf32>,
          %broadcast_in_dim3A_661 = arith.constant 124 : i32
          %broadcast_in_dim3A_662 = vector.broadcast %broadcast_in_dim3A_661 : i32 to vector<16xi32>
          %gather3A_663 = tpu.vector_load_idx %arg15[%add3A_165, %broadcast_in_dim3A_662] : memref<80x128xf32, #tpu.memory_space<vmem>>[vector<16xi32>, vector<16xi32>], vector<16xf32>,
          %mul3A_664 = arith.mulf %gather3A_663, %mul3A_163 : vector<16xf32>
          tpu.vector_store_idx %arg15[%add3A_165, %broadcast_in_dim3A_662], %mul3A_664 : memref<80x128xf32, #tpu.memory_space<vmem>>[vector<16xi32>, vector<16xi32>], vector<16xf32>,
          %broadcast_in_dim3A_665 = arith.constant 125 : i32
          %broadcast_in_dim3A_666 = vector.broadcast %broadcast_in_dim3A_665 : i32 to vector<16xi32>
          %gather3A_667 = tpu.vector_load_idx %arg15[%add3A_165, %broadcast_in_dim3A_666] : memref<80x128xf32, #tpu.memory_space<vmem>>[vector<16xi32>, vector<16xi32>], vector<16xf32>,
          %mul3A_668 = arith.mulf %gather3A_667, %mul3A_163 : vector<16xf32>
          tpu.vector_store_idx %arg15[%add3A_165, %broadcast_in_dim3A_666], %mul3A_668 : memref<80x128xf32, #tpu.memory_space<vmem>>[vector<16xi32>, vector<16xi32>], vector<16xf32>,
          %broadcast_in_dim3A_669 = arith.constant 126 : i32
          %broadcast_in_dim3A_670 = vector.broadcast %broadcast_in_dim3A_669 : i32 to vector<16xi32>
          %gather3A_671 = tpu.vector_load_idx %arg15[%add3A_165, %broadcast_in_dim3A_670] : memref<80x128xf32, #tpu.memory_space<vmem>>[vector<16xi32>, vector<16xi32>], vector<16xf32>,
          %mul3A_672 = arith.mulf %gather3A_671, %mul3A_163 : vector<16xf32>
          tpu.vector_store_idx %arg15[%add3A_165, %broadcast_in_dim3A_670], %mul3A_672 : memref<80x128xf32, #tpu.memory_space<vmem>>[vector<16xi32>, vector<16xi32>], vector<16xf32>,
          %broadcast_in_dim3A_673 = arith.constant 127 : i32
          %broadcast_in_dim3A_674 = vector.broadcast %broadcast_in_dim3A_673 : i32 to vector<16xi32>
          %gather3A_675 = tpu.vector_load_idx %arg15[%add3A_165, %broadcast_in_dim3A_674] : memref<80x128xf32, #tpu.memory_space<vmem>>[vector<16xi32>, vector<16xi32>], vector<16xf32>,
          %mul3A_676 = arith.mulf %gather3A_675, %mul3A_163 : vector<16xf32>
          tpu.vector_store_idx %arg15[%add3A_165, %broadcast_in_dim3A_674], %mul3A_676 : memref<80x128xf32, #tpu.memory_space<vmem>>[vector<16xi32>, vector<16xi32>], vector<16xf32>,
        }
        %scan3A_150 = arith.constant 5 : i32
        "tpu.region"() ({
          %run_scoped3A = tpu.sem_alloc : memref<!tpu.dma_semaphore, #tpu.memory_space<semaphore_mem>>
          %dma_start3A_151 = arith.constant 0 : i32
          %dma_start3A_152 = arith.constant 0 : i32
          %dma_start3A_153 = tpu.memref_slice %arg16[%dma_start3A_151, %dma_start3A_152] : memref<10240x128xf32, #tpu.memory_space<vmem_shared>> -> memref<10240x128xf32, #tpu.memory_space<vmem_shared>>
          tpu.enqueue_indirect_dma source(%arg15 : memref<80x128xf32, #tpu.memory_space<vmem>>) target(%dma_start3A_153 : memref<10240x128xf32, #tpu.memory_space<vmem_shared>>) offsets(%arg14 : memref<80xi32, #tpu.memory_space<vmem>>) semaphore(%run_scoped3A : memref<!tpu.dma_semaphore, #tpu.memory_space<semaphore_mem>>) {add = true}
          %dma_wait3A_154 = arith.constant 0 : i32
          %dma_wait3A_155 = arith.constant 0 : i32
          %dma_wait3A_156 = tpu.memref_slice %arg16[%dma_wait3A_154, %dma_wait3A_155] : memref<10240x128xf32, #tpu.memory_space<vmem_shared>> -> memref<10240x128xf32, #tpu.memory_space<vmem_shared>>
          tpu.wait_indirect_dma semaphore(%run_scoped3A : memref<!tpu.dma_semaphore, #tpu.memory_space<semaphore_mem>>) src(%arg15 : memref<80x128xf32, #tpu.memory_space<vmem>>) dst(%dma_wait3A_156 : memref<10240x128xf32, #tpu.memory_space<vmem_shared>>)
          tpu.yield
        }) : () -> ()
      }
      %scan3A_60 = arith.constant 25 : i32
    }
    %scan3A_41 = arith.constant 5 : i32
    %barrier3A_42 = arith.constant 0 : index
    tpu.barrier barrier_id(%barrier3A_42)
    %eq3A = arith.constant 0 : i32
    %eq3A_43 = arith.cmpi eq, %arg0, %eq3A : i32
    %convert_element_type3A = arith.extui %eq3A_43 : i1 to i32
    %cond3A = arith.constant 0 : i32
    %cond3A_44 = arith.cmpi ne, %convert_element_type3A, %cond3A : i32
    scf.if %cond3A_44 {
      %mul3A_50 = arith.constant 640 : i32
      %mul3A_51 = arith.muli %arg1, %mul3A_50 : i32
      %mul3A_52 = arith.constant 640 : i32
      %mul3A_53 = arith.muli %arg1, %mul3A_52 : i32
      "tpu.region"() ({
        %run_scoped3A = tpu.sem_alloc : memref<!tpu.dma_semaphore, #tpu.memory_space<semaphore_mem>>
        %dma_start3A = arith.constant 0 : i32
        %dma_start3A_54 = tpu.memref_slice %arg7[%mul3A_53, %dma_start3A] : memref<10240x128xf32, #tpu.memory_space<hbm>> -> memref<640x128xf32, #tpu.memory_space<hbm>>
        %dma_start3A_55 = arith.constant 0 : i32
        %dma_start3A_56 = tpu.memref_slice %arg16[%mul3A_51, %dma_start3A_55] : memref<10240x128xf32, #tpu.memory_space<vmem_shared>> -> memref<640x128xf32, #tpu.memory_space<vmem_shared>>
        tpu.enqueue_dma source(%dma_start3A_56 : memref<640x128xf32, #tpu.memory_space<vmem_shared>>) target(%dma_start3A_54 : memref<640x128xf32, #tpu.memory_space<hbm>>) target_semaphore(%run_scoped3A : memref<!tpu.dma_semaphore, #tpu.memory_space<semaphore_mem>>)
        %dma_wait3A = arith.constant 0 : i32
        %dma_wait3A_57 = tpu.memref_slice %arg7[%mul3A_53, %dma_wait3A] : memref<10240x128xf32, #tpu.memory_space<hbm>> -> memref<640x128xf32, #tpu.memory_space<hbm>>
        %dma_wait3A_58 = arith.constant 0 : i32
        %dma_wait3A_59 = tpu.memref_slice %arg16[%mul3A_51, %dma_wait3A_58] : memref<10240x128xf32, #tpu.memory_space<vmem_shared>> -> memref<640x128xf32, #tpu.memory_space<vmem_shared>>
        tpu.wait_dma2 semaphore(%run_scoped3A : memref<!tpu.dma_semaphore, #tpu.memory_space<semaphore_mem>>) src(%dma_wait3A_59 : memref<640x128xf32, #tpu.memory_space<vmem_shared>>) dst(%dma_wait3A_57 : memref<640x128xf32, #tpu.memory_space<hbm>>)
        tpu.yield
      }) : () -> ()
    } else {
    }
    %eq3A_45 = arith.constant 1 : i32
    %eq3A_46 = arith.cmpi eq, %arg0, %eq3A_45 : i32
    %convert_element_type3A_47 = arith.extui %eq3A_46 : i1 to i32
    %cond3A_48 = arith.constant 0 : i32
    %cond3A_49 = arith.cmpi ne, %convert_element_type3A_47, %cond3A_48 : i32
    scf.if %cond3A_49 {
      %mul3A_50 = arith.constant 640 : i32
      %mul3A_51 = arith.muli %arg1, %mul3A_50 : i32
      %mul3A_52 = arith.constant 640 : i32
      %mul3A_53 = arith.muli %arg1, %mul3A_52 : i32
      "tpu.region"() ({
        %run_scoped3A = tpu.sem_alloc : memref<!tpu.dma_semaphore, #tpu.memory_space<semaphore_mem>>
        %dma_start3A = arith.constant 0 : i32
        %dma_start3A_54 = tpu.memref_slice %arg8[%mul3A_53, %dma_start3A] : memref<10240x128xf32, #tpu.memory_space<hbm>> -> memref<640x128xf32, #tpu.memory_space<hbm>>
        %dma_start3A_55 = arith.constant 0 : i32
        %dma_start3A_56 = tpu.memref_slice %arg16[%mul3A_51, %dma_start3A_55] : memref<10240x128xf32, #tpu.memory_space<vmem_shared>> -> memref<640x128xf32, #tpu.memory_space<vmem_shared>>
        tpu.enqueue_dma source(%dma_start3A_56 : memref<640x128xf32, #tpu.memory_space<vmem_shared>>) target(%dma_start3A_54 : memref<640x128xf32, #tpu.memory_space<hbm>>) target_semaphore(%run_scoped3A : memref<!tpu.dma_semaphore, #tpu.memory_space<semaphore_mem>>)
        %dma_wait3A = arith.constant 0 : i32
        %dma_wait3A_57 = tpu.memref_slice %arg8[%mul3A_53, %dma_wait3A] : memref<10240x128xf32, #tpu.memory_space<hbm>> -> memref<640x128xf32, #tpu.memory_space<hbm>>
        %dma_wait3A_58 = arith.constant 0 : i32
        %dma_wait3A_59 = tpu.memref_slice %arg16[%mul3A_51, %dma_wait3A_58] : memref<10240x128xf32, #tpu.memory_space<vmem_shared>> -> memref<640x128xf32, #tpu.memory_space<vmem_shared>>
        tpu.wait_dma2 semaphore(%run_scoped3A : memref<!tpu.dma_semaphore, #tpu.memory_space<semaphore_mem>>) src(%dma_wait3A_59 : memref<640x128xf32, #tpu.memory_space<vmem_shared>>) dst(%dma_wait3A_57 : memref<640x128xf32, #tpu.memory_space<hbm>>)
        tpu.yield
      }) : () -> ()
    } else {
    }
    return
  }
}

module attributes {stable_mosaic.version = 14 : i64} {
  func.func @_matmul_body(%arg0: memref<10000x128xf32, #tpu.memory_space<vmem>>, %arg1: memref<128x128xf32, #tpu.memory_space<vmem>>, %arg2: memref<80x128xf32, #tpu.memory_space<vmem>>, %arg3: memref<10000x128xf32, #tpu.memory_space<vmem>>, %arg4: memref<80x128xf32, #tpu.memory_space<vmem>>) attributes {dimension_semantics = [], scalar_prefetch = 0 : i64, scratch_operands = 0 : i64, tpu.core_type = #tpu.core_type<tc>} {
    %get3A = arith.constant 0 : index
    %get3A_0 = arith.constant 0 : index
    %get3A_1 = vector.load %arg0[%get3A, %get3A_0] : memref<10000x128xf32, #tpu.memory_space<vmem>>, vector<10000x128xf32>
    %get3A_2 = arith.constant 0 : index
    %get3A_3 = arith.constant 0 : index
    %get3A_4 = vector.load %arg1[%get3A_2, %get3A_3] : memref<128x128xf32, #tpu.memory_space<vmem>>, vector<128x128xf32>
    %dot_general3A = arith.constant dense<0.000000e+00> : vector<10000x128xf32>
    %dot_general3A_5 = tpu.matmul %get3A_1, %get3A_4, %dot_general3A {dimension_numbers = #tpu.dot_dimension_numbers<[1], [0], [0], [1], [0, 0, 1, 1], [], []>, transpose_lhs_hint = false} : vector<10000x128xf32>, vector<128x128xf32>, vector<10000x128xf32> -> vector<10000x128xf32>
    %swap3A = arith.constant 0 : index
    %swap3A_6 = arith.constant 0 : index
    %swap3A_7 = vector.load %arg3[%swap3A, %swap3A_6] : memref<10000x128xf32, #tpu.memory_space<vmem>>, vector<10000x128xf32>
    tpu.vector_store %arg3[%swap3A, %swap3A_6], %dot_general3A_5 {strides = array<i32>} : memref<10000x128xf32, #tpu.memory_space<vmem>>, vector<10000x128xf32>,
    %get3A_8 = arith.constant 0 : index
    %get3A_9 = arith.constant 0 : index
    %get3A_10 = vector.load %arg2[%get3A_8, %get3A_9] : memref<80x128xf32, #tpu.memory_space<vmem>>, vector<80x128xf32>
    %add3A = arith.constant 1.000000e+00 : f32
    %add3A_11 = vector.broadcast %add3A : f32 to vector<80x128xf32>
    %add3A_12 = arith.addf %get3A_10, %add3A_11 : vector<80x128xf32>
    %gt3A = arith.constant 0.000000e+00 : f32
    %gt3A_13 = vector.broadcast %gt3A : f32 to vector<80x128xf32>
    %gt3A_14 = arith.cmpf ogt, %add3A_12, %gt3A_13 : vector<80x128xf32>
    %rsqrt3A = math.rsqrt %add3A_12 : vector<80x128xf32>
    %jit3A = arith.constant 0.000000e+00 : f32
    %broadcast_in_dim3A = vector.broadcast %jit3A : f32 to vector<80x128xf32>
    %select_n3A = arith.select %gt3A_14, %rsqrt3A, %broadcast_in_dim3A : vector<80x128xi1>, vector<80x128xf32>
    %swap3A_15 = arith.constant 0 : index
    %swap3A_16 = arith.constant 0 : index
    %swap3A_17 = vector.load %arg4[%swap3A_15, %swap3A_16] : memref<80x128xf32, #tpu.memory_space<vmem>>, vector<80x128xf32>
    tpu.vector_store %arg4[%swap3A_15, %swap3A_16], %select_n3A {strides = array<i32>} : memref<80x128xf32, #tpu.memory_space<vmem>>, vector<80x128xf32>,
    return
  }
}

module attributes {stable_mosaic.version = 14 : i64} {
  func.func @_combine_body(%arg0: memref<10240x128xf32, #tpu.memory_space<vmem>>, %arg1: memref<10240x128xf32, #tpu.memory_space<vmem>>, %arg2: memref<10000x128xf32, #tpu.memory_space<vmem>>, %arg3: memref<10000x1xf32, #tpu.memory_space<vmem>>, %arg4: memref<1x128xf32, #tpu.memory_space<vmem>>, %arg5: memref<10000x128xf32, #tpu.memory_space<vmem>>) attributes {dimension_semantics = [], scalar_prefetch = 0 : i64, scratch_operands = 0 : i64, tpu.core_type = #tpu.core_type<tc>} {
    %get3A = arith.constant 0 : index
    %get3A_0 = arith.constant 0 : index
    %get3A_1 = vector.load %arg3[%get3A, %get3A_0] : memref<10000x1xf32, #tpu.memory_space<vmem>>, vector<10000x1xf32>
    %get3A_2 = arith.constant 0 : index
    %get3A_3 = arith.constant 0 : index
    %get3A_4 = vector.load %arg0[%get3A_2, %get3A_3] : memref<10240x128xf32, #tpu.memory_space<vmem>>, vector<10000x128xf32>
    %get3A_5 = arith.constant 0 : index
    %get3A_6 = arith.constant 0 : index
    %get3A_7 = vector.load %arg1[%get3A_5, %get3A_6] : memref<10240x128xf32, #tpu.memory_space<vmem>>, vector<10000x128xf32>
    %add3A = arith.addf %get3A_4, %get3A_7 : vector<10000x128xf32>
    %get3A_8 = arith.constant 0 : index
    %get3A_9 = arith.constant 0 : index
    %get3A_10 = vector.load %arg2[%get3A_8, %get3A_9] : memref<10000x128xf32, #tpu.memory_space<vmem>>, vector<10000x128xf32>
    %mul3A = arith.mulf %get3A_1, %get3A_1 : vector<10000x1xf32>
    %mul3A_11 = vector.broadcast %mul3A : vector<10000x1xf32> to vector<10000x128xf32>
    %mul3A_12 = arith.mulf %get3A_10, %mul3A_11 : vector<10000x128xf32>
    %add3A_13 = arith.addf %add3A, %mul3A_12 : vector<10000x128xf32>
    %get3A_14 = arith.constant 0 : index
    %get3A_15 = arith.constant 0 : index
    %get3A_16 = vector.load %arg4[%get3A_14, %get3A_15] : memref<1x128xf32, #tpu.memory_space<vmem>>, vector<1x128xf32>
    %add3A_17 = vector.broadcast %get3A_16 : vector<1x128xf32> to vector<10000x128xf32>
    %add3A_18 = arith.addf %add3A_13, %add3A_17 : vector<10000x128xf32>
    %swap3A = arith.constant 0 : index
    %swap3A_19 = arith.constant 0 : index
    %swap3A_20 = vector.load %arg5[%swap3A, %swap3A_19] : memref<10000x128xf32, #tpu.memory_space<vmem>>, vector<10000x128xf32>
    tpu.vector_store %arg5[%swap3A, %swap3A_19], %add3A_18 {strides = array<i32>} : memref<10000x128xf32, #tpu.memory_space<vmem>>, vector<10000x128xf32>,
    return
  }
}

</mosaic_0001>

<sc_bundles>
// kernel: kernel.6.cloned.1.call-start
scs
__scs_entry_jumppad:
0x0: {  	(pc) =	sbr.rel $0x88, $3  }
0x1: {  	(tag) =	ssettag $0x0;
	lr =	simm.s32 $0x1  }
0x2: {  	[smem:$0x3F9C] =	sst lr;
	_ =	strace $0xD0000000  }
0x3: {  	_ = 	snop  }
0x4: {  	_ = 	snop  }
0x5: {  	_ = 	snop  }
0x6: {  	_ = 	snop  }
0x7: {  	_ = 	snop  }
__scs_overlays_trampoline_lowered:
0x8: {  	[smem:$0x3FAB] =	sst s0  }
0x9: {  	[smem:$0x3FAC] =	sst s1  }
0xa: {  	[smem:$0x3FAD] =	sst s2  }
0xb: {  	[smem:$0x3FAE] =	sst s3  }
0xc: {  	[smem:$0x3FAF] =	sst s4  }
0xd: {  	[smem:$0x3FB0] =	sst s5  }
0xe: {  	[smem:$0x3FB1] =	sst s6  }
0xf: {  	[smem:$0x3FB2] =	sst s7  }
0x10: {  	[smem:$0x3FB3] =	sst s8  }
0x11: {  	[smem:$0x3FB4] =	sst s9;
	s0 =	simm.s32 @!p0 $0x0  }
0x12: {  	s1 =	sld [smem:$0x3F9A];
	s0 =	simm.s32 @p0 $0x1  }
0x13: {  	[smem:$0x3FB5] =	sst s0;
	s0 =	simm.s32 @!p1 $0x0  }
0x14: {  	s2 =	sld [smem:$0x3F99];
	s0 =	simm.s32 @p1 $0x1  }
0x15: {  	[smem:$0x3FB6] =	sst s0;
	s0 =	simm.s32 @!p2 $0x0  }
0x16: {  	s3 =	sld [smem:$0x3FDB];
	s0 =	simm.s32 @p2 $0x1  }
0x17: {  	s4 =	simm.s32 $0x1BF5;
	[smem:$0x3FB8] =	sst s0  }
0x18: {  	s0 =	sld [smem:$0x3F9B];
	_ =	swait.ge [sflag:s4], $0x0  }
0x19: {  	s7 =	sld [smem:$0x3F9C]  }
0x1a: {  	s8 =	sadd.s32 $0xFFFFE003, lr  }
0x1b: {  	s9 =	sadd.s32 $0xFFFFFEF7, lr;
	s5 =	simm.s32 $0xFFFFFFFF;
	p2 =	slt.u32 s8, $0xFFFFF086  }
0x1c: {  	p1 =	slt.u32 s9, $0xF7A;
	s5 =	simm.s32 @!p2 $0x0  }
0x1d: {  	s5 =	simm.s32 @p1 $0x1;
	p0 =	seq.s32 s7, s2  }
0x1e: {  	s7 =	smul.u32 @!p0 $0xF7A, s2;
	p2 =	seq.s32 @!p0 s5, $0x0  }
0x1f: {  	s9 =	smul.u32 $0xF7A, s1;
	s8 =	simm.s32 @!p0 $0x1BF5;
	p2 =	por !p2, p0  }
0x20: {  	[sflag:s8] =	ssyncset.s32 @!p0 $0xFFFFF086;
	s6 =	sadd.s32 @!p0 s3, s7;
	s7 =	simm.s32 @!p0 $0x108  }
0x21: {  	s3 =	sadd.s32 s3, s9;
	s6 =	sadd.s32 @!p0 $0x88, s6;
	s7 =	simm.s32 @p2 $0x1082  }
0x22: {  	[simem:s7], [sflag:s8] =	dma.local @!p0 [hbm:s6], $0xF7A  }
0x23: {  	s9 =	sor.u32 $0xD0000000, s2;
	s6 =	simm.s32 $0x108;
	_ =	swait.ge @!p0 [sflag:s8], $0x0  }
0x24: {  	s3 =	sadd.s32 $0x88, s3;
	s6 =	simm.s32 @!p1 $0x1082;
	[sflag:s4] =	ssyncset.s32 $0xFFFFF086  }
0x25: {  	[simem:s6], [sflag:s4] =	dma.local [hbm:s3], $0xF7A  }
0x26: {  	[smem:$0x3F9C] =	sst s1;
	(tag) =	ssettag s2;
	_ =	strace s9  }
0x27: {  	s1 =	sld [smem:$0x3FAC]  }
0x28: {  	s2 =	sld [smem:$0x3FAD]  }
0x29: {  	s4 =	sld [smem:$0x3FAF]  }
0x2a: {  	p0 =	seq.s32 s5, $0x0;
	s5 =	sld [smem:$0x3FB0]  }
0x2b: {  	s6 =	sld [smem:$0x3FB1]  }
0x2c: {  	s7 =	sld [smem:$0x3FB2]  }
0x2d: {  	s3 =	simm.s32 $0x108;
	s8 =	sld [smem:$0x3FB3]  }
0x2e: {  	s3 =	simm.s32 @!p0 $0x1082;
	s9 =	sld [smem:$0x3FB4]  }
0x2f: {  	lr =	sadd.s32 s0, s3;
	s0 =	sld [smem:$0x3FAB]  }
0x30: {  	s3 =	sld [smem:$0x3FAE]  }
0x31: {  	[smem:$0x3FB7] =	sst s10  }
0x32: {  	s10 =	sld [smem:$0x3FB5];
	_ =	sdelay $0x3  }
0x33: {  	p0 =	seq.s32 s10, $0x1;
	s10 =	sld [smem:$0x3FB7];
	_ =	sdelay $0x3  }
0x34: {  	[smem:$0x3FB7] =	sst s10  }
0x35: {  	s10 =	sld [smem:$0x3FB6];
	_ =	sdelay $0x3  }
0x36: {  	p1 =	seq.s32 s10, $0x1;
	s10 =	sld [smem:$0x3FB7];
	_ =	sdelay $0x3  }
0x37: {  	[smem:$0x3FB7] =	sst s10  }
0x38: {  	s10 =	sld [smem:$0x3FB8]  }
0x39: {  	_ = 	snop;
	(pc) =	sbr.ind lr, $3  }
0x3a: {  	_ = 	snop  }
0x3b: {  	_ = 	snop  }
0x3c: {  	p2 =	seq.s32 s10, $0x1;
	s10 =	sld [smem:$0x3FB7]  }
0x3d: {  	_ =	shalt  }
0x3e: {  	_ =	shalt  }
0x3f: {  	_ =	shalt  }
0x40: {  	_ =	shalt  }
0x41: {  	_ =	shalt  }
0x42: {  	_ =	shalt  }
0x43: {  	_ =	shalt  }
0x44: {  	_ =	shalt  }
0x45: {  	_ =	shalt  }
0x46: {  	_ =	shalt  }
0x47: {  	_ =	shalt  }
0x48: {  	_ =	shalt  }
0x49: {  	_ =	shalt  }
0x4a: {  	_ =	shalt  }
0x4b: {  	_ =	shalt  }
0x4c: {  	_ =	shalt  }
0x4d: {  	_ =	shalt  }
0x4e: {  	_ =	shalt  }
0x4f: {  	_ =	shalt  }
0x50: {  	_ =	shalt  }
0x51: {  	_ =	shalt  }
0x52: {  	_ =	shalt  }
0x53: {  	_ =	shalt  }
0x54: {  	_ =	shalt  }
0x55: {  	_ =	shalt  }
0x56: {  	_ =	shalt  }
0x57: {  	_ =	shalt  }
0x58: {  	_ =	shalt  }
0x59: {  	_ =	shalt  }
0x5a: {  	_ =	shalt  }
0x5b: {  	_ =	shalt  }
0x5c: {  	_ =	shalt  }
0x5d: {  	_ =	shalt  }
0x5e: {  	_ =	shalt  }
0x5f: {  	_ =	shalt  }
0x60: {  	_ =	shalt  }
0x61: {  	_ =	shalt  }
0x62: {  	_ =	shalt  }
0x63: {  	_ =	shalt  }
0x64: {  	_ =	shalt  }
0x65: {  	_ =	shalt  }
0x66: {  	_ =	shalt  }
0x67: {  	_ =	shalt  }
0x68: {  	_ =	shalt  }
0x69: {  	_ =	shalt  }
0x6a: {  	_ =	shalt  }
0x6b: {  	_ =	shalt  }
0x6c: {  	_ =	shalt  }
0x6d: {  	_ =	shalt  }
0x6e: {  	_ =	shalt  }
0x6f: {  	_ =	shalt  }
0x70: {  	_ =	shalt  }
0x71: {  	_ =	shalt  }
0x72: {  	_ =	shalt  }
0x73: {  	_ =	shalt  }
0x74: {  	_ =	shalt  }
0x75: {  	_ =	shalt  }
0x76: {  	_ =	shalt  }
0x77: {  	_ =	shalt  }
0x78: {  	_ =	shalt  }
0x79: {  	_ =	shalt  }
0x7a: {  	_ =	shalt  }
0x7b: {  	_ =	shalt  }
0x7c: {  	_ =	shalt  }
0x7d: {  	_ =	shalt  }
0x7e: {  	_ =	shalt  }
0x7f: {  	_ =	shalt  }
0x80: {  	_ =	shalt  }
0x81: {  	_ =	shalt  }
0x82: {  	_ =	shalt  }
0x83: {  	_ =	shalt  }
0x84: {  	_ =	shalt  }
0x85: {  	_ =	shalt  }
0x86: {  	_ =	shalt  }
0x87: {  	_ =	shalt  }
.Lfunc_end0:
.L_simem_size_0:
called_computation_lowered:
.L_overlay_start_0:
0x88: {  	s2 =	sld [smem:$0x3FD9]  }
0x89: {  	s3 =	sld [smem:$0x3FFE];
	_ =	sdelay $0x1  }
0x8a: {  	s1 =	srdreg.scid  }
0x8b: {  	s0 =	sand.u32 $0x1, s1  }
0x8c: {  	s17 =	sshll.u32 s0, $0xA;
	s2 =	sadd.s32 s3, s2  }
0x8d: {  	s2 =	sadd.s32 s2, s17  }
0x8e: {  	[smem:$0x3FC3] =	sst s2  }
0x8f: {  	_ = 	snop  }
0x90: {  	s2 =	sld [smem:$0x3FC7]  }
0x91: {  	s18 =	sld [smem:$0x3FD0];
	(tm) =	ssettm $0x1  }
0x92: {  	s4 =	sld [smem:$0x3FFB];
	_ =	sdelay $0x3  }
0x93: {  	_ =	strace s4  }
0x94: {  	s4 =	sld [smem:$0x3FFC];
	_ =	sdelay $0x3  }
0x95: {  	_ =	strace s4  }
0x96: {  	s4 =	sld [smem:$0x3FFD];
	_ =	sdelay $0x3  }
0x97: {  	_ =	strace s4  }
0x98: {  	_ =	strace $0x8FFFFFFF  }
0x99: {  	s19 =	sld [smem:$0x3FDB];
	_ =	sdelay $0x1  }
0x9a: {  	s5 =	simm.s32 $_scs_section_size  }
0x9b: {  	s6 =	simm.s32 $_size__tile_overlayer_lowered;
	s7 =	simm.s32 $_tile_overlayer_lowered  }
0x9c: {  	s22 =	simm.s32 $0x1BFF;
	s21 =	sshll.u32 s7, $0x1;
	s4 =	sadd.s32 s5, s19  }
0x9d: {  	s8 =	simm.s32 $0x0;
	s20 =	sshll.u32 s6, $0x1;
	s6 =	sadd.s32 s21, s4  }
0x9e: {  	[timem:s8], [sflag:s22] =	dma.local [hbm:s6], s20  }
0x9f: {  	_ =	swait.ge [sflag:s22], s20  }
0xa0: {  	s5 =	ssub.s32 $0x0, s20;
	[sflag:s22] =	ssyncset.done $0x0  }
0xa1: {  	[sflag:s22] =	ssyncadd.s32 s5;
	_ =	sdelay $0x1  }
0xa2: {  	s23 =	simm.s32 $0x1B8B  }
0xa3: {  	_ =	swait.ge [sflag:s23], $0x1  }
0xa4: {  	[sflag:s23] =	ssyncset.done $0x0  }
0xa5: {  	s25 =	simm.s32 $0x1B8E;
	s24 =	sld [smem:$0x3FFE];
	[sflag:s23] =	ssyncadd.s32 $0xFFFFFFFF  }
0xa6: {  	s26 =	simm.s32 $execute0_lowered;
	[smem:$0x3FD2] =	sst s25  }
0xa7: {  	s6 =	sshll.u32 s26, $0x1;
	_ =	strace $0x80000046;
	[dreg:$0x1] =	wrdreg $0xFFFFFFFF  }
0xa8: {  	s28 =	simm.s32 $_size_execute0_lowered;
	s4 =	sadd.s32 s4, s6;
	[dreg:$0x0] =	wrdreg $0x0  }
0xa9: {  	s6 =	sshll.u32 s28, $0x1;
	[dreg:$0x2] =	wrdreg s4  }
0xaa: {  	[dreg:$0x3] =	wrdreg s6  }
0xab: {  	[dreg:$0x4] =	wrdreg $0xC0  }
0xac: {  	_ =	task [dreg:s8], $0x5FFFF  }
0xad: {  	[dreg:$0x1] =	wrdreg $0xFFFFFFFF  }
0xae: {  	[dreg:$0x0] =	wrdreg $0x60  }
0xaf: {  	[dreg:$0x2] =	wrdreg s24  }
0xb0: {  	[dreg:$0x3] =	wrdreg s2  }
0xb1: {  	[dreg:$0x4] =	wrdreg s18  }
0xb2: {  	[dreg:$0x5] =	wrdreg $0xA0000  }
0xb3: {  	[dreg:$0x6] =	wrdreg $0x9  }
0xb4: {  	_ =	task.clear_ibuf [dreg:s8], $0x7FFFF;
	_ =	strace $0x90000046  }
0xb5: {  	s29 =	simm.s32 $0x9;
	_ =	strace $0x80000048  }
0xb6: {  	_ =	swait.ge [sflag:s29], $0x1  }
0xb7: {  	[sflag:s29] =	ssyncadd.s32 $0xFFFFFFFF  }
0xb8: {  	_ =	strace $0x90000048  }
0xb9: {  	_ =	sfence  }
0xba: {  	s30 =	sld [smem:$0x0];
	_ =	sdelay $0x2  }
0xbb: {  	s31 =	sshll.u32 s1, $0xD;
	s1 =	sshrl.u32 s1, $0x2  }
0xbc: {  	s3 =	sand.u32 $0x4000, s31;
	s1 =	sadd.s32 s1, s30  }
0xbd: {  	s0 =	sor.u32 s3, s0;
	s1 =	sshll.u32 s1, $0x11  }
0xbe: {  	s0 =	sor.u32 s1, s0  }
0xbf: {  	s0 =	sadd.s32 $0x8F2B, s0  }
0xc0: {  	[sflag:s0] =	ssyncadd.remote.s32 $0x1  }
0xc1: {  	_ =	sfence.sel $0xFFFF  }
0xc2: {  	[dreg:$0x0] =	wrdreg $0xFFFFFFFF;
	(pc) =	sbr.abs _section_cstart, $3  }
0xc3: {  	[dreg:$0x1] =	wrdreg $0xFFFFFFFF  }
0xc4: {  	_ =	task.clear_ibuf [dreg:s8], $0x2FFFF;
	_ =	strace $0x9FFFFFFF  }
0xc5: {  	(tm) =	ssettm $0x7FFFFFFF  }
tec
execute0_lowered:
.L_overlay_start_1:
0x0: {  	(tag) =	ssettag $0x1  }
0x1: {  	s1 =	srdreg.scid  }
0x2: {  	s1 =	sand.u32 $0x1, s1  }
0x3: {  	s8 =	rddreg [dreg:$0x0];
	p0 =	seq.s32 s1, $0x1  }
.Ltmp0:
0x4: {  	s6 =	rddreg [dreg:$0x1];
	(pc) =	sbr.rel @p0 .LBB2_4-.Ltmp0, $4  }
0x5: {  	s5 =	rddreg [dreg:$0x2]  }
0x6: {  	s2 =	rddreg [dreg:$0x3];
	s7 =	simm.s32 $0x0  }
0x7: {  	[smem:$0x7FF] =	sst s7  }
0x8: {  	s0 =	rddreg [dreg:$0x4];
	_ =	strace $0x80000047;
	s1 =	stileid.u32  }
0x9: {  	v0 =	vimm.f32 $0.0e+00  }
0xa: {  	[tilespmem:$0x9D80] =	vst v0  }
0xb: {  	[tilespmem:$0x9D90] =	vst v0  }
0xc: {  	[tilespmem:$0x9DA0] =	vst v0  }
0xd: {  	[tilespmem:$0x9DB0] =	vst v0  }
0xe: {  	[tilespmem:$0x9DC0] =	vst v0  }
0xf: {  	[tilespmem:$0x9DD0] =	vst v0  }
0x10: {  	[tilespmem:$0x9DE0] =	vst v0  }
0x11: {  	[tilespmem:$0x9DF0] =	vst v0  }
0x12: {  	[tilespmem:$0x9E00] =	vst v0  }
0x13: {  	[tilespmem:$0x9E10] =	vst v0  }
0x14: {  	[tilespmem:$0x9E20] =	vst v0  }
0x15: {  	[tilespmem:$0x9E30] =	vst v0  }
0x16: {  	[tilespmem:$0x9E40] =	vst v0  }
0x17: {  	[tilespmem:$0x9E50] =	vst v0  }
0x18: {  	[tilespmem:$0x9E60] =	vst v0  }
0x19: {  	[tilespmem:$0x9E70] =	vst v0  }
0x1a: {  	[tilespmem:$0x9E80] =	vst v0  }
0x1b: {  	[tilespmem:$0x9E90] =	vst v0  }
0x1c: {  	[tilespmem:$0x9EA0] =	vst v0  }
0x1d: {  	[tilespmem:$0x9EB0] =	vst v0  }
0x1e: {  	[tilespmem:$0x9EC0] =	vst v0  }
0x1f: {  	[tilespmem:$0x9ED0] =	vst v0  }
0x20: {  	[tilespmem:$0x9EE0] =	vst v0  }
0x21: {  	[tilespmem:$0x9EF0] =	vst v0  }
0x22: {  	[tilespmem:$0x9F00] =	vst v0  }
0x23: {  	[tilespmem:$0x9F10] =	vst v0  }
0x24: {  	[tilespmem:$0x9F20] =	vst v0  }
0x25: {  	[tilespmem:$0x9F30] =	vst v0  }
0x26: {  	[tilespmem:$0x9F40] =	vst v0  }
0x27: {  	[tilespmem:$0x9F50] =	vst v0  }
0x28: {  	[tilespmem:$0x9F60] =	vst v0  }
0x29: {  	[tilespmem:$0x9F70] =	vst v0  }
0x2a: {  	[tilespmem:$0x9F80] =	vst v0  }
0x2b: {  	[tilespmem:$0x9F90] =	vst v0  }
0x2c: {  	[tilespmem:$0x9FA0] =	vst v0  }
0x2d: {  	[tilespmem:$0x9FB0] =	vst v0  }
0x2e: {  	[tilespmem:$0x9FC0] =	vst v0  }
0x2f: {  	s9 =	smul.u32 $0x280, s1;
	[tilespmem:$0x9FD0] =	vst v0  }
0x30: {  	[tilespmem:$0x9FE0] =	vst v0  }
0x31: {  	s4 =	simm.s32 $0x9D80;
	[tilespmem:$0x9FF0] =	vst v0;
	s3 =	sadd.s32 s9, s2  }
0x32: {  	[spmem:s3] =	stream.linear.scatter [tilespmem:s4], [sflag:$0x1], $0x280, $0x38;
	[tilespmem:$0xA280] =	vst v63  }
0x33: {  	s4 =	simm.s32 $0x1  }
0x34: {  	_ =	swait.ge [sflag:s4], $0x280  }
0x35: {  	s10 =	smul.u32 $0x9C4, s1;
	[sflag:s4] =	ssyncset.done $0x0  }
0x36: {  	s8 =	sadd.s32 $0x2600, s8;
	[sflag:s4] =	ssyncadd.s32 $0xFFFFFD80  }
0x37: {  	s8 =	sadd.s32 s8, s10;
	[bflag:$0x0] =	sbarrier.arrive $0xFFFF  }
0x38: {  	[tilespmem:s7], [sflag:$0x1] =	stream.linear.gather [hbm4b:s8+s7], $0x4E20, $0x38;
	[tilespmem:$0xA280] =	vst v63  }
0x39: {  	_ =	swait.ge [sflag:s4], $0x4E20  }
0x3a: {  	[sflag:s4] =	ssyncset.done $0x0  }
0x3b: {  	s28 =	simm.s32 $0x4E80;
	s6 =	sadd.s32 s6, s10;
	[sflag:s4] =	ssyncadd.s32 $0xFFFFB1E0  }
0x3c: {  	[tilespmem:s28], [sflag:$0x1] =	stream.linear.gather [hbm4b:s6+s7], $0x4E20, $0x38;
	[tilespmem:$0xA280] =	vst v63  }
0x3d: {  	_ =	swait.ge [sflag:s4], $0x4E20  }
0x3e: {  	[sflag:s4] =	ssyncset.done $0x0  }
0x3f: {  	s29 =	simm.s32 $0x0;
	[sflag:s4] =	ssyncadd.s32 $0xFFFFB1E0  }
0x40: {  	v63 =	vld [tilespmem:s29+$0x0];
	_ =	sdelay $0x4  }
0x41: {  	[tilespmem:$0x9D00] =	vst v63  }
0x42: {  	v0 =	vld [tilespmem:s29+$0x10];
	_ =	sdelay $0x4  }
0x43: {  	[tilespmem:$0x9D10] =	vst v0  }
0x44: {  	v0 =	vld [tilespmem:s29+$0x20];
	_ =	sdelay $0x4  }
0x45: {  	[tilespmem:$0x9D20] =	vst v0  }
0x46: {  	v0 =	vld [tilespmem:s29+$0x30];
	_ =	sdelay $0x4  }
0x47: {  	[tilespmem:$0x9D30] =	vst v0  }
0x48: {  	v0 =	vld [tilespmem:s29+$0x40];
	_ =	sdelay $0x4  }
0x49: {  	s31 =	simm.s32 $0x4E80;
	s6 =	simm.s32 $0x50;
	s7 =	simm.s32 $0x9D00;
	[tilespmem:$0x9D40] =	vst v0  }
0x4a: {  	[spmem:s2] =	stream.indirect.scatter.add.f32 [tilespmem:s31], [sflag:$0x1], $0x1, s7, s6, $0xb8;
	[tilespmem:$0xA280] =	vst v63  }
0x4b: {  	s30 =	sshrl.u32 s9, $0x3;
	s9 =	simm.s32 $0x280;
	_ =	swait.ge [sflag:s4], $0x50  }
0x4c: {  	s5 =	sadd.s32 s5, s30;
	s8 =	simm.s32 $0x140;
	[sflag:s4] =	ssyncset.done $0x0  }
.LBB2_2:
0x4d: {  	s10 =	sshra.s32 s8, $0x2  }
0x4e: {  	[sflag:s4] =	ssyncadd.s32 $0xFFFFFFB0;
	s8 =	smov.u32 s9;
	s11 =	sadd.s32 $0x140, s9  }
0x4f: {  	p0 =	sne.s32 s9, $0x13740;
	v0 =	vld [tilespmem:s10+$0x0];
	_ =	sdelay $0x4  }
0x50: {  	[tilespmem:$0x9D00] =	vst v0  }
0x51: {  	v0 =	vld [tilespmem:s10+$0x10];
	_ =	sdelay $0x4  }
0x52: {  	[tilespmem:$0x9D10] =	vst v0  }
0x53: {  	v0 =	vld [tilespmem:s10+$0x20];
	_ =	sdelay $0x4  }
0x54: {  	[tilespmem:$0x9D20] =	vst v0  }
0x55: {  	v0 =	vld [tilespmem:s10+$0x30];
	_ =	sdelay $0x4  }
0x56: {  	[tilespmem:$0x9D30] =	vst v0  }
0x57: {  	v0 =	vld [tilespmem:s10+$0x40];
	_ =	sdelay $0x3  }
.Ltmp1:
0x58: {  	(pc) =	sbr.rel @p0 .LBB2_2-.Ltmp1, $4  }
0x59: {  	s9 =	sadd.s32 $0x4E80, s10;
	[tilespmem:$0x9D40] =	vst v0  }
0x5a: {  	[spmem:s2] =	stream.indirect.scatter.add.f32 [tilespmem:s9], [sflag:$0x1], $0x1, s7, s6, $0xb8;
	[tilespmem:$0xA280] =	vst v63  }
0x5b: {  	_ =	swait.ge [sflag:s4], $0x50  }
0x5c: {  	s9 =	smov.u32 s11;
	[sflag:s4] =	ssyncset.done $0x0  }
0x5d: {  	s8 =	sshra.s32 s8, $0x2;
	[sflag:s4] =	ssyncadd.s32 $0xFFFFFFB0  }
0x5e: {  	v0 =	vld [tilespmem:s8+$0x0];
	_ =	sdelay $0x4  }
0x5f: {  	[tilespmem:$0x9D00] =	vst v0  }
0x60: {  	v0 =	vld [tilespmem:s8+$0x10];
	_ =	sdelay $0x4  }
0x61: {  	[tilespmem:$0x9D10] =	vst v0  }
0x62: {  	v0 =	vld [tilespmem:s8+$0x20];
	_ =	sdelay $0x4  }
0x63: {  	[tilespmem:$0x9D20] =	vst v0  }
0x64: {  	v0 =	vld [tilespmem:s8+$0x30];
	_ =	sdelay $0x4  }
0x65: {  	[tilespmem:$0x9D30] =	vst v0  }
0x66: {  	v0 =	vld [tilespmem:s8+$0x40];
	_ =	sdelay $0x4  }
0x67: {  	s8 =	sadd.s32 $0x4E80, s8;
	[tilespmem:$0x9D40] =	vst v0  }
0x68: {  	[spmem:s2] =	stream.indirect.scatter.add.f32 [tilespmem:s8], [sflag:$0x1], $0x1, s7, s6, $0xb8;
	[tilespmem:$0xA280] =	vst v63  }
0x69: {  	_ =	swait.ge [sflag:s4], $0x50  }
0x6a: {  	[sflag:s4] =	ssyncset.done $0x0  }
0x6b: {  	[sflag:s4] =	ssyncadd.s32 $0xFFFFFFB0  }
0x6c: {  	s29 =	simm.s32 $0x9D80;
	s30 =	simm.s32 $0x1;
	[bflag:$0x0] =	sbarrier.arrive $0xFFFF  }
0x6d: {  	[tilespmem:s29], [sflag:$0x1] =	stream.linear.gather [spmem:s3], $0x280, $0x38;
	[tilespmem:$0xA280] =	vst v63  }
0x6e: {  	_ =	swait.ge [sflag:s30], $0x280  }
0x6f: {  	[sflag:s30] =	ssyncset.done $0x0  }
0x70: {  	s31 =	simm.s32 $0x0;
	[sflag:s30] =	ssyncadd.s32 $0xFFFFFD80  }
0x71: {  	[hbm4b:s5+s31] =	stream.linear.scatter [tilespmem:s29], [sflag:$0x1], $0x280, $0x38;
	[tilespmem:$0xA280] =	vst v63  }
0x72: {  	_ =	swait.ge [sflag:s30], $0x280  }
0x73: {  	[sflag:s30] =	ssyncset.done $0x0  }
0x74: {  	[sflag:s30] =	ssyncadd.s32 $0xFFFFFD80  }
.LBB2_4:
0x75: {  	_ =	sfence.sel $0x180000  }
0x76: {  	[bflag:$0x0] =	sbarrier.arrive $0xFFFF  }
0x77: {  	p0 =	sne.s32 s1, $0x0;
	_ =	strace $0x90000047  }
0x78: {  	s0 =	sadd.s32 @!p0 $0x100000, s0;
	[bflag:$0x2] =	sbarrier.arrive $0xFFFF  }
0x79: {  	[sflag:s0] =	ssyncadd.tile.s32 @!p0 $0x1;
	_ =	shalt  }
.Lfunc_end2:
_tile_overlayer_lowered:
.L_overlay_start_2:
0x7a: {  	(tag) =	ssettag $0x2  }
0x7b: {  	s0 =	rddreg [dreg:$0x0];
	s2 =	stileid.u32  }
0x7c: {  	s1 =	rddreg [dreg:$0x1];
	p0 =	sne.s32 s2, $0x0  }
0x7d: {  	s3 =	rddreg [dreg:$0x2];
	[bflag:$0x3] =	sbarrier.arrive $0xFFFF;
	s2 =	simm.s32 @!p0 $0x1C01  }
0x7e: {  	[timem:s3], [sflag:s2] =	dma.local @!p0 [hbm:s0], s1  }
0x7f: {  	s0 =	simm.s32 @!p0 $0x1  }
0x80: {  	_ =	swait.ge @!p0 [sflag:s0], s1  }
0x81: {  	s1 =	ssub.s32 @!p0 $0x0, s1;
	[sflag:s0] =	ssyncset.done @!p0 $0x0  }
0x82: {  	[sflag:s0] =	ssyncadd.s32 @!p0 s1  }
0x83: {  	[bflag:$0x3] =	sbarrier.arrive $0xFFFF  }
0x84: {  	_ =	shalt  }

// kernel: kernel.9.cloned.1.call-start
scs
__scs_entry_jumppad:
0x0: {  	(pc) =	sbr.rel $0x88, $3  }
0x1: {  	(tag) =	ssettag $0x0;
	lr =	simm.s32 $0x1  }
0x2: {  	[smem:$0x3F9C] =	sst lr;
	_ =	strace $0xD0000000  }
0x3: {  	_ = 	snop  }
0x4: {  	_ = 	snop  }
0x5: {  	_ = 	snop  }
0x6: {  	_ = 	snop  }
0x7: {  	_ = 	snop  }
__scs_overlays_trampoline_lowered:
0x8: {  	[smem:$0x3FAB] =	sst s0  }
0x9: {  	[smem:$0x3FAC] =	sst s1  }
0xa: {  	[smem:$0x3FAD] =	sst s2  }
0xb: {  	[smem:$0x3FAE] =	sst s3  }
0xc: {  	[smem:$0x3FAF] =	sst s4  }
0xd: {  	[smem:$0x3FB0] =	sst s5  }
0xe: {  	[smem:$0x3FB1] =	sst s6  }
0xf: {  	[smem:$0x3FB2] =	sst s7  }
0x10: {  	[smem:$0x3FB3] =	sst s8  }
0x11: {  	[smem:$0x3FB4] =	sst s9;
	s0 =	simm.s32 @!p0 $0x0  }
0x12: {  	s1 =	sld [smem:$0x3F9A];
	s0 =	simm.s32 @p0 $0x1  }
0x13: {  	[smem:$0x3FB5] =	sst s0;
	s0 =	simm.s32 @!p1 $0x0  }
0x14: {  	s2 =	sld [smem:$0x3F99];
	s0 =	simm.s32 @p1 $0x1  }
0x15: {  	[smem:$0x3FB6] =	sst s0;
	s0 =	simm.s32 @!p2 $0x0  }
0x16: {  	s3 =	sld [smem:$0x3FDB];
	s0 =	simm.s32 @p2 $0x1  }
0x17: {  	s4 =	simm.s32 $0x1BF5;
	[smem:$0x3FB8] =	sst s0  }
0x18: {  	s0 =	sld [smem:$0x3F9B];
	_ =	swait.ge [sflag:s4], $0x0  }
0x19: {  	s7 =	sld [smem:$0x3F9C]  }
0x1a: {  	s8 =	sadd.s32 $0xFFFFE003, lr  }
0x1b: {  	s9 =	sadd.s32 $0xFFFFFEF7, lr;
	s5 =	simm.s32 $0xFFFFFFFF;
	p2 =	slt.u32 s8, $0xFFFFF086  }
0x1c: {  	p1 =	slt.u32 s9, $0xF7A;
	s5 =	simm.s32 @!p2 $0x0  }
0x1d: {  	s5 =	simm.s32 @p1 $0x1;
	p0 =	seq.s32 s7, s2  }
0x1e: {  	s7 =	smul.u32 @!p0 $0xF7A, s2;
	p2 =	seq.s32 @!p0 s5, $0x0  }
0x1f: {  	s9 =	smul.u32 $0xF7A, s1;
	s8 =	simm.s32 @!p0 $0x1BF5;
	p2 =	por !p2, p0  }
0x20: {  	[sflag:s8] =	ssyncset.s32 @!p0 $0xFFFFF086;
	s6 =	sadd.s32 @!p0 s3, s7;
	s7 =	simm.s32 @!p0 $0x108  }
0x21: {  	s3 =	sadd.s32 s3, s9;
	s6 =	sadd.s32 @!p0 $0x88, s6;
	s7 =	simm.s32 @p2 $0x1082  }
0x22: {  	[simem:s7], [sflag:s8] =	dma.local @!p0 [hbm:s6], $0xF7A  }
0x23: {  	s9 =	sor.u32 $0xD0000000, s2;
	s6 =	simm.s32 $0x108;
	_ =	swait.ge @!p0 [sflag:s8], $0x0  }
0x24: {  	s3 =	sadd.s32 $0x88, s3;
	s6 =	simm.s32 @!p1 $0x1082;
	[sflag:s4] =	ssyncset.s32 $0xFFFFF086  }
0x25: {  	[simem:s6], [sflag:s4] =	dma.local [hbm:s3], $0xF7A  }
0x26: {  	[smem:$0x3F9C] =	sst s1;
	(tag) =	ssettag s2;
	_ =	strace s9  }
0x27: {  	s1 =	sld [smem:$0x3FAC]  }
0x28: {  	s2 =	sld [smem:$0x3FAD]  }
0x29: {  	s4 =	sld [smem:$0x3FAF]  }
0x2a: {  	p0 =	seq.s32 s5, $0x0;
	s5 =	sld [smem:$0x3FB0]  }
0x2b: {  	s6 =	sld [smem:$0x3FB1]  }
0x2c: {  	s7 =	sld [smem:$0x3FB2]  }
0x2d: {  	s3 =	simm.s32 $0x108;
	s8 =	sld [smem:$0x3FB3]  }
0x2e: {  	s3 =	simm.s32 @!p0 $0x1082;
	s9 =	sld [smem:$0x3FB4]  }
0x2f: {  	lr =	sadd.s32 s0, s3;
	s0 =	sld [smem:$0x3FAB]  }
0x30: {  	s3 =	sld [smem:$0x3FAE]  }
0x31: {  	[smem:$0x3FB7] =	sst s10  }
0x32: {  	s10 =	sld [smem:$0x3FB5];
	_ =	sdelay $0x3  }
0x33: {  	p0 =	seq.s32 s10, $0x1;
	s10 =	sld [smem:$0x3FB7];
	_ =	sdelay $0x3  }
0x34: {  	[smem:$0x3FB7] =	sst s10  }
0x35: {  	s10 =	sld [smem:$0x3FB6];
	_ =	sdelay $0x3  }
0x36: {  	p1 =	seq.s32 s10, $0x1;
	s10 =	sld [smem:$0x3FB7];
	_ =	sdelay $0x3  }
0x37: {  	[smem:$0x3FB7] =	sst s10  }
0x38: {  	s10 =	sld [smem:$0x3FB8]  }
0x39: {  	_ = 	snop;
	(pc) =	sbr.ind lr, $3  }
0x3a: {  	_ = 	snop  }
0x3b: {  	_ = 	snop  }
0x3c: {  	p2 =	seq.s32 s10, $0x1;
	s10 =	sld [smem:$0x3FB7]  }
0x3d: {  	_ =	shalt  }
0x3e: {  	_ =	shalt  }
0x3f: {  	_ =	shalt  }
0x40: {  	_ =	shalt  }
0x41: {  	_ =	shalt  }
0x42: {  	_ =	shalt  }
0x43: {  	_ =	shalt  }
0x44: {  	_ =	shalt  }
0x45: {  	_ =	shalt  }
0x46: {  	_ =	shalt  }
0x47: {  	_ =	shalt  }
0x48: {  	_ =	shalt  }
0x49: {  	_ =	shalt  }
0x4a: {  	_ =	shalt  }
0x4b: {  	_ =	shalt  }
0x4c: {  	_ =	shalt  }
0x4d: {  	_ =	shalt  }
0x4e: {  	_ =	shalt  }
0x4f: {  	_ =	shalt  }
0x50: {  	_ =	shalt  }
0x51: {  	_ =	shalt  }
0x52: {  	_ =	shalt  }
0x53: {  	_ =	shalt  }
0x54: {  	_ =	shalt  }
0x55: {  	_ =	shalt  }
0x56: {  	_ =	shalt  }
0x57: {  	_ =	shalt  }
0x58: {  	_ =	shalt  }
0x59: {  	_ =	shalt  }
0x5a: {  	_ =	shalt  }
0x5b: {  	_ =	shalt  }
0x5c: {  	_ =	shalt  }
0x5d: {  	_ =	shalt  }
0x5e: {  	_ =	shalt  }
0x5f: {  	_ =	shalt  }
0x60: {  	_ =	shalt  }
0x61: {  	_ =	shalt  }
0x62: {  	_ =	shalt  }
0x63: {  	_ =	shalt  }
0x64: {  	_ =	shalt  }
0x65: {  	_ =	shalt  }
0x66: {  	_ =	shalt  }
0x67: {  	_ =	shalt  }
0x68: {  	_ =	shalt  }
0x69: {  	_ =	shalt  }
0x6a: {  	_ =	shalt  }
0x6b: {  	_ =	shalt  }
0x6c: {  	_ =	shalt  }
0x6d: {  	_ =	shalt  }
0x6e: {  	_ =	shalt  }
0x6f: {  	_ =	shalt  }
0x70: {  	_ =	shalt  }
0x71: {  	_ =	shalt  }
0x72: {  	_ =	shalt  }
0x73: {  	_ =	shalt  }
0x74: {  	_ =	shalt  }
0x75: {  	_ =	shalt  }
0x76: {  	_ =	shalt  }
0x77: {  	_ =	shalt  }
0x78: {  	_ =	shalt  }
0x79: {  	_ =	shalt  }
0x7a: {  	_ =	shalt  }
0x7b: {  	_ =	shalt  }
0x7c: {  	_ =	shalt  }
0x7d: {  	_ =	shalt  }
0x7e: {  	_ =	shalt  }
0x7f: {  	_ =	shalt  }
0x80: {  	_ =	shalt  }
0x81: {  	_ =	shalt  }
0x82: {  	_ =	shalt  }
0x83: {  	_ =	shalt  }
0x84: {  	_ =	shalt  }
0x85: {  	_ =	shalt  }
0x86: {  	_ =	shalt  }
0x87: {  	_ =	shalt  }
.Lfunc_end0:
.L_simem_size_0:
called_computation.1_lowered:
.L_overlay_start_0:
0x88: {  	s2 =	sld [smem:$0x3FD9]  }
0x89: {  	s3 =	sld [smem:$0x3FFE];
	_ =	sdelay $0x1  }
0x8a: {  	s1 =	srdreg.scid  }
0x8b: {  	s0 =	sand.u32 $0x1, s1  }
0x8c: {  	s17 =	sshll.u32 s0, $0xA;
	s2 =	sadd.s32 s3, s2  }
0x8d: {  	s2 =	sadd.s32 s2, s17  }
0x8e: {  	[smem:$0x3FC3] =	sst s2  }
0x8f: {  	_ = 	snop  }
0x90: {  	s2 =	sld [smem:$0x3FC7]  }
0x91: {  	s18 =	sld [smem:$0x3FD0];
	(tm) =	ssettm $0x1  }
0x92: {  	s4 =	sld [smem:$0x3FFB];
	_ =	sdelay $0x3  }
0x93: {  	_ =	strace s4  }
0x94: {  	s4 =	sld [smem:$0x3FFC];
	_ =	sdelay $0x3  }
0x95: {  	_ =	strace s4  }
0x96: {  	s4 =	sld [smem:$0x3FFD];
	_ =	sdelay $0x3  }
0x97: {  	_ =	strace s4  }
0x98: {  	_ =	strace $0x8FFFFFFF  }
0x99: {  	s19 =	sld [smem:$0x3FDB];
	_ =	sdelay $0x1  }
0x9a: {  	s5 =	simm.s32 $_scs_section_size  }
0x9b: {  	s6 =	simm.s32 $_size__tile_overlayer_lowered;
	s7 =	simm.s32 $_tile_overlayer_lowered  }
0x9c: {  	s22 =	simm.s32 $0x1BFF;
	s21 =	sshll.u32 s7, $0x1;
	s4 =	sadd.s32 s5, s19  }
0x9d: {  	s8 =	simm.s32 $0x0;
	s20 =	sshll.u32 s6, $0x1;
	s6 =	sadd.s32 s21, s4  }
0x9e: {  	[timem:s8], [sflag:s22] =	dma.local [hbm:s6], s20  }
0x9f: {  	_ =	swait.ge [sflag:s22], s20  }
0xa0: {  	s5 =	ssub.s32 $0x0, s20;
	[sflag:s22] =	ssyncset.done $0x0  }
0xa1: {  	[sflag:s22] =	ssyncadd.s32 s5;
	_ =	sdelay $0x1  }
0xa2: {  	s23 =	simm.s32 $0x1B8B  }
0xa3: {  	_ =	swait.ge [sflag:s23], $0x1  }
0xa4: {  	[sflag:s23] =	ssyncset.done $0x0  }
0xa5: {  	s25 =	simm.s32 $0x1B8E;
	s24 =	sld [smem:$0x3FFE];
	[sflag:s23] =	ssyncadd.s32 $0xFFFFFFFF  }
0xa6: {  	s26 =	simm.s32 $execute0_lowered;
	[smem:$0x3FD2] =	sst s25  }
0xa7: {  	s6 =	sshll.u32 s26, $0x1;
	_ =	strace $0x80000049;
	[dreg:$0x1] =	wrdreg $0xFFFFFFFF  }
0xa8: {  	s28 =	simm.s32 $_size_execute0_lowered;
	s4 =	sadd.s32 s4, s6;
	[dreg:$0x0] =	wrdreg $0x0  }
0xa9: {  	s6 =	sshll.u32 s28, $0x1;
	[dreg:$0x2] =	wrdreg s4  }
0xaa: {  	[dreg:$0x3] =	wrdreg s6  }
0xab: {  	[dreg:$0x4] =	wrdreg $0xC0  }
0xac: {  	_ =	task [dreg:s8], $0x5FFFF  }
0xad: {  	[dreg:$0x1] =	wrdreg $0xFFFFFFFF  }
0xae: {  	[dreg:$0x0] =	wrdreg $0x60  }
0xaf: {  	[dreg:$0x2] =	wrdreg s24  }
0xb0: {  	[dreg:$0x3] =	wrdreg s2  }
0xb1: {  	[dreg:$0x4] =	wrdreg s18  }
0xb2: {  	[dreg:$0x5] =	wrdreg $0x68800  }
0xb3: {  	[dreg:$0x6] =	wrdreg $0x9  }
0xb4: {  	_ =	task.clear_ibuf [dreg:s8], $0x7FFFF;
	_ =	strace $0x90000049  }
0xb5: {  	s29 =	simm.s32 $0x9;
	_ =	strace $0x8000004B  }
0xb6: {  	_ =	swait.ge [sflag:s29], $0x1  }
0xb7: {  	[sflag:s29] =	ssyncadd.s32 $0xFFFFFFFF  }
0xb8: {  	_ =	strace $0x9000004B  }
0xb9: {  	_ =	sfence  }
0xba: {  	s30 =	sld [smem:$0x0];
	_ =	sdelay $0x2  }
0xbb: {  	s31 =	sshll.u32 s1, $0xD;
	s1 =	sshrl.u32 s1, $0x2  }
0xbc: {  	s3 =	sand.u32 $0x4000, s31;
	s1 =	sadd.s32 s1, s30  }
0xbd: {  	s0 =	sor.u32 s3, s0;
	s1 =	sshll.u32 s1, $0x11  }
0xbe: {  	s0 =	sor.u32 s1, s0  }
0xbf: {  	s0 =	sadd.s32 $0x8F2B, s0  }
0xc0: {  	[sflag:s0] =	ssyncadd.remote.s32 $0x1  }
0xc1: {  	_ =	sfence.sel $0xFFFF  }
0xc2: {  	[dreg:$0x0] =	wrdreg $0xFFFFFFFF;
	(pc) =	sbr.abs _section_cstart, $3  }
0xc3: {  	[dreg:$0x1] =	wrdreg $0xFFFFFFFF  }
0xc4: {  	_ =	task.clear_ibuf [dreg:s8], $0x2FFFF;
	_ =	strace $0x9FFFFFFF  }
0xc5: {  	(tm) =	ssettm $0x7FFFFFFF  }
tec
execute0_lowered:
.L_overlay_start_1:
0x0: {  	(tag) =	ssettag $0x1  }
0x1: {  	s0 =	rddreg [dreg:$0x0]  }
0x2: {  	s1 =	rddreg [dreg:$0x1]  }
0x3: {  	s2 =	rddreg [dreg:$0x2]  }
0x4: {  	s3 =	rddreg [dreg:$0x3];
	s4 =	simm.s32 $0x0  }
0x5: {  	s24 =	srdreg.scid;
	s17 =	stileid.u32;
	s20 =	simm.s32 $0x1800  }
0x6: {  	s21 =	simm.s32 $0x2;
	s22 =	simm.s32 $0x4080;
	s23 =	simm.s32 $0x800  }
0x7: {  	s28 =	simm.s32 $0x0;
	s29 =	simm.s32 $0x0;
	[smem:$0x7FF] =	sst s4  }
0x8: {  	s4 =	sand.u32 $0x1, s24;
	s5 =	smul.u32 $0x50000, s17;
	s6 =	sadd.s32 $0xC400, s0  }
0x9: {  	s7 =	sadd.s32 $0x2600, s0;
	s9 =	sadd.s32 $0x16200, s0;
	s31 =	smul.u32 $0x2800, s17  }
0xa: {  	s24 =	simm.s32 $0x50;
	_ =	strace $0x8000004A;
	s8 =	ssub.s32 $0x2, s4  }
0xb: {  	[dreg:$0x5] =	wrdreg s9;
	s10 =	sshll.u32 s4, $0x4;
	p0 =	seq.s32 s4, $0x1  }
0xc: {  	s4 =	simm.s32 $0x3E800;
	s25 =	sshrl.u32 s8, $0x1;
	s5 =	sshrl.u32 s5, $0x2  }
0xd: {  	s26 =	sor.u32 s17, s10;
	s4 =	simm.s32 @!p0 $0x16800;
	s8 =	ssub.s32 s8, s25  }
0xe: {  	s9 =	sadd.s32 s5, s3;
	s17 =	smul.u32 $0x2710, s26;
	s0 =	sadd.s32 s4, s0  }
0xf: {  	s25 =	simm.s32 $0x1;
	s26 =	simm.s32 $0x4000;
	s30 =	sadd.s32 $0x2800, s9  }
0x10: {  	s11 =	sadd.s32 $0x5000, s9;
	s12 =	sadd.s32 $0x7800, s9;
	s13 =	sadd.s32 $0xA000, s9  }
0x11: {  	v1 =	vlaneseq.u32;
	s14 =	sadd.s32 $0xC800, s9;
	s15 =	sadd.s32 $0xF000, s9;
	s16 =	sadd.s32 $0x11800, s9  }
0x12: {  	v0 =	vimm.f32 $0.0e+00;
	v1 =	vmul.u32 $0x80, v1;
	s18 =	smax.u32 s8, $0x1;
	s19 =	sadd.s32 s0, s31;
	[dreg:$0x6] =	wrdreg s30  }
.LBB2_1:
0x13: {  	s0 =	simm.s32 $0x0;
	s4 =	rddreg [dreg:$0x5]  }
0x14: {  	[tilespmem:s20], [sflag:$0x2] =	stream.linear.gather [hbm4b:s4+s0], $0x2710, $0x38;
	[tilespmem:$0x1A880] =	vst v63  }
0x15: {  	_ =	swait.ge [sflag:s21], $0x2710  }
0x16: {  	[sflag:s21] =	ssyncset.done $0x0  }
0x17: {  	s0 =	simm.s32 $0x0;
	s4 =	simm.s32 $0x200;
	[sflag:s21] =	ssyncadd.s32 $0xFFFFD8F0  }
.LBB2_2:
0x18: {  	p0 =	sne.s32 s4, $0x9E00;
	[tilespmem:s0+$0x40F0] =	vst v0  }
0x19: {  	[tilespmem:s0+$0x4080] =	vst v0  }
0x1a: {  	[tilespmem:s0+$0x4090] =	vst v0  }
.Ltmp0:
0x1b: {  	[tilespmem:s0+$0x40A0] =	vst v0;
	(pc) =	sbr.rel @p0 .LBB2_2-.Ltmp0, $4  }
0x1c: {  	[tilespmem:s0+$0x40B0] =	vst v0  }
0x1d: {  	[tilespmem:s0+$0x40C0] =	vst v0  }
0x1e: {  	[tilespmem:s0+$0x40D0] =	vst v0  }
0x1f: {  	[tilespmem:s0+$0x40E0] =	vst v0;
	s0 =	sshra.s32 s4, $0x2;
	s4 =	sadd.s32 $0x200, s4  }
0x20: {  	[tilespmem:s0+$0x40F0] =	vst v0  }
0x21: {  	[tilespmem:s0+$0x4080] =	vst v0  }
0x22: {  	[tilespmem:s0+$0x4090] =	vst v0  }
0x23: {  	[tilespmem:s0+$0x40A0] =	vst v0  }
0x24: {  	[tilespmem:s0+$0x40B0] =	vst v0  }
0x25: {  	[tilespmem:s0+$0x40C0] =	vst v0  }
0x26: {  	[tilespmem:s0+$0x40D0] =	vst v0  }
0x27: {  	[tilespmem:s0+$0x40E0] =	vst v0  }
0x28: {  	[spmem:s9] =	stream.linear.scatter [tilespmem:s22], [sflag:$0x2], $0x2800, $0x38;
	[tilespmem:$0x1A880] =	vst v63  }
0x29: {  	_ =	swait.ge [sflag:s21], $0x2800  }
0x2a: {  	[sflag:s21] =	ssyncset.done $0x0  }
0x2b: {  	s31 =	rddreg [dreg:$0x6];
	[sflag:s21] =	ssyncadd.s32 $0xFFFFD800  }
0x2c: {  	[spmem:s31] =	stream.linear.scatter [tilespmem:s22], [sflag:$0x2], $0x2800, $0x38;
	[tilespmem:$0x1A880] =	vst v63  }
0x2d: {  	_ =	swait.ge [sflag:s21], $0x2800  }
0x2e: {  	[sflag:s21] =	ssyncset.done $0x0  }
0x2f: {  	[sflag:s21] =	ssyncadd.s32 $0xFFFFD800  }
0x30: {  	[spmem:s11] =	stream.linear.scatter [tilespmem:s22], [sflag:$0x2], $0x2800, $0x38;
	[tilespmem:$0x1A880] =	vst v63  }
0x31: {  	_ =	swait.ge [sflag:s21], $0x2800  }
0x32: {  	[sflag:s21] =	ssyncset.done $0x0  }
0x33: {  	[sflag:s21] =	ssyncadd.s32 $0xFFFFD800  }
0x34: {  	[spmem:s12] =	stream.linear.scatter [tilespmem:s22], [sflag:$0x2], $0x2800, $0x38;
	[tilespmem:$0x1A880] =	vst v63  }
0x35: {  	_ =	swait.ge [sflag:s21], $0x2800  }
0x36: {  	[sflag:s21] =	ssyncset.done $0x0  }
0x37: {  	[sflag:s21] =	ssyncadd.s32 $0xFFFFD800  }
0x38: {  	[spmem:s13] =	stream.linear.scatter [tilespmem:s22], [sflag:$0x2], $0x2800, $0x38;
	[tilespmem:$0x1A880] =	vst v63  }
0x39: {  	_ =	swait.ge [sflag:s21], $0x2800  }
0x3a: {  	[sflag:s21] =	ssyncset.done $0x0  }
0x3b: {  	[sflag:s21] =	ssyncadd.s32 $0xFFFFD800  }
0x3c: {  	[spmem:s14] =	stream.linear.scatter [tilespmem:s22], [sflag:$0x2], $0x2800, $0x38;
	[tilespmem:$0x1A880] =	vst v63  }
0x3d: {  	_ =	swait.ge [sflag:s21], $0x2800  }
0x3e: {  	[sflag:s21] =	ssyncset.done $0x0  }
0x3f: {  	[sflag:s21] =	ssyncadd.s32 $0xFFFFD800  }
0x40: {  	[spmem:s15] =	stream.linear.scatter [tilespmem:s22], [sflag:$0x2], $0x2800, $0x38;
	[tilespmem:$0x1A880] =	vst v63  }
0x41: {  	_ =	swait.ge [sflag:s21], $0x2800  }
0x42: {  	[sflag:s21] =	ssyncset.done $0x0  }
0x43: {  	[sflag:s21] =	ssyncadd.s32 $0xFFFFD800  }
0x44: {  	[spmem:s16] =	stream.linear.scatter [tilespmem:s22], [sflag:$0x2], $0x2800, $0x38;
	[tilespmem:$0x1A880] =	vst v63  }
0x45: {  	_ =	swait.ge [sflag:s21], $0x2800  }
0x46: {  	[sflag:s21] =	ssyncset.done $0x0  }
0x47: {  	[sflag:s21] =	ssyncadd.s32 $0xFFFFD800  }
0x48: {  	s30 =	simm.s32 $0x0;
	[bflag:$0x0] =	sbarrier.arrive $0xFFFF  }
.LBB2_4:
0x49: {  	s0 =	smul.u32 $0x7D0, s30;
	_ =	sdelay $0x1  }
0x4a: {  	s0 =	sadd.s32 s17, s0  }
0x4b: {  	s0 =	sshrl.u32 s0, $0x3  }
0x4c: {  	s4 =	sadd.s32 s6, s0  }
0x4d: {  	[tilespmem:s29], [sflag:$0x2] =	stream.linear.gather [hbm4b:s4+s29], $0x7D0, $0x38;
	[tilespmem:$0x1A880] =	vst v63  }
0x4e: {  	_ =	swait.ge [sflag:s21], $0x7D0  }
0x4f: {  	[sflag:s21] =	ssyncset.done $0x0  }
0x50: {  	s31 =	sadd.s32 s7, s0;
	[sflag:s21] =	ssyncadd.s32 $0xFFFFF830  }
0x51: {  	[tilespmem:s23], [sflag:$0x2] =	stream.linear.gather [hbm4b:s31+s29], $0x7D0, $0x38;
	[tilespmem:$0x1A880] =	vst v63  }
0x52: {  	_ =	swait.ge [sflag:s21], $0x7D0  }
0x53: {  	[sflag:s21] =	ssyncset.done $0x0  }
0x54: {  	s10 =	simm.s32 $0x1000;
	s0 =	sadd.s32 s1, s0;
	[sflag:s21] =	ssyncadd.s32 $0xFFFFF830  }
0x55: {  	[tilespmem:s10], [sflag:$0x2] =	stream.linear.gather [hbm4b:s0+s29], $0x7D0, $0x38;
	[tilespmem:$0x1A880] =	vst v63  }
0x56: {  	_ =	swait.ge [sflag:s21], $0x7D0  }
0x57: {  	[sflag:s21] =	ssyncset.done $0x0  }
0x58: {  	s0 =	simm.s32 $0x0;
	[sflag:s21] =	ssyncadd.s32 $0xFFFFF830  }
.LBB2_5:
0x59: {  	s4 =	smul.u32 $0x50, s0;
	_ =	sdelay $0x1  }
0x5a: {  	v2 =	vld [tilespmem:s4+$0x0];
	_ =	sdelay $0x4  }
0x5b: {  	[tilespmem:$0x3F80] =	vst v2  }
0x5c: {  	v2 =	vld [tilespmem:s4+$0x800];
	_ =	sdelay $0x4  }
0x5d: {  	[tilespmem:$0x4000] =	vst v2  }
0x5e: {  	v2 =	vld [tilespmem:s4+$0x10];
	_ =	sdelay $0x4  }
0x5f: {  	[tilespmem:$0x3F90] =	vst v2  }
0x60: {  	v2 =	vld [tilespmem:s4+$0x810];
	_ =	sdelay $0x4  }
0x61: {  	[tilespmem:$0x4010] =	vst v2  }
0x62: {  	v2 =	vld [tilespmem:s4+$0x20];
	_ =	sdelay $0x4  }
0x63: {  	[tilespmem:$0x3FA0] =	vst v2  }
0x64: {  	v2 =	vld [tilespmem:s4+$0x820];
	_ =	sdelay $0x4  }
0x65: {  	[tilespmem:$0x4020] =	vst v2  }
0x66: {  	v2 =	vld [tilespmem:s4+$0x30];
	_ =	sdelay $0x4  }
0x67: {  	[tilespmem:$0x3FB0] =	vst v2  }
0x68: {  	v2 =	vld [tilespmem:s4+$0x830];
	_ =	sdelay $0x4  }
0x69: {  	[tilespmem:$0x4030] =	vst v2  }
0x6a: {  	v2 =	vld [tilespmem:s4+$0x40];
	_ =	sdelay $0x4  }
0x6b: {  	[tilespmem:$0x3FC0] =	vst v2  }
0x6c: {  	v2 =	vld [tilespmem:s4+$0x840];
	_ =	sdelay $0x4  }
0x6d: {  	s5 =	simm.s32 $0x3F80;
	[tilespmem:$0x4040] =	vst v2  }
0x6e: {  	[tilespmem:s22], [sflag:$0x1] =	stream.indirect.gather [hbm4b:s2+s24], $0x80, s5, s24, $0xb8;
	[tilespmem:$0x1A880] =	vst v63  }
0x6f: {  	_ =	swait.ge [sflag:s25], $0x2800  }
0x70: {  	s8 =	simm.s32 $0x4000;
	[sflag:s25] =	ssyncset.done $0x0  }
0x71: {  	s31 =	smov.u32 s10;
	s4 =	simm.s32 $0x0;
	[sflag:s25] =	ssyncadd.s32 $0xFFFFD800  }
.LBB2_6:
0x72: {  	v3 =	vld [tilespmem:s5+$0x0];
	_ =	sdelay $0x1  }
0x73: {  	v4 =	vld [tilespmem:s8+$0x0];
	_ =	sdelay $0x2  }
0x74: {  	v2 =	vmov s4  }
0x75: {  	v2 =	vshll.u32 v2, $0x7  }
0x76: {  	v5 =	vld [tilespmem:s31+$0x0];
	v2 =	vor.u32 v1, v2  }
0x77: {  	v3 =	vld.idx.msk [tilespmem:v3+s20+$0x0], $0xffff;
	_ =	sdelay $0x1  }
0x78: {  	v4 =	vld.idx.msk [tilespmem:v4+s20+$0x0], $0xffff;
	_ =	sdelay $0x1  }
0x79: {  	v6 =	vld.idx.msk [tilespmem:v2+s22+$0x0], $0xffff  }
0x7a: {  	v3 =	vmul.f32 v3, v5;
	_ =	sdelay $0x1  }
0x7b: {  	v47 =	vor.u32 $0x1, v2;
	v3 =	vmul.f32 v4, v3;
	_ =	sdelay $0x1  }
0x7c: {  	v48 =	vmul.f32 v3, v6;
	_ =	sdelay $0x1  }
0x7d: {  	[tilespmem:v2+s22+$0x0] =	vst.idx.msk $0xffff, v48  }
0x7e: {  	v5 =	vld.idx.msk [tilespmem:v47+s22+$0x0], $0xffff;
	_ =	sdelay $0x2  }
0x7f: {  	v49 =	vor.u32 $0x2, v2;
	_ =	sdelay $0x1  }
0x80: {  	v5 =	vmul.f32 v5, v3;
	_ =	sdelay $0x1  }
0x81: {  	[tilespmem:v47+s22+$0x0] =	vst.idx.msk $0xffff, v5  }
0x82: {  	v4 =	vld.idx.msk [tilespmem:v49+s22+$0x0], $0xffff;
	_ =	sdelay $0x2  }
0x83: {  	v50 =	vor.u32 $0x3, v2;
	_ =	sdelay $0x1  }
0x84: {  	v4 =	vmul.f32 v4, v3;
	_ =	sdelay $0x1  }
0x85: {  	[tilespmem:v49+s22+$0x0] =	vst.idx.msk $0xffff, v4  }
0x86: {  	v4 =	vld.idx.msk [tilespmem:v50+s22+$0x0], $0xffff;
	_ =	sdelay $0x2  }
0x87: {  	v51 =	vor.u32 $0x4, v2;
	_ =	sdelay $0x1  }
0x88: {  	v4 =	vmul.f32 v4, v3;
	_ =	sdelay $0x1  }
0x89: {  	[tilespmem:v50+s22+$0x0] =	vst.idx.msk $0xffff, v4  }
0x8a: {  	v4 =	vld.idx.msk [tilespmem:v51+s22+$0x0], $0xffff;
	_ =	sdelay $0x2  }
0x8b: {  	v52 =	vor.u32 $0x5, v2;
	_ =	sdelay $0x1  }
0x8c: {  	v4 =	vmul.f32 v4, v3;
	_ =	sdelay $0x1  }
0x8d: {  	[tilespmem:v51+s22+$0x0] =	vst.idx.msk $0xffff, v4  }
0x8e: {  	v4 =	vld.idx.msk [tilespmem:v52+s22+$0x0], $0xffff;
	_ =	sdelay $0x2  }
0x8f: {  	v53 =	vor.u32 $0x6, v2;
	_ =	sdelay $0x1  }
0x90: {  	v4 =	vmul.f32 v4, v3;
	_ =	sdelay $0x1  }
0x91: {  	[tilespmem:v52+s22+$0x0] =	vst.idx.msk $0xffff, v4  }
0x92: {  	v4 =	vld.idx.msk [tilespmem:v53+s22+$0x0], $0xffff;
	_ =	sdelay $0x2  }
0x93: {  	v54 =	vor.u32 $0x7, v2;
	_ =	sdelay $0x1  }
0x94: {  	v4 =	vmul.f32 v4, v3;
	_ =	sdelay $0x1  }
0x95: {  	[tilespmem:v53+s22+$0x0] =	vst.idx.msk $0xffff, v4  }
0x96: {  	v4 =	vld.idx.msk [tilespmem:v54+s22+$0x0], $0xffff;
	_ =	sdelay $0x2  }
0x97: {  	v55 =	vor.u32 $0x8, v2;
	_ =	sdelay $0x1  }
0x98: {  	v4 =	vmul.f32 v4, v3;
	_ =	sdelay $0x1  }
0x99: {  	[tilespmem:v54+s22+$0x0] =	vst.idx.msk $0xffff, v4  }
0x9a: {  	v4 =	vld.idx.msk [tilespmem:v55+s22+$0x0], $0xffff;
	_ =	sdelay $0x2  }
0x9b: {  	v56 =	vor.u32 $0x9, v2;
	_ =	sdelay $0x1  }
0x9c: {  	v4 =	vmul.f32 v4, v3;
	_ =	sdelay $0x1  }
0x9d: {  	[tilespmem:v55+s22+$0x0] =	vst.idx.msk $0xffff, v4  }
0x9e: {  	v4 =	vld.idx.msk [tilespmem:v56+s22+$0x0], $0xffff;
	_ =	sdelay $0x2  }
0x9f: {  	v57 =	vor.u32 $0xA, v2;
	_ =	sdelay $0x1  }
0xa0: {  	v4 =	vmul.f32 v4, v3;
	_ =	sdelay $0x1  }
0xa1: {  	[tilespmem:v56+s22+$0x0] =	vst.idx.msk $0xffff, v4  }
0xa2: {  	v4 =	vld.idx.msk [tilespmem:v57+s22+$0x0], $0xffff;
	_ =	sdelay $0x2  }
0xa3: {  	v58 =	vor.u32 $0xB, v2;
	_ =	sdelay $0x1  }
0xa4: {  	v4 =	vmul.f32 v4, v3;
	_ =	sdelay $0x1  }
0xa5: {  	[tilespmem:v57+s22+$0x0] =	vst.idx.msk $0xffff, v4  }
0xa6: {  	v4 =	vld.idx.msk [tilespmem:v58+s22+$0x0], $0xffff;
	_ =	sdelay $0x2  }
0xa7: {  	v59 =	vor.u32 $0xC, v2;
	_ =	sdelay $0x1  }
0xa8: {  	v4 =	vmul.f32 v4, v3;
	_ =	sdelay $0x1  }
0xa9: {  	[tilespmem:v58+s22+$0x0] =	vst.idx.msk $0xffff, v4  }
0xaa: {  	v4 =	vld.idx.msk [tilespmem:v59+s22+$0x0], $0xffff;
	_ =	sdelay $0x2  }
0xab: {  	v60 =	vor.u32 $0xD, v2;
	_ =	sdelay $0x1  }
0xac: {  	v4 =	vmul.f32 v4, v3;
	_ =	sdelay $0x1  }
0xad: {  	[tilespmem:v59+s22+$0x0] =	vst.idx.msk $0xffff, v4  }
0xae: {  	v4 =	vld.idx.msk [tilespmem:v60+s22+$0x0], $0xffff;
	_ =	sdelay $0x2  }
0xaf: {  	v61 =	vor.u32 $0xE, v2;
	_ =	sdelay $0x1  }
0xb0: {  	v4 =	vmul.f32 v4, v3;
	_ =	sdelay $0x1  }
0xb1: {  	[tilespmem:v60+s22+$0x0] =	vst.idx.msk $0xffff, v4  }
0xb2: {  	v4 =	vld.idx.msk [tilespmem:v61+s22+$0x0], $0xffff;
	_ =	sdelay $0x2  }
0xb3: {  	v62 =	vor.u32 $0xF, v2;
	_ =	sdelay $0x1  }
0xb4: {  	v4 =	vmul.f32 v4, v3;
	_ =	sdelay $0x1  }
0xb5: {  	[tilespmem:v61+s22+$0x0] =	vst.idx.msk $0xffff, v4  }
0xb6: {  	v4 =	vld.idx.msk [tilespmem:v62+s22+$0x0], $0xffff;
	_ =	sdelay $0x2  }
0xb7: {  	v63 =	vor.u32 $0x10, v2;
	_ =	sdelay $0x1  }
0xb8: {  	v4 =	vmul.f32 v4, v3;
	_ =	sdelay $0x1  }
0xb9: {  	[tilespmem:v62+s22+$0x0] =	vst.idx.msk $0xffff, v4  }
0xba: {  	v4 =	vld.idx.msk [tilespmem:v63+s22+$0x0], $0xffff;
	_ =	sdelay $0x2  }
0xbb: {  	v9 =	vor.u32 $0x11, v2;
	_ =	sdelay $0x1  }
0xbc: {  	v4 =	vmul.f32 v4, v3;
	_ =	sdelay $0x1  }
0xbd: {  	[tilespmem:v63+s22+$0x0] =	vst.idx.msk $0xffff, v4  }
0xbe: {  	v4 =	vld.idx.msk [tilespmem:v9+s22+$0x0], $0xffff;
	_ =	sdelay $0x2  }
0xbf: {  	v10 =	vor.u32 $0x12, v2;
	_ =	sdelay $0x1  }
0xc0: {  	v4 =	vmul.f32 v4, v3;
	_ =	sdelay $0x1  }
0xc1: {  	[tilespmem:v9+s22+$0x0] =	vst.idx.msk $0xffff, v4  }
0xc2: {  	v4 =	vld.idx.msk [tilespmem:v10+s22+$0x0], $0xffff;
	_ =	sdelay $0x2  }
0xc3: {  	v11 =	vor.u32 $0x13, v2;
	_ =	sdelay $0x1  }
0xc4: {  	v4 =	vmul.f32 v4, v3;
	_ =	sdelay $0x1  }
0xc5: {  	[tilespmem:v10+s22+$0x0] =	vst.idx.msk $0xffff, v4  }
0xc6: {  	v4 =	vld.idx.msk [tilespmem:v11+s22+$0x0], $0xffff;
	_ =	sdelay $0x2  }
0xc7: {  	v12 =	vor.u32 $0x14, v2;
	_ =	sdelay $0x1  }
0xc8: {  	v4 =	vmul.f32 v4, v3;
	_ =	sdelay $0x1  }
0xc9: {  	[tilespmem:v11+s22+$0x0] =	vst.idx.msk $0xffff, v4  }
0xca: {  	v4 =	vld.idx.msk [tilespmem:v12+s22+$0x0], $0xffff;
	_ =	sdelay $0x2  }
0xcb: {  	v13 =	vor.u32 $0x15, v2;
	_ =	sdelay $0x1  }
0xcc: {  	v4 =	vmul.f32 v4, v3;
	_ =	sdelay $0x1  }
0xcd: {  	[tilespmem:v12+s22+$0x0] =	vst.idx.msk $0xffff, v4  }
0xce: {  	v4 =	vld.idx.msk [tilespmem:v13+s22+$0x0], $0xffff;
	_ =	sdelay $0x2  }
0xcf: {  	v14 =	vor.u32 $0x16, v2;
	_ =	sdelay $0x1  }
0xd0: {  	v4 =	vmul.f32 v4, v3;
	_ =	sdelay $0x1  }
0xd1: {  	[tilespmem:v13+s22+$0x0] =	vst.idx.msk $0xffff, v4  }
0xd2: {  	v4 =	vld.idx.msk [tilespmem:v14+s22+$0x0], $0xffff;
	_ =	sdelay $0x2  }
0xd3: {  	v15 =	vor.u32 $0x17, v2;
	_ =	sdelay $0x1  }
0xd4: {  	v4 =	vmul.f32 v4, v3;
	_ =	sdelay $0x1  }
0xd5: {  	[tilespmem:v14+s22+$0x0] =	vst.idx.msk $0xffff, v4  }
0xd6: {  	v4 =	vld.idx.msk [tilespmem:v15+s22+$0x0], $0xffff;
	_ =	sdelay $0x2  }
0xd7: {  	v16 =	vor.u32 $0x18, v2;
	_ =	sdelay $0x1  }
0xd8: {  	v4 =	vmul.f32 v4, v3;
	_ =	sdelay $0x1  }
0xd9: {  	[tilespmem:v15+s22+$0x0] =	vst.idx.msk $0xffff, v4  }
0xda: {  	v4 =	vld.idx.msk [tilespmem:v16+s22+$0x0], $0xffff;
	_ =	sdelay $0x2  }
0xdb: {  	v17 =	vor.u32 $0x19, v2;
	_ =	sdelay $0x1  }
0xdc: {  	v4 =	vmul.f32 v4, v3;
	_ =	sdelay $0x1  }
0xdd: {  	[tilespmem:v16+s22+$0x0] =	vst.idx.msk $0xffff, v4  }
0xde: {  	v4 =	vld.idx.msk [tilespmem:v17+s22+$0x0], $0xffff;
	_ =	sdelay $0x2  }
0xdf: {  	v18 =	vor.u32 $0x1A, v2;
	_ =	sdelay $0x1  }
0xe0: {  	v4 =	vmul.f32 v4, v3;
	_ =	sdelay $0x1  }
0xe1: {  	[tilespmem:v17+s22+$0x0] =	vst.idx.msk $0xffff, v4  }
0xe2: {  	v4 =	vld.idx.msk [tilespmem:v18+s22+$0x0], $0xffff;
	_ =	sdelay $0x2  }
0xe3: {  	v19 =	vor.u32 $0x1B, v2;
	_ =	sdelay $0x1  }
0xe4: {  	v4 =	vmul.f32 v4, v3;
	_ =	sdelay $0x1  }
0xe5: {  	[tilespmem:v18+s22+$0x0] =	vst.idx.msk $0xffff, v4  }
0xe6: {  	v4 =	vld.idx.msk [tilespmem:v19+s22+$0x0], $0xffff;
	_ =	sdelay $0x2  }
0xe7: {  	v20 =	vor.u32 $0x1C, v2;
	_ =	sdelay $0x1  }
0xe8: {  	v4 =	vmul.f32 v4, v3;
	_ =	sdelay $0x1  }
0xe9: {  	[tilespmem:v19+s22+$0x0] =	vst.idx.msk $0xffff, v4  }
0xea: {  	v4 =	vld.idx.msk [tilespmem:v20+s22+$0x0], $0xffff;
	_ =	sdelay $0x2  }
0xeb: {  	v21 =	vor.u32 $0x1D, v2;
	_ =	sdelay $0x1  }
0xec: {  	v4 =	vmul.f32 v4, v3;
	_ =	sdelay $0x1  }
0xed: {  	[tilespmem:v20+s22+$0x0] =	vst.idx.msk $0xffff, v4  }
0xee: {  	v4 =	vld.idx.msk [tilespmem:v21+s22+$0x0], $0xffff;
	_ =	sdelay $0x2  }
0xef: {  	v22 =	vor.u32 $0x1E, v2;
	_ =	sdelay $0x1  }
0xf0: {  	v4 =	vmul.f32 v4, v3;
	_ =	sdelay $0x1  }
0xf1: {  	[tilespmem:v21+s22+$0x0] =	vst.idx.msk $0xffff, v4  }
0xf2: {  	v4 =	vld.idx.msk [tilespmem:v22+s22+$0x0], $0xffff;
	_ =	sdelay $0x2  }
0xf3: {  	v23 =	vor.u32 $0x1F, v2;
	_ =	sdelay $0x1  }
0xf4: {  	v4 =	vmul.f32 v4, v3;
	_ =	sdelay $0x1  }
0xf5: {  	[tilespmem:v22+s22+$0x0] =	vst.idx.msk $0xffff, v4  }
0xf6: {  	v4 =	vld.idx.msk [tilespmem:v23+s22+$0x0], $0xffff;
	_ =	sdelay $0x2  }
0xf7: {  	v24 =	vor.u32 $0x20, v2;
	_ =	sdelay $0x1  }
0xf8: {  	v4 =	vmul.f32 v4, v3;
	_ =	sdelay $0x1  }
0xf9: {  	[tilespmem:v23+s22+$0x0] =	vst.idx.msk $0xffff, v4  }
0xfa: {  	v4 =	vld.idx.msk [tilespmem:v24+s22+$0x0], $0xffff;
	_ =	sdelay $0x2  }
0xfb: {  	v25 =	vor.u32 $0x21, v2;
	_ =	sdelay $0x1  }
0xfc: {  	v4 =	vmul.f32 v4, v3;
	_ =	sdelay $0x1  }
0xfd: {  	[tilespmem:v24+s22+$0x0] =	vst.idx.msk $0xffff, v4  }
0xfe: {  	v4 =	vld.idx.msk [tilespmem:v25+s22+$0x0], $0xffff;
	_ =	sdelay $0x2  }
0xff: {  	v26 =	vor.u32 $0x22, v2;
	_ =	sdelay $0x1  }
0x100: {  	v4 =	vmul.f32 v4, v3;
	_ =	sdelay $0x1  }
0x101: {  	[tilespmem:v25+s22+$0x0] =	vst.idx.msk $0xffff, v4  }
0x102: {  	v4 =	vld.idx.msk [tilespmem:v26+s22+$0x0], $0xffff;
	_ =	sdelay $0x2  }
0x103: {  	v27 =	vor.u32 $0x23, v2;
	_ =	sdelay $0x1  }
0x104: {  	v4 =	vmul.f32 v4, v3;
	_ =	sdelay $0x1  }
0x105: {  	[tilespmem:v26+s22+$0x0] =	vst.idx.msk $0xffff, v4  }
0x106: {  	v4 =	vld.idx.msk [tilespmem:v27+s22+$0x0], $0xffff;
	_ =	sdelay $0x2  }
0x107: {  	v28 =	vor.u32 $0x24, v2;
	_ =	sdelay $0x1  }
0x108: {  	v4 =	vmul.f32 v4, v3;
	_ =	sdelay $0x1  }
0x109: {  	[tilespmem:v27+s22+$0x0] =	vst.idx.msk $0xffff, v4  }
0x10a: {  	v4 =	vld.idx.msk [tilespmem:v28+s22+$0x0], $0xffff;
	_ =	sdelay $0x2  }
0x10b: {  	v29 =	vor.u32 $0x25, v2;
	_ =	sdelay $0x1  }
0x10c: {  	v4 =	vmul.f32 v4, v3;
	_ =	sdelay $0x1  }
0x10d: {  	[tilespmem:v28+s22+$0x0] =	vst.idx.msk $0xffff, v4  }
0x10e: {  	v4 =	vld.idx.msk [tilespmem:v29+s22+$0x0], $0xffff;
	_ =	sdelay $0x2  }
0x10f: {  	v30 =	vor.u32 $0x26, v2;
	_ =	sdelay $0x1  }
0x110: {  	v4 =	vmul.f32 v4, v3;
	_ =	sdelay $0x1  }
0x111: {  	[tilespmem:v29+s22+$0x0] =	vst.idx.msk $0xffff, v4  }
0x112: {  	v4 =	vld.idx.msk [tilespmem:v30+s22+$0x0], $0xffff;
	_ =	sdelay $0x2  }
0x113: {  	v31 =	vor.u32 $0x27, v2;
	_ =	sdelay $0x1  }
0x114: {  	v4 =	vmul.f32 v4, v3;
	_ =	sdelay $0x1  }
0x115: {  	[tilespmem:v30+s22+$0x0] =	vst.idx.msk $0xffff, v4  }
0x116: {  	v4 =	vld.idx.msk [tilespmem:v31+s22+$0x0], $0xffff;
	_ =	sdelay $0x2  }
0x117: {  	v32 =	vor.u32 $0x28, v2;
	_ =	sdelay $0x1  }
0x118: {  	v4 =	vmul.f32 v4, v3;
	_ =	sdelay $0x1  }
0x119: {  	[tilespmem:v31+s22+$0x0] =	vst.idx.msk $0xffff, v4  }
0x11a: {  	v4 =	vld.idx.msk [tilespmem:v32+s22+$0x0], $0xffff;
	_ =	sdelay $0x2  }
0x11b: {  	v33 =	vor.u32 $0x29, v2;
	_ =	sdelay $0x1  }
0x11c: {  	v4 =	vmul.f32 v4, v3;
	_ =	sdelay $0x1  }
0x11d: {  	[tilespmem:v32+s22+$0x0] =	vst.idx.msk $0xffff, v4  }
0x11e: {  	v4 =	vld.idx.msk [tilespmem:v33+s22+$0x0], $0xffff;
	_ =	sdelay $0x2  }
0x11f: {  	v34 =	vor.u32 $0x2A, v2;
	_ =	sdelay $0x1  }
0x120: {  	v4 =	vmul.f32 v4, v3;
	_ =	sdelay $0x1  }
0x121: {  	[tilespmem:v33+s22+$0x0] =	vst.idx.msk $0xffff, v4  }
0x122: {  	v4 =	vld.idx.msk [tilespmem:v34+s22+$0x0], $0xffff;
	_ =	sdelay $0x2  }
0x123: {  	v35 =	vor.u32 $0x2B, v2;
	_ =	sdelay $0x1  }
0x124: {  	v4 =	vmul.f32 v4, v3;
	_ =	sdelay $0x1  }
0x125: {  	[tilespmem:v34+s22+$0x0] =	vst.idx.msk $0xffff, v4  }
0x126: {  	v4 =	vld.idx.msk [tilespmem:v35+s22+$0x0], $0xffff;
	_ =	sdelay $0x2  }
0x127: {  	v36 =	vor.u32 $0x2C, v2;
	_ =	sdelay $0x1  }
0x128: {  	v4 =	vmul.f32 v4, v3;
	_ =	sdelay $0x1  }
0x129: {  	[tilespmem:v35+s22+$0x0] =	vst.idx.msk $0xffff, v4  }
0x12a: {  	v4 =	vld.idx.msk [tilespmem:v36+s22+$0x0], $0xffff;
	_ =	sdelay $0x2  }
0x12b: {  	v37 =	vor.u32 $0x2D, v2;
	_ =	sdelay $0x1  }
0x12c: {  	v4 =	vmul.f32 v4, v3;
	_ =	sdelay $0x1  }
0x12d: {  	[tilespmem:v36+s22+$0x0] =	vst.idx.msk $0xffff, v4  }
0x12e: {  	v4 =	vld.idx.msk [tilespmem:v37+s22+$0x0], $0xffff;
	_ =	sdelay $0x2  }
0x12f: {  	v38 =	vor.u32 $0x2E, v2;
	_ =	sdelay $0x1  }
0x130: {  	v4 =	vmul.f32 v4, v3;
	_ =	sdelay $0x1  }
0x131: {  	[tilespmem:v37+s22+$0x0] =	vst.idx.msk $0xffff, v4  }
0x132: {  	v4 =	vld.idx.msk [tilespmem:v38+s22+$0x0], $0xffff;
	_ =	sdelay $0x2  }
0x133: {  	v39 =	vor.u32 $0x2F, v2;
	_ =	sdelay $0x1  }
0x134: {  	v4 =	vmul.f32 v4, v3;
	_ =	sdelay $0x1  }
0x135: {  	[tilespmem:v38+s22+$0x0] =	vst.idx.msk $0xffff, v4  }
0x136: {  	v4 =	vld.idx.msk [tilespmem:v39+s22+$0x0], $0xffff;
	_ =	sdelay $0x2  }
0x137: {  	v40 =	vor.u32 $0x30, v2;
	_ =	sdelay $0x1  }
0x138: {  	v4 =	vmul.f32 v4, v3;
	_ =	sdelay $0x1  }
0x139: {  	[tilespmem:v39+s22+$0x0] =	vst.idx.msk $0xffff, v4  }
0x13a: {  	v4 =	vld.idx.msk [tilespmem:v40+s22+$0x0], $0xffff;
	_ =	sdelay $0x2  }
0x13b: {  	v41 =	vor.u32 $0x31, v2;
	_ =	sdelay $0x1  }
0x13c: {  	v4 =	vmul.f32 v4, v3;
	_ =	sdelay $0x1  }
0x13d: {  	[tilespmem:v40+s22+$0x0] =	vst.idx.msk $0xffff, v4  }
0x13e: {  	v4 =	vld.idx.msk [tilespmem:v41+s22+$0x0], $0xffff;
	_ =	sdelay $0x2  }
0x13f: {  	v42 =	vor.u32 $0x32, v2;
	_ =	sdelay $0x1  }
0x140: {  	v4 =	vmul.f32 v4, v3;
	_ =	sdelay $0x1  }
0x141: {  	[tilespmem:v41+s22+$0x0] =	vst.idx.msk $0xffff, v4  }
0x142: {  	v4 =	vld.idx.msk [tilespmem:v42+s22+$0x0], $0xffff;
	_ =	sdelay $0x2  }
0x143: {  	v43 =	vor.u32 $0x33, v2;
	_ =	sdelay $0x1  }
0x144: {  	v4 =	vmul.f32 v4, v3;
	_ =	sdelay $0x1  }
0x145: {  	[tilespmem:v42+s22+$0x0] =	vst.idx.msk $0xffff, v4  }
0x146: {  	v4 =	vld.idx.msk [tilespmem:v43+s22+$0x0], $0xffff;
	_ =	sdelay $0x2  }
0x147: {  	v44 =	vor.u32 $0x34, v2;
	_ =	sdelay $0x1  }
0x148: {  	v4 =	vmul.f32 v4, v3;
	_ =	sdelay $0x1  }
0x149: {  	[tilespmem:v43+s22+$0x0] =	vst.idx.msk $0xffff, v4  }
0x14a: {  	v4 =	vld.idx.msk [tilespmem:v44+s22+$0x0], $0xffff;
	_ =	sdelay $0x2  }
0x14b: {  	v45 =	vor.u32 $0x35, v2;
	_ =	sdelay $0x1  }
0x14c: {  	v4 =	vmul.f32 v4, v3;
	_ =	sdelay $0x1  }
0x14d: {  	[tilespmem:v44+s22+$0x0] =	vst.idx.msk $0xffff, v4  }
0x14e: {  	v4 =	vld.idx.msk [tilespmem:v45+s22+$0x0], $0xffff;
	_ =	sdelay $0x2  }
0x14f: {  	v46 =	vor.u32 $0x36, v2;
	_ =	sdelay $0x1  }
0x150: {  	v4 =	vmul.f32 v4, v3;
	_ =	sdelay $0x1  }
0x151: {  	[tilespmem:v45+s22+$0x0] =	vst.idx.msk $0xffff, v4  }
0x152: {  	v4 =	vld.idx.msk [tilespmem:v46+s22+$0x0], $0xffff;
	_ =	sdelay $0x2  }
0x153: {  	v47 =	vor.u32 $0x37, v2;
	_ =	sdelay $0x1  }
0x154: {  	v4 =	vmul.f32 v4, v3;
	_ =	sdelay $0x1  }
0x155: {  	[tilespmem:v46+s22+$0x0] =	vst.idx.msk $0xffff, v4  }
0x156: {  	v4 =	vld.idx.msk [tilespmem:v47+s22+$0x0], $0xffff;
	_ =	sdelay $0x2  }
0x157: {  	v48 =	vor.u32 $0x38, v2;
	_ =	sdelay $0x1  }
0x158: {  	v4 =	vmul.f32 v4, v3;
	_ =	sdelay $0x1  }
0x159: {  	[tilespmem:v47+s22+$0x0] =	vst.idx.msk $0xffff, v4  }
0x15a: {  	v4 =	vld.idx.msk [tilespmem:v48+s22+$0x0], $0xffff;
	_ =	sdelay $0x2  }
0x15b: {  	v49 =	vor.u32 $0x39, v2;
	_ =	sdelay $0x1  }
0x15c: {  	v4 =	vmul.f32 v4, v3;
	_ =	sdelay $0x1  }
0x15d: {  	[tilespmem:v48+s22+$0x0] =	vst.idx.msk $0xffff, v4  }
0x15e: {  	v4 =	vld.idx.msk [tilespmem:v49+s22+$0x0], $0xffff;
	_ =	sdelay $0x2  }
0x15f: {  	v50 =	vor.u32 $0x3A, v2;
	_ =	sdelay $0x1  }
0x160: {  	v4 =	vmul.f32 v4, v3;
	_ =	sdelay $0x1  }
0x161: {  	[tilespmem:v49+s22+$0x0] =	vst.idx.msk $0xffff, v4  }
0x162: {  	v4 =	vld.idx.msk [tilespmem:v50+s22+$0x0], $0xffff;
	_ =	sdelay $0x2  }
0x163: {  	v51 =	vor.u32 $0x3B, v2;
	_ =	sdelay $0x1  }
0x164: {  	v4 =	vmul.f32 v4, v3;
	_ =	sdelay $0x1  }
0x165: {  	[tilespmem:v50+s22+$0x0] =	vst.idx.msk $0xffff, v4  }
0x166: {  	v4 =	vld.idx.msk [tilespmem:v51+s22+$0x0], $0xffff;
	_ =	sdelay $0x2  }
0x167: {  	v52 =	vor.u32 $0x3C, v2;
	_ =	sdelay $0x1  }
0x168: {  	v4 =	vmul.f32 v4, v3;
	_ =	sdelay $0x1  }
0x169: {  	[tilespmem:v51+s22+$0x0] =	vst.idx.msk $0xffff, v4  }
0x16a: {  	v4 =	vld.idx.msk [tilespmem:v52+s22+$0x0], $0xffff;
	_ =	sdelay $0x2  }
0x16b: {  	v53 =	vor.u32 $0x3D, v2;
	_ =	sdelay $0x1  }
0x16c: {  	v4 =	vmul.f32 v4, v3;
	_ =	sdelay $0x1  }
0x16d: {  	[tilespmem:v52+s22+$0x0] =	vst.idx.msk $0xffff, v4  }
0x16e: {  	v4 =	vld.idx.msk [tilespmem:v53+s22+$0x0], $0xffff;
	_ =	sdelay $0x2  }
0x16f: {  	v54 =	vor.u32 $0x3E, v2;
	_ =	sdelay $0x1  }
0x170: {  	v4 =	vmul.f32 v4, v3;
	_ =	sdelay $0x1  }
0x171: {  	[tilespmem:v53+s22+$0x0] =	vst.idx.msk $0xffff, v4  }
0x172: {  	v4 =	vld.idx.msk [tilespmem:v54+s22+$0x0], $0xffff;
	_ =	sdelay $0x2  }
0x173: {  	v55 =	vor.u32 $0x3F, v2;
	_ =	sdelay $0x1  }
0x174: {  	v4 =	vmul.f32 v4, v3;
	_ =	sdelay $0x1  }
0x175: {  	[tilespmem:v54+s22+$0x0] =	vst.idx.msk $0xffff, v4  }
0x176: {  	v4 =	vld.idx.msk [tilespmem:v55+s22+$0x0], $0xffff;
	_ =	sdelay $0x2  }
0x177: {  	v56 =	vor.u32 $0x40, v2;
	_ =	sdelay $0x1  }
0x178: {  	v4 =	vmul.f32 v4, v3;
	_ =	sdelay $0x1  }
0x179: {  	[tilespmem:v55+s22+$0x0] =	vst.idx.msk $0xffff, v4  }
0x17a: {  	v4 =	vld.idx.msk [tilespmem:v56+s22+$0x0], $0xffff;
	_ =	sdelay $0x2  }
0x17b: {  	v57 =	vor.u32 $0x41, v2;
	_ =	sdelay $0x1  }
0x17c: {  	v4 =	vmul.f32 v4, v3;
	_ =	sdelay $0x1  }
0x17d: {  	[tilespmem:v56+s22+$0x0] =	vst.idx.msk $0xffff, v4  }
0x17e: {  	v4 =	vld.idx.msk [tilespmem:v57+s22+$0x0], $0xffff;
	_ =	sdelay $0x2  }
0x17f: {  	v58 =	vor.u32 $0x42, v2;
	_ =	sdelay $0x1  }
0x180: {  	v4 =	vmul.f32 v4, v3;
	_ =	sdelay $0x1  }
0x181: {  	[tilespmem:v57+s22+$0x0] =	vst.idx.msk $0xffff, v4  }
0x182: {  	v4 =	vld.idx.msk [tilespmem:v58+s22+$0x0], $0xffff;
	_ =	sdelay $0x2  }
0x183: {  	v59 =	vor.u32 $0x43, v2;
	_ =	sdelay $0x1  }
0x184: {  	v4 =	vmul.f32 v4, v3;
	_ =	sdelay $0x1  }
0x185: {  	[tilespmem:v58+s22+$0x0] =	vst.idx.msk $0xffff, v4  }
0x186: {  	v4 =	vld.idx.msk [tilespmem:v59+s22+$0x0], $0xffff;
	_ =	sdelay $0x2  }
0x187: {  	v60 =	vor.u32 $0x44, v2;
	_ =	sdelay $0x1  }
0x188: {  	v4 =	vmul.f32 v4, v3;
	_ =	sdelay $0x1  }
0x189: {  	[tilespmem:v59+s22+$0x0] =	vst.idx.msk $0xffff, v4  }
0x18a: {  	v4 =	vld.idx.msk [tilespmem:v60+s22+$0x0], $0xffff;
	_ =	sdelay $0x2  }
0x18b: {  	v61 =	vor.u32 $0x45, v2;
	_ =	sdelay $0x1  }
0x18c: {  	v4 =	vmul.f32 v4, v3;
	_ =	sdelay $0x1  }
0x18d: {  	[tilespmem:v60+s22+$0x0] =	vst.idx.msk $0xffff, v4  }
0x18e: {  	v4 =	vld.idx.msk [tilespmem:v61+s22+$0x0], $0xffff;
	_ =	sdelay $0x2  }
0x18f: {  	v62 =	vor.u32 $0x46, v2;
	_ =	sdelay $0x1  }
0x190: {  	v4 =	vmul.f32 v4, v3;
	_ =	sdelay $0x1  }
0x191: {  	[tilespmem:v61+s22+$0x0] =	vst.idx.msk $0xffff, v4  }
0x192: {  	v4 =	vld.idx.msk [tilespmem:v62+s22+$0x0], $0xffff;
	_ =	sdelay $0x2  }
0x193: {  	v63 =	vor.u32 $0x47, v2;
	_ =	sdelay $0x1  }
0x194: {  	v4 =	vmul.f32 v4, v3;
	_ =	sdelay $0x1  }
0x195: {  	[tilespmem:v62+s22+$0x0] =	vst.idx.msk $0xffff, v4  }
0x196: {  	v4 =	vld.idx.msk [tilespmem:v63+s22+$0x0], $0xffff;
	_ =	sdelay $0x2  }
0x197: {  	v9 =	vor.u32 $0x48, v2;
	_ =	sdelay $0x1  }
0x198: {  	v4 =	vmul.f32 v4, v3;
	_ =	sdelay $0x1  }
0x199: {  	[tilespmem:v63+s22+$0x0] =	vst.idx.msk $0xffff, v4  }
0x19a: {  	v4 =	vld.idx.msk [tilespmem:v9+s22+$0x0], $0xffff;
	_ =	sdelay $0x2  }
0x19b: {  	v10 =	vor.u32 $0x49, v2;
	_ =	sdelay $0x1  }
0x19c: {  	v4 =	vmul.f32 v4, v3;
	_ =	sdelay $0x1  }
0x19d: {  	[tilespmem:v9+s22+$0x0] =	vst.idx.msk $0xffff, v4  }
0x19e: {  	v4 =	vld.idx.msk [tilespmem:v10+s22+$0x0], $0xffff;
	_ =	sdelay $0x2  }
0x19f: {  	v11 =	vor.u32 $0x4A, v2;
	_ =	sdelay $0x1  }
0x1a0: {  	v4 =	vmul.f32 v4, v3;
	_ =	sdelay $0x1  }
0x1a1: {  	[tilespmem:v10+s22+$0x0] =	vst.idx.msk $0xffff, v4  }
0x1a2: {  	v4 =	vld.idx.msk [tilespmem:v11+s22+$0x0], $0xffff;
	_ =	sdelay $0x2  }
0x1a3: {  	v12 =	vor.u32 $0x4B, v2;
	_ =	sdelay $0x1  }
0x1a4: {  	v4 =	vmul.f32 v4, v3;
	_ =	sdelay $0x1  }
0x1a5: {  	[tilespmem:v11+s22+$0x0] =	vst.idx.msk $0xffff, v4  }
0x1a6: {  	v4 =	vld.idx.msk [tilespmem:v12+s22+$0x0], $0xffff;
	_ =	sdelay $0x2  }
0x1a7: {  	v13 =	vor.u32 $0x4C, v2;
	_ =	sdelay $0x1  }
0x1a8: {  	v4 =	vmul.f32 v4, v3;
	_ =	sdelay $0x1  }
0x1a9: {  	[tilespmem:v12+s22+$0x0] =	vst.idx.msk $0xffff, v4  }
0x1aa: {  	v4 =	vld.idx.msk [tilespmem:v13+s22+$0x0], $0xffff;
	_ =	sdelay $0x2  }
0x1ab: {  	v14 =	vor.u32 $0x4D, v2;
	_ =	sdelay $0x1  }
0x1ac: {  	v4 =	vmul.f32 v4, v3;
	_ =	sdelay $0x1  }
0x1ad: {  	[tilespmem:v13+s22+$0x0] =	vst.idx.msk $0xffff, v4  }
0x1ae: {  	v4 =	vld.idx.msk [tilespmem:v14+s22+$0x0], $0xffff;
	_ =	sdelay $0x2  }
0x1af: {  	v15 =	vor.u32 $0x4E, v2;
	_ =	sdelay $0x1  }
0x1b0: {  	v4 =	vmul.f32 v4, v3;
	_ =	sdelay $0x1  }
0x1b1: {  	[tilespmem:v14+s22+$0x0] =	vst.idx.msk $0xffff, v4  }
0x1b2: {  	v4 =	vld.idx.msk [tilespmem:v15+s22+$0x0], $0xffff;
	_ =	sdelay $0x2  }
0x1b3: {  	v16 =	vor.u32 $0x4F, v2;
	_ =	sdelay $0x1  }
0x1b4: {  	v4 =	vmul.f32 v4, v3;
	_ =	sdelay $0x1  }
0x1b5: {  	[tilespmem:v15+s22+$0x0] =	vst.idx.msk $0xffff, v4  }
0x1b6: {  	v4 =	vld.idx.msk [tilespmem:v16+s22+$0x0], $0xffff;
	_ =	sdelay $0x2  }
0x1b7: {  	v17 =	vor.u32 $0x50, v2;
	_ =	sdelay $0x1  }
0x1b8: {  	v4 =	vmul.f32 v4, v3;
	_ =	sdelay $0x1  }
0x1b9: {  	[tilespmem:v16+s22+$0x0] =	vst.idx.msk $0xffff, v4  }
0x1ba: {  	v4 =	vld.idx.msk [tilespmem:v17+s22+$0x0], $0xffff;
	_ =	sdelay $0x2  }
0x1bb: {  	v18 =	vor.u32 $0x51, v2;
	_ =	sdelay $0x1  }
0x1bc: {  	v4 =	vmul.f32 v4, v3;
	_ =	sdelay $0x1  }
0x1bd: {  	[tilespmem:v17+s22+$0x0] =	vst.idx.msk $0xffff, v4  }
0x1be: {  	v4 =	vld.idx.msk [tilespmem:v18+s22+$0x0], $0xffff;
	_ =	sdelay $0x2  }
0x1bf: {  	v19 =	vor.u32 $0x52, v2;
	_ =	sdelay $0x1  }
0x1c0: {  	v4 =	vmul.f32 v4, v3;
	_ =	sdelay $0x1  }
0x1c1: {  	[tilespmem:v18+s22+$0x0] =	vst.idx.msk $0xffff, v4  }
0x1c2: {  	v4 =	vld.idx.msk [tilespmem:v19+s22+$0x0], $0xffff;
	_ =	sdelay $0x2  }
0x1c3: {  	v20 =	vor.u32 $0x53, v2;
	_ =	sdelay $0x1  }
0x1c4: {  	v4 =	vmul.f32 v4, v3;
	_ =	sdelay $0x1  }
0x1c5: {  	[tilespmem:v19+s22+$0x0] =	vst.idx.msk $0xffff, v4  }
0x1c6: {  	v4 =	vld.idx.msk [tilespmem:v20+s22+$0x0], $0xffff;
	_ =	sdelay $0x2  }
0x1c7: {  	v21 =	vor.u32 $0x54, v2;
	_ =	sdelay $0x1  }
0x1c8: {  	v4 =	vmul.f32 v4, v3;
	_ =	sdelay $0x1  }
0x1c9: {  	[tilespmem:v20+s22+$0x0] =	vst.idx.msk $0xffff, v4  }
0x1ca: {  	v4 =	vld.idx.msk [tilespmem:v21+s22+$0x0], $0xffff;
	_ =	sdelay $0x2  }
0x1cb: {  	v22 =	vor.u32 $0x55, v2;
	_ =	sdelay $0x1  }
0x1cc: {  	v4 =	vmul.f32 v4, v3;
	_ =	sdelay $0x1  }
0x1cd: {  	[tilespmem:v21+s22+$0x0] =	vst.idx.msk $0xffff, v4  }
0x1ce: {  	v4 =	vld.idx.msk [tilespmem:v22+s22+$0x0], $0xffff;
	_ =	sdelay $0x2  }
0x1cf: {  	v23 =	vor.u32 $0x56, v2;
	_ =	sdelay $0x1  }
0x1d0: {  	v4 =	vmul.f32 v4, v3;
	_ =	sdelay $0x1  }
0x1d1: {  	[tilespmem:v22+s22+$0x0] =	vst.idx.msk $0xffff, v4  }
0x1d2: {  	v4 =	vld.idx.msk [tilespmem:v23+s22+$0x0], $0xffff;
	_ =	sdelay $0x2  }
0x1d3: {  	v24 =	vor.u32 $0x57, v2;
	_ =	sdelay $0x1  }
0x1d4: {  	v4 =	vmul.f32 v4, v3;
	_ =	sdelay $0x1  }
0x1d5: {  	[tilespmem:v23+s22+$0x0] =	vst.idx.msk $0xffff, v4  }
0x1d6: {  	v4 =	vld.idx.msk [tilespmem:v24+s22+$0x0], $0xffff;
	_ =	sdelay $0x2  }
0x1d7: {  	v25 =	vor.u32 $0x58, v2;
	_ =	sdelay $0x1  }
0x1d8: {  	v4 =	vmul.f32 v4, v3;
	_ =	sdelay $0x1  }
0x1d9: {  	[tilespmem:v24+s22+$0x0] =	vst.idx.msk $0xffff, v4  }
0x1da: {  	v4 =	vld.idx.msk [tilespmem:v25+s22+$0x0], $0xffff;
	_ =	sdelay $0x2  }
0x1db: {  	v26 =	vor.u32 $0x59, v2;
	_ =	sdelay $0x1  }
0x1dc: {  	v4 =	vmul.f32 v4, v3;
	_ =	sdelay $0x1  }
0x1dd: {  	[tilespmem:v25+s22+$0x0] =	vst.idx.msk $0xffff, v4  }
0x1de: {  	v4 =	vld.idx.msk [tilespmem:v26+s22+$0x0], $0xffff;
	_ =	sdelay $0x2  }
0x1df: {  	v27 =	vor.u32 $0x5A, v2;
	_ =	sdelay $0x1  }
0x1e0: {  	v4 =	vmul.f32 v4, v3;
	_ =	sdelay $0x1  }
0x1e1: {  	[tilespmem:v26+s22+$0x0] =	vst.idx.msk $0xffff, v4  }
0x1e2: {  	v4 =	vld.idx.msk [tilespmem:v27+s22+$0x0], $0xffff;
	_ =	sdelay $0x2  }
0x1e3: {  	v28 =	vor.u32 $0x5B, v2;
	_ =	sdelay $0x1  }
0x1e4: {  	v4 =	vmul.f32 v4, v3;
	_ =	sdelay $0x1  }
0x1e5: {  	[tilespmem:v27+s22+$0x0] =	vst.idx.msk $0xffff, v4  }
0x1e6: {  	v4 =	vld.idx.msk [tilespmem:v28+s22+$0x0], $0xffff;
	_ =	sdelay $0x2  }
0x1e7: {  	v29 =	vor.u32 $0x5C, v2;
	_ =	sdelay $0x1  }
0x1e8: {  	v4 =	vmul.f32 v4, v3;
	_ =	sdelay $0x1  }
0x1e9: {  	[tilespmem:v28+s22+$0x0] =	vst.idx.msk $0xffff, v4  }
0x1ea: {  	v4 =	vld.idx.msk [tilespmem:v29+s22+$0x0], $0xffff;
	_ =	sdelay $0x2  }
0x1eb: {  	v30 =	vor.u32 $0x5D, v2;
	_ =	sdelay $0x1  }
0x1ec: {  	v4 =	vmul.f32 v4, v3;
	_ =	sdelay $0x1  }
0x1ed: {  	[tilespmem:v29+s22+$0x0] =	vst.idx.msk $0xffff, v4  }
0x1ee: {  	v4 =	vld.idx.msk [tilespmem:v30+s22+$0x0], $0xffff;
	_ =	sdelay $0x2  }
0x1ef: {  	v31 =	vor.u32 $0x5E, v2;
	_ =	sdelay $0x1  }
0x1f0: {  	v4 =	vmul.f32 v4, v3;
	_ =	sdelay $0x1  }
0x1f1: {  	[tilespmem:v30+s22+$0x0] =	vst.idx.msk $0xffff, v4  }
0x1f2: {  	v4 =	vld.idx.msk [tilespmem:v31+s22+$0x0], $0xffff;
	_ =	sdelay $0x2  }
0x1f3: {  	v32 =	vor.u32 $0x5F, v2;
	_ =	sdelay $0x1  }
0x1f4: {  	v4 =	vmul.f32 v4, v3;
	_ =	sdelay $0x1  }
0x1f5: {  	[tilespmem:v31+s22+$0x0] =	vst.idx.msk $0xffff, v4  }
0x1f6: {  	v4 =	vld.idx.msk [tilespmem:v32+s22+$0x0], $0xffff;
	_ =	sdelay $0x2  }
0x1f7: {  	v33 =	vor.u32 $0x60, v2;
	_ =	sdelay $0x1  }
0x1f8: {  	v4 =	vmul.f32 v4, v3;
	_ =	sdelay $0x1  }
0x1f9: {  	[tilespmem:v32+s22+$0x0] =	vst.idx.msk $0xffff, v4  }
0x1fa: {  	v4 =	vld.idx.msk [tilespmem:v33+s22+$0x0], $0xffff;
	_ =	sdelay $0x2  }
0x1fb: {  	v34 =	vor.u32 $0x61, v2;
	_ =	sdelay $0x1  }
0x1fc: {  	v4 =	vmul.f32 v4, v3;
	_ =	sdelay $0x1  }
0x1fd: {  	[tilespmem:v33+s22+$0x0] =	vst.idx.msk $0xffff, v4  }
0x1fe: {  	v4 =	vld.idx.msk [tilespmem:v34+s22+$0x0], $0xffff;
	_ =	sdelay $0x2  }
0x1ff: {  	v35 =	vor.u32 $0x62, v2;
	_ =	sdelay $0x1  }
0x200: {  	v4 =	vmul.f32 v4, v3;
	_ =	sdelay $0x1  }
0x201: {  	[tilespmem:v34+s22+$0x0] =	vst.idx.msk $0xffff, v4  }
0x202: {  	v4 =	vld.idx.msk [tilespmem:v35+s22+$0x0], $0xffff;
	_ =	sdelay $0x2  }
0x203: {  	v36 =	vor.u32 $0x63, v2;
	_ =	sdelay $0x1  }
0x204: {  	v4 =	vmul.f32 v4, v3;
	_ =	sdelay $0x1  }
0x205: {  	[tilespmem:v35+s22+$0x0] =	vst.idx.msk $0xffff, v4  }
0x206: {  	v4 =	vld.idx.msk [tilespmem:v36+s22+$0x0], $0xffff;
	_ =	sdelay $0x2  }
0x207: {  	v37 =	vor.u32 $0x64, v2;
	_ =	sdelay $0x1  }
0x208: {  	v4 =	vmul.f32 v4, v3;
	_ =	sdelay $0x1  }
0x209: {  	[tilespmem:v36+s22+$0x0] =	vst.idx.msk $0xffff, v4  }
0x20a: {  	v4 =	vld.idx.msk [tilespmem:v37+s22+$0x0], $0xffff;
	_ =	sdelay $0x2  }
0x20b: {  	v38 =	vor.u32 $0x65, v2;
	_ =	sdelay $0x1  }
0x20c: {  	v4 =	vmul.f32 v4, v3;
	_ =	sdelay $0x1  }
0x20d: {  	[tilespmem:v37+s22+$0x0] =	vst.idx.msk $0xffff, v4  }
0x20e: {  	v4 =	vld.idx.msk [tilespmem:v38+s22+$0x0], $0xffff;
	_ =	sdelay $0x2  }
0x20f: {  	v39 =	vor.u32 $0x66, v2;
	_ =	sdelay $0x1  }
0x210: {  	v4 =	vmul.f32 v4, v3;
	_ =	sdelay $0x1  }
0x211: {  	[tilespmem:v38+s22+$0x0] =	vst.idx.msk $0xffff, v4  }
0x212: {  	v4 =	vld.idx.msk [tilespmem:v39+s22+$0x0], $0xffff;
	_ =	sdelay $0x2  }
0x213: {  	v40 =	vor.u32 $0x67, v2;
	_ =	sdelay $0x1  }
0x214: {  	v4 =	vmul.f32 v4, v3;
	_ =	sdelay $0x1  }
0x215: {  	[tilespmem:v39+s22+$0x0] =	vst.idx.msk $0xffff, v4  }
0x216: {  	v4 =	vld.idx.msk [tilespmem:v40+s22+$0x0], $0xffff;
	_ =	sdelay $0x2  }
0x217: {  	v41 =	vor.u32 $0x68, v2;
	_ =	sdelay $0x1  }
0x218: {  	v4 =	vmul.f32 v4, v3;
	_ =	sdelay $0x1  }
0x219: {  	[tilespmem:v40+s22+$0x0] =	vst.idx.msk $0xffff, v4  }
0x21a: {  	v4 =	vld.idx.msk [tilespmem:v41+s22+$0x0], $0xffff;
	_ =	sdelay $0x2  }
0x21b: {  	v42 =	vor.u32 $0x69, v2;
	_ =	sdelay $0x1  }
0x21c: {  	v4 =	vmul.f32 v4, v3;
	_ =	sdelay $0x1  }
0x21d: {  	[tilespmem:v41+s22+$0x0] =	vst.idx.msk $0xffff, v4  }
0x21e: {  	v4 =	vld.idx.msk [tilespmem:v42+s22+$0x0], $0xffff;
	_ =	sdelay $0x2  }
0x21f: {  	v43 =	vor.u32 $0x6A, v2;
	_ =	sdelay $0x1  }
0x220: {  	v4 =	vmul.f32 v4, v3;
	_ =	sdelay $0x1  }
0x221: {  	[tilespmem:v42+s22+$0x0] =	vst.idx.msk $0xffff, v4  }
0x222: {  	v4 =	vld.idx.msk [tilespmem:v43+s22+$0x0], $0xffff;
	_ =	sdelay $0x2  }
0x223: {  	v44 =	vor.u32 $0x6B, v2;
	_ =	sdelay $0x1  }
0x224: {  	v4 =	vmul.f32 v4, v3;
	_ =	sdelay $0x1  }
0x225: {  	[tilespmem:v43+s22+$0x0] =	vst.idx.msk $0xffff, v4  }
0x226: {  	v4 =	vld.idx.msk [tilespmem:v44+s22+$0x0], $0xffff;
	_ =	sdelay $0x2  }
0x227: {  	v45 =	vor.u32 $0x6C, v2;
	_ =	sdelay $0x1  }
0x228: {  	v4 =	vmul.f32 v4, v3;
	_ =	sdelay $0x1  }
0x229: {  	[tilespmem:v44+s22+$0x0] =	vst.idx.msk $0xffff, v4  }
0x22a: {  	v4 =	vld.idx.msk [tilespmem:v45+s22+$0x0], $0xffff;
	_ =	sdelay $0x2  }
0x22b: {  	v46 =	vor.u32 $0x6D, v2;
	_ =	sdelay $0x1  }
0x22c: {  	v4 =	vmul.f32 v4, v3;
	_ =	sdelay $0x1  }
0x22d: {  	[tilespmem:v45+s22+$0x0] =	vst.idx.msk $0xffff, v4  }
0x22e: {  	v4 =	vld.idx.msk [tilespmem:v46+s22+$0x0], $0xffff;
	_ =	sdelay $0x2  }
0x22f: {  	v47 =	vor.u32 $0x6E, v2;
	_ =	sdelay $0x1  }
0x230: {  	v4 =	vmul.f32 v4, v3;
	_ =	sdelay $0x1  }
0x231: {  	[tilespmem:v46+s22+$0x0] =	vst.idx.msk $0xffff, v4  }
0x232: {  	v4 =	vld.idx.msk [tilespmem:v47+s22+$0x0], $0xffff;
	_ =	sdelay $0x2  }
0x233: {  	v48 =	vor.u32 $0x6F, v2;
	_ =	sdelay $0x1  }
0x234: {  	v4 =	vmul.f32 v4, v3;
	_ =	sdelay $0x1  }
0x235: {  	[tilespmem:v47+s22+$0x0] =	vst.idx.msk $0xffff, v4  }
0x236: {  	v4 =	vld.idx.msk [tilespmem:v48+s22+$0x0], $0xffff;
	_ =	sdelay $0x2  }
0x237: {  	v49 =	vor.u32 $0x70, v2;
	_ =	sdelay $0x1  }
0x238: {  	v4 =	vmul.f32 v4, v3;
	_ =	sdelay $0x1  }
0x239: {  	[tilespmem:v48+s22+$0x0] =	vst.idx.msk $0xffff, v4  }
0x23a: {  	v4 =	vld.idx.msk [tilespmem:v49+s22+$0x0], $0xffff;
	_ =	sdelay $0x2  }
0x23b: {  	v50 =	vor.u32 $0x71, v2;
	_ =	sdelay $0x1  }
0x23c: {  	v4 =	vmul.f32 v4, v3;
	_ =	sdelay $0x1  }
0x23d: {  	[tilespmem:v49+s22+$0x0] =	vst.idx.msk $0xffff, v4  }
0x23e: {  	v4 =	vld.idx.msk [tilespmem:v50+s22+$0x0], $0xffff;
	_ =	sdelay $0x2  }
0x23f: {  	v51 =	vor.u32 $0x72, v2;
	_ =	sdelay $0x1  }
0x240: {  	v4 =	vmul.f32 v4, v3;
	_ =	sdelay $0x1  }
0x241: {  	[tilespmem:v50+s22+$0x0] =	vst.idx.msk $0xffff, v4  }
0x242: {  	v4 =	vld.idx.msk [tilespmem:v51+s22+$0x0], $0xffff;
	_ =	sdelay $0x2  }
0x243: {  	v52 =	vor.u32 $0x73, v2;
	_ =	sdelay $0x1  }
0x244: {  	v4 =	vmul.f32 v4, v3;
	_ =	sdelay $0x1  }
0x245: {  	[tilespmem:v51+s22+$0x0] =	vst.idx.msk $0xffff, v4  }
0x246: {  	v4 =	vld.idx.msk [tilespmem:v52+s22+$0x0], $0xffff;
	_ =	sdelay $0x2  }
0x247: {  	v53 =	vor.u32 $0x74, v2;
	_ =	sdelay $0x1  }
0x248: {  	v4 =	vmul.f32 v4, v3;
	_ =	sdelay $0x1  }
0x249: {  	[tilespmem:v52+s22+$0x0] =	vst.idx.msk $0xffff, v4  }
0x24a: {  	v4 =	vld.idx.msk [tilespmem:v53+s22+$0x0], $0xffff;
	_ =	sdelay $0x2  }
0x24b: {  	v54 =	vor.u32 $0x75, v2;
	_ =	sdelay $0x1  }
0x24c: {  	v4 =	vmul.f32 v4, v3;
	_ =	sdelay $0x1  }
0x24d: {  	[tilespmem:v53+s22+$0x0] =	vst.idx.msk $0xffff, v4  }
0x24e: {  	v4 =	vld.idx.msk [tilespmem:v54+s22+$0x0], $0xffff;
	_ =	sdelay $0x2  }
0x24f: {  	v55 =	vor.u32 $0x76, v2;
	_ =	sdelay $0x1  }
0x250: {  	v4 =	vmul.f32 v4, v3;
	_ =	sdelay $0x1  }
0x251: {  	[tilespmem:v54+s22+$0x0] =	vst.idx.msk $0xffff, v4  }
0x252: {  	v4 =	vld.idx.msk [tilespmem:v55+s22+$0x0], $0xffff;
	_ =	sdelay $0x2  }
0x253: {  	v56 =	vor.u32 $0x77, v2;
	_ =	sdelay $0x1  }
0x254: {  	v4 =	vmul.f32 v4, v3;
	_ =	sdelay $0x1  }
0x255: {  	[tilespmem:v55+s22+$0x0] =	vst.idx.msk $0xffff, v4  }
0x256: {  	v4 =	vld.idx.msk [tilespmem:v56+s22+$0x0], $0xffff;
	_ =	sdelay $0x2  }
0x257: {  	v57 =	vor.u32 $0x78, v2;
	_ =	sdelay $0x1  }
0x258: {  	v4 =	vmul.f32 v4, v3;
	_ =	sdelay $0x1  }
0x259: {  	[tilespmem:v56+s22+$0x0] =	vst.idx.msk $0xffff, v4  }
0x25a: {  	v4 =	vld.idx.msk [tilespmem:v57+s22+$0x0], $0xffff;
	_ =	sdelay $0x2  }
0x25b: {  	v58 =	vor.u32 $0x79, v2;
	_ =	sdelay $0x1  }
0x25c: {  	v4 =	vmul.f32 v4, v3;
	_ =	sdelay $0x1  }
0x25d: {  	[tilespmem:v57+s22+$0x0] =	vst.idx.msk $0xffff, v4  }
0x25e: {  	v4 =	vld.idx.msk [tilespmem:v58+s22+$0x0], $0xffff;
	_ =	sdelay $0x2  }
0x25f: {  	v59 =	vor.u32 $0x7A, v2;
	_ =	sdelay $0x1  }
0x260: {  	v4 =	vmul.f32 v4, v3;
	_ =	sdelay $0x1  }
0x261: {  	[tilespmem:v58+s22+$0x0] =	vst.idx.msk $0xffff, v4  }
0x262: {  	v4 =	vld.idx.msk [tilespmem:v59+s22+$0x0], $0xffff;
	_ =	sdelay $0x2  }
0x263: {  	v60 =	vor.u32 $0x7B, v2;
	_ =	sdelay $0x1  }
0x264: {  	v4 =	vmul.f32 v4, v3;
	_ =	sdelay $0x1  }
0x265: {  	[tilespmem:v59+s22+$0x0] =	vst.idx.msk $0xffff, v4  }
0x266: {  	v4 =	vld.idx.msk [tilespmem:v60+s22+$0x0], $0xffff;
	_ =	sdelay $0x2  }
0x267: {  	v61 =	vor.u32 $0x7C, v2;
	_ =	sdelay $0x1  }
0x268: {  	v4 =	vmul.f32 v4, v3;
	_ =	sdelay $0x1  }
0x269: {  	[tilespmem:v60+s22+$0x0] =	vst.idx.msk $0xffff, v4  }
0x26a: {  	v4 =	vld.idx.msk [tilespmem:v61+s22+$0x0], $0xffff;
	_ =	sdelay $0x2  }
0x26b: {  	v62 =	vor.u32 $0x7D, v2;
	_ =	sdelay $0x1  }
0x26c: {  	v4 =	vmul.f32 v4, v3;
	_ =	sdelay $0x1  }
0x26d: {  	[tilespmem:v61+s22+$0x0] =	vst.idx.msk $0xffff, v4  }
0x26e: {  	v4 =	vld.idx.msk [tilespmem:v62+s22+$0x0], $0xffff;
	_ =	sdelay $0x2  }
0x26f: {  	v63 =	vor.u32 $0x7E, v2;
	_ =	sdelay $0x1  }
0x270: {  	v4 =	vmul.f32 v4, v3;
	_ =	sdelay $0x1  }
0x271: {  	[tilespmem:v62+s22+$0x0] =	vst.idx.msk $0xffff, v4  }
0x272: {  	v4 =	vld.idx.msk [tilespmem:v63+s22+$0x0], $0xffff;
	_ =	sdelay $0x2  }
0x273: {  	v2 =	vor.u32 $0x7F, v2;
	_ =	sdelay $0x1  }
0x274: {  	v4 =	vmul.f32 v4, v3;
	_ =	sdelay $0x1  }
0x275: {  	[tilespmem:v63+s22+$0x0] =	vst.idx.msk $0xffff, v4  }
0x276: {  	v4 =	vld.idx.msk [tilespmem:v2+s22+$0x0], $0xffff;
	_ =	sdelay $0x1  }
0x277: {  	p0 =	sne.s32 s4, $0x40  }
.Ltmp1:
0x278: {  	_ = 	snop;
	(pc) =	sbr.rel @p0 .LBB2_6-.Ltmp1, $4  }
0x279: {  	_ = 	snop  }
0x27a: {  	v3 =	vmul.f32 v4, v3  }
0x27b: {  	s31 =	sadd.s32 $0x10, s31  }
0x27c: {  	s5 =	sadd.s32 $0x10, s5;
	s8 =	sadd.s32 $0x10, s8;
	s4 =	sadd.s32 $0x10, s4;
	[tilespmem:v2+s22+$0x0] =	vst.idx.msk $0xffff, v3  }
0x27d: {  	s0 =	sadd.s32 $0x1, s0  }
0x27e: {  	p0 =	sne.s32 s0, $0x19  }
.Ltmp2:
0x27f: {  	_ = 	snop;
	(pc) =	sbr.rel @p0 .LBB2_5-.Ltmp2, $4  }
0x280: {  	[spmem:s3] =	stream.indirect.scatter.add.f32 [tilespmem:s22], [sflag:$0x2], $0x80, s26, s24, $0xb8;
	[tilespmem:$0x1A880] =	vst v63  }
0x281: {  	_ =	swait.ge [sflag:s21], $0x2800  }
0x282: {  	[sflag:s21] =	ssyncset.done $0x0  }
0x283: {  	s10 =	sadd.s32 $0x50, s10;
	[sflag:s21] =	ssyncadd.s32 $0xFFFFD800  }
0x284: {  	s30 =	sadd.s32 $0x1, s30  }
0x285: {  	p0 =	sne.s32 s30, $0x5  }
.Ltmp3:
0x286: {  	_ = 	snop;
	(pc) =	sbr.rel @p0 .LBB2_4-.Ltmp3, $1  }
0x287: {  	_ =	sdelay $0x3  }
0x288: {  	s0 =	stileid.u32;
	s28 =	sadd.s32 $0x1, s28  }
0x289: {  	[bflag:$0x0] =	sbarrier.arrive $0xFFFF;
	s0 =	sshll.u32 s0, $0x6;
	p0 =	sne.s32 s28, s18  }
.Ltmp4:
0x28a: {  	s4 =	sshrl.u32 s9, $0x3;
	s0 =	sor.u32 $0x1C02, s0;
	(pc) =	sbr.rel @p0 .LBB2_1-.Ltmp4, $4  }
0x28b: {  	[hbm:s19], [sflag:s0] =	dma.local [spmem:s4], $0x2800  }
0x28c: {  	_ =	swait.ge [sflag:s21], $0x2800  }
0x28d: {  	[sflag:s21] =	ssyncset.done $0x0  }
0x28e: {  	[sflag:s21] =	ssyncadd.s32 $0xFFFFD800  }
0x28f: {  	_ =	sfence.sel $0x180000  }
0x290: {  	[bflag:$0x0] =	sbarrier.arrive $0xFFFF  }
0x291: {  	_ =	strace $0x9000004A  }
0x292: {  	s0 =	stileid.u32;
	[bflag:$0x2] =	sbarrier.arrive $0xFFFF  }
0x293: {  	p0 =	sne.s32 s0, $0x0;
	s0 =	rddreg [dreg:$0x4]  }
0x294: {  	s0 =	sadd.s32 @!p0 $0x100000, s0  }
0x295: {  	[sflag:s0] =	ssyncadd.tile.s32 @!p0 $0x1;
	_ =	shalt  }
.Lfunc_end2:
_tile_overlayer_lowered:
.L_overlay_start_2:
0x296: {  	(tag) =	ssettag $0x2  }
0x297: {  	s0 =	rddreg [dreg:$0x0];
	s2 =	stileid.u32  }
0x298: {  	s1 =	rddreg [dreg:$0x1];
	p0 =	sne.s32 s2, $0x0  }
0x299: {  	s3 =	rddreg [dreg:$0x2];
	[bflag:$0x3] =	sbarrier.arrive $0xFFFF;
	s2 =	simm.s32 @!p0 $0x1C02  }
0x29a: {  	[timem:s3], [sflag:s2] =	dma.local @!p0 [hbm:s0], s1  }
0x29b: {  	s0 =	simm.s32 @!p0 $0x2  }
0x29c: {  	_ =	swait.ge @!p0 [sflag:s0], s1  }
0x29d: {  	s1 =	ssub.s32 @!p0 $0x0, s1;
	[sflag:s0] =	ssyncset.done @!p0 $0x0  }
0x29e: {  	[sflag:s0] =	ssyncadd.s32 @!p0 s1  }
0x29f: {  	[bflag:$0x3] =	sbarrier.arrive $0xFFFF  }
0x2a0: {  	_ =	shalt  }

</sc_bundles>
